<compile_context>
chip_gen: v7x
topology: tpu7x:2x2x1
jax: 0.10.2.dev20260603
libtpu: 0.0.44.dev20260713+nightly
codegen_flags: <defaults>
</compile_context>

<pallas_src>
import functools

import jax
import jax.numpy as jnp
from jax import lax
from jax.experimental import pallas as pl
from jax.experimental.pallas import tpu as pltpu
from jax.experimental.pallas import tpu_sc as plsc

N_NODES = 10000
N_EDGES = 320000

NC = 2
NS = 16
NW = NC * NS
EPT = N_EDGES // NW
K = 40
NCHUNK = EPT // K
NB = 5
NGRP = NCHUNK // NB
RSTEP = 624
RCOPY = 640

@functools.lru_cache(maxsize=None)
def _mesh():
    return plsc.VectorSubcoreMesh(core_axis_name="c", subcore_axis_name="s",
                                  num_cores=NC, num_subcores=NS)


@functools.lru_cache(maxsize=None)
def _make_agg(d, k=K, nchunk=NCHUNK, nb=NB):
    ngrp = nchunk // nb

    @functools.partial(
        pl.kernel,
        out_type=jax.ShapeDtypeStruct((NC, N_NODES, d), jnp.float32),
        mesh=_mesh(),
        compiler_params=pltpu.CompilerParams(use_tc_tiling_on_sc=False),
        scratch_types=[
            pltpu.VMEM((nchunk, k), jnp.int32),
            pltpu.VMEM((nchunk, k), jnp.int32),
            pltpu.VMEM_SHARED((N_NODES, d), jnp.float32),
        ]
        + [pltpu.VMEM((k, d), jnp.float32) for _ in range(nb)]
        + [pltpu.SemaphoreType.DMA for _ in range(nb)],
    )
    def agg(g_hbm, src_hbm, dst_hbm, out_hbm, src_v, dst_v, acc,
            *rest):
        rows = rest[:nb]
        gsem = rest[nb:]
        cid = lax.axis_index("c")
        sid = lax.axis_index("s")
        wid = cid * NS + sid

        zv = jnp.zeros((16,), jnp.float32)

        def zrow(r, _):
            for c in range(d // 16):
                rows[0][r, pl.ds(c * 16, 16)] = zv
            return ()

        lax.fori_loop(0, k, zrow, (), unroll=False)

        def zcp(t, _):
            pltpu.sync_copy(rows[0], acc.at[pl.ds(sid * RSTEP + t * k, k)])
            return ()

        lax.fori_loop(0, RCOPY // k, zcp, (), unroll=False)

        pltpu.sync_copy(src_hbm.at[wid], src_v)
        pltpu.sync_copy(dst_hbm.at[wid], dst_v)
        plsc.subcore_barrier()

        for b in range(nb):
            pltpu.async_copy(g_hbm.at[src_v.at[b]], rows[b], gsem[b])

        def group(grp, _):
            base = grp * nb
            for b in range(nb):
                j = base + b
                pltpu.make_async_copy(g_hbm.at[src_v.at[j]], rows[b],
                                      gsem[b]).wait()
                pltpu.sync_copy(rows[b], acc.at[dst_v.at[j]], add=True)

                @pl.when(grp + 1 < ngrp)
                def _():
                    pltpu.async_copy(g_hbm.at[src_v.at[j + nb]],
                                     rows[b], gsem[b])
            return ()

        lax.fori_loop(0, ngrp, group, (), unroll=False)

        plsc.subcore_barrier()
        pltpu.sync_copy(acc.at[pl.ds(sid * RSTEP, RCOPY)],
                        out_hbm.at[cid, pl.ds(sid * RSTEP, RCOPY)])

    return agg


DEGW = 16

@functools.lru_cache(maxsize=None)
def _make_deg():
    @functools.partial(
        pl.kernel,
        out_type=jax.ShapeDtypeStruct((NC, N_NODES, DEGW), jnp.float32),
        mesh=_mesh(),
        compiler_params=pltpu.CompilerParams(use_tc_tiling_on_sc=False),
        scratch_types=[
            pltpu.VMEM((NCHUNK, K), jnp.int32),
            pltpu.VMEM_SHARED((N_NODES, DEGW), jnp.float32),
            pltpu.VMEM((K, DEGW), jnp.float32),
            pltpu.SemaphoreType.DMA,
        ],
    )
    def deg_kernel(dst_hbm, zero_hbm, ones_hbm, out_hbm, dst_v, acc, ones_v,
                   sem):
        cid = lax.axis_index("c")
        sid = lax.axis_index("s")
        wid = cid * NS + sid

        pltpu.sync_copy(dst_hbm.at[wid], dst_v)
        pltpu.sync_copy(ones_hbm, ones_v)
        pltpu.sync_copy(zero_hbm, acc.at[pl.ds(sid * RSTEP, RCOPY)])
        plsc.subcore_barrier()

        def chunk(j, _):
            pltpu.async_copy(ones_v, acc.at[dst_v.at[j]], sem, add=True)
            return ()

        lax.fori_loop(0, NCHUNK, chunk, (), unroll=False)

        def drain(j, _):
            pltpu.make_async_copy(ones_v, acc.at[dst_v.at[j]], sem).wait()
            return ()

        lax.fori_loop(0, NCHUNK, drain, (), unroll=False)

        plsc.subcore_barrier()
        pltpu.sync_copy(acc.at[pl.ds(sid * RSTEP, RCOPY)],
                        out_hbm.at[cid, pl.ds(sid * RSTEP, RCOPY)])

    return deg_kernel


R = 2000
GRID = N_NODES // R


def _stage_a_body(x_ref, w_ref, degp_ref, g_ref, dis_ref):
    deg = 1.0 + degp_ref[0] + degp_ref[1]
    dis = lax.rsqrt(deg)
    g_ref[...] = dis * jnp.dot(x_ref[...], w_ref[...],
                               preferred_element_type=jnp.float32)
    dis_ref[...] = dis


def _stage_a(x, w1, degp):
    return pl.pallas_call(
        _stage_a_body,
        grid=(GRID,),
        in_specs=[
            pl.BlockSpec((R, 128), lambda i: (i, 0)),
            pl.BlockSpec((128, 128), lambda i: (0, 0)),
            pl.BlockSpec((2, R, 1), lambda i: (0, i, 0)),
        ],
        out_specs=[
            pl.BlockSpec((R, 128), lambda i: (i, 0)),
            pl.BlockSpec((R, 1), lambda i: (i, 0)),
        ],
        out_shape=[
            jax.ShapeDtypeStruct((N_NODES, 128), jnp.float32),
            jax.ShapeDtypeStruct((N_NODES, 1), jnp.float32),
        ],
    )(x, w1, degp)


def _stage_b_body(aggp_ref, gprev_ref, dis_ref, b_ref, w_ref, gnext_ref):
    dis = dis_ref[...]
    z = dis * (aggp_ref[0] + aggp_ref[1] + gprev_ref[...]) + b_ref[...]
    h = jnp.maximum(z, 0.0)
    gnext_ref[...] = dis * jnp.dot(h, w_ref[...],
                                   preferred_element_type=jnp.float32)


def _stage_b(aggp, gprev, dis, b, w):
    d, d2 = w.shape
    return pl.pallas_call(
        _stage_b_body,
        grid=(GRID,),
        in_specs=[
            pl.BlockSpec((2, R, d), lambda i: (0, i, 0)),
            pl.BlockSpec((R, d), lambda i: (i, 0)),
            pl.BlockSpec((R, 1), lambda i: (i, 0)),
            pl.BlockSpec((1, d), lambda i: (0, 0)),
            pl.BlockSpec((d, d2), lambda i: (0, 0)),
        ],
        out_specs=pl.BlockSpec((R, d2), lambda i: (i, 0)),
        out_shape=jax.ShapeDtypeStruct((N_NODES, d2), jnp.float32),
    )(aggp, gprev, dis, b.reshape(1, d), w)


def _stage_c_body(aggp_ref, g3_ref, dis_ref, b_ref, out_ref):
    out_ref[...] = (dis_ref[...] * (aggp_ref[0] + aggp_ref[1] + g3_ref[...])
                    + b_ref[...])


def _stage_c(aggp, g3, dis, b):
    d = g3.shape[1]
    return pl.pallas_call(
        _stage_c_body,
        grid=(GRID,),
        in_specs=[
            pl.BlockSpec((2, R, d), lambda i: (0, i, 0)),
            pl.BlockSpec((R, d), lambda i: (i, 0)),
            pl.BlockSpec((R, 1), lambda i: (i, 0)),
            pl.BlockSpec((1, d), lambda i: (0, 0)),
        ],
        out_specs=pl.BlockSpec((R, d), lambda i: (i, 0)),
        out_shape=jax.ShapeDtypeStruct((N_NODES, d), jnp.float32),
    )(aggp, g3, dis, b.reshape(1, d))


def kernel(x, edge_index, W1, b1, W2, b2, W3, b3):
    src = edge_index[0].astype(jnp.int32).reshape(NW, NCHUNK, K)
    dst = edge_index[1].astype(jnp.int32).reshape(NW, NCHUNK, K)
    src80 = edge_index[0].astype(jnp.int32).reshape(NW, 125, 80)
    dst80 = edge_index[1].astype(jnp.int32).reshape(NW, 125, 80)

    zero_deg = jnp.zeros((RCOPY, DEGW), jnp.float32)
    ones_deg = jnp.ones((K, DEGW), jnp.float32)

    degp = _make_deg()(dst, zero_deg, ones_deg)
    degp = degp[:, :, :1]

    agg128 = _make_agg(128)
    agg64 = _make_agg(64, k=80, nchunk=125, nb=5)

    g1, dis = _stage_a(x, W1, degp)
    aggp1 = agg128(g1, src, dst)
    g2 = _stage_b(aggp1, g1, dis, b1, W2)
    aggp2 = agg128(g2, src, dst)
    g3 = _stage_b(aggp2, g2, dis, b2, W3)
    aggp3 = agg64(g3, src80, dst80)
    return _stage_c(aggp3, g3, dis, b3)

# --- scband reference (transcript-rebuilt; emitter-appended) ---
"""Pipeline reference for scband-gcn-54065048323040 (READ-ONLY COPY).

The authoritative reference and input builder live on the scoring server;
editing this copy changes nothing except your own understanding.
"""

import jax, jax.numpy as jnp
import numpy as np

N_NODES = 10000
N_EDGES = 320000
D_IN = 128
D_HID = 128
D_OUT = 64


def gcn_conv(x, src, dst, norm, W, b, n_nodes):
    # linear transform then normalized scatter-add aggregation (PyG GCNConv semantics)
    h = x @ W
    msg = h[src] * norm[:, None]
    out = jax.ops.segment_sum(msg, dst, num_segments=n_nodes)
    return out + b


def setup_inputs(seed: int = 0) -> dict:
    key = jax.random.key(seed)
    ks = jax.random.split(key, 8)
    x = jax.random.normal(ks[0], (N_NODES, D_IN), dtype=jnp.float32)
    edge_index = jax.random.randint(ks[1], (2, N_EDGES), 0, N_NODES, dtype=jnp.int64)
    s1 = 1.0 / np.sqrt(D_IN)
    s2 = 1.0 / np.sqrt(D_HID)
    W1 = jax.random.uniform(ks[2], (D_IN, D_HID), jnp.float32, -s1, s1)
    b1 = jnp.zeros((D_HID,), jnp.float32)
    W2 = jax.random.uniform(ks[3], (D_HID, D_HID), jnp.float32, -s2, s2)
    b2 = jnp.zeros((D_HID,), jnp.float32)
    W3 = jax.random.uniform(ks[4], (D_HID, D_OUT), jnp.float32, -s2, s2)
    b3 = jnp.zeros((D_OUT,), jnp.float32)
    return {"x": x, "edge_index": edge_index, "W1": W1, "b1": b1, "W2": W2, "b2": b2, "W3": W3, "b3": b3}


def reference(x, edge_index, W1, b1, W2, b2, W3, b3):
    n = x.shape[0]
    # add self loops (GCNConv default)
    loop = jnp.arange(n, dtype=edge_index.dtype)
    src = jnp.concatenate([edge_index[0], loop])
    dst = jnp.concatenate([edge_index[1], loop])
    # symmetric normalization deg^-1/2 A_hat deg^-1/2
    deg = jax.ops.segment_sum(jnp.ones_like(dst, dtype=x.dtype), dst, num_segments=n)
    deg_inv_sqrt = jnp.where(deg > 0, jax.lax.rsqrt(jnp.maximum(deg, 1e-12)), 0.0)
    norm = deg_inv_sqrt[src] * deg_inv_sqrt[dst]
    h = jax.nn.relu(gcn_conv(x, src, dst, norm, W1, b1, n))
    # dropout p=0.0 / eval mode -> identity
    h = jax.nn.relu(gcn_conv(h, src, dst, norm, W2, b2, n))
    out = gcn_conv(h, src, dst, norm, W3, b3, n)
    return out

if __name__ == "__main__":
    import jax
    _d = setup_inputs()
    print(jax.jit(kernel)(*tuple(_d.values())))

</pallas_src>

<mosaic_0001>
#map = affine_map<(d0, d1) -> (0, 0, 0)>
#map1 = affine_map<(d0, d1) -> (0, 0)>
module attributes {stable_mosaic.version = 14 : i64} {
  func.func @deg_kernel(%arg0: i32, %arg1: i32, %arg2: memref<32x250x40xi32, #tpu.memory_space<hbm>>, %arg3: memref<640x16xf32, #tpu.memory_space<hbm>>, %arg4: memref<40x16xf32, #tpu.memory_space<hbm>>, %arg5: memref<2x10000x16xf32, #tpu.memory_space<hbm>>, %arg6: memref<250x40xi32, #tpu.memory_space<vmem>>, %arg7: memref<10000x16xf32, #tpu.memory_space<vmem_shared>>, %arg8: memref<40x16xf32, #tpu.memory_space<vmem>>, %arg9: memref<!tpu.dma_semaphore, #tpu.memory_space<semaphore_mem>>) attributes {dimension_semantics = [#tpu.dimension_semantics<core_parallel>, #tpu.dimension_semantics<subcore_parallel>], iteration_bounds = array<i64: 2, 16>, scalar_prefetch = 0 : i64, scratch_operands = 4 : i64, tpu.core_type = #tpu.core_type<sc_vector_subcore>, window_params = [{transform_indices = #map}, {transform_indices = #map1}, {transform_indices = #map1}, {transform_indices = #map}]} {
    %mul3A = arith.constant 16 : i32
    %mul3A_0 = arith.muli %arg0, %mul3A : i32
    %add3A = arith.addi %mul3A_0, %arg1 : i32
    "tpu.region"() ({
      %run_scoped3A = tpu.sem_alloc : memref<!tpu.dma_semaphore, #tpu.memory_space<semaphore_mem>>
      %dma_start3A = arith.constant 0 : i32
      %dma_start3A_17 = arith.constant 0 : i32
      %dma_start3A_18 = tpu.memref_slice %arg2[%add3A, %dma_start3A, %dma_start3A_17] : memref<32x250x40xi32, #tpu.memory_space<hbm>> -> memref<1x250x40xi32, #tpu.memory_space<hbm>>
      %dma_start3A_19 = tpu.memref_squeeze %dma_start3A_18 : memref<1x250x40xi32, #tpu.memory_space<hbm>> -> memref<250x40xi32, #tpu.memory_space<hbm>>
      %dma_start3A_20 = arith.constant 0 : i32
      %dma_start3A_21 = arith.constant 0 : i32
      %dma_start3A_22 = tpu.memref_slice %arg2[%add3A, %dma_start3A_20, %dma_start3A_21] : memref<32x250x40xi32, #tpu.memory_space<hbm>> -> memref<1x250x40xi32, #tpu.memory_space<hbm>>
      %dma_start3A_23 = tpu.memref_squeeze %dma_start3A_22 : memref<1x250x40xi32, #tpu.memory_space<hbm>> -> memref<250x40xi32, #tpu.memory_space<hbm>>
      tpu.enqueue_dma source(%dma_start3A_23 : memref<250x40xi32, #tpu.memory_space<hbm>>) target(%arg6 : memref<250x40xi32, #tpu.memory_space<vmem>>) target_semaphore(%run_scoped3A : memref<!tpu.dma_semaphore, #tpu.memory_space<semaphore_mem>>)
      %dma_wait3A = arith.constant 0 : i32
      %dma_wait3A_24 = arith.constant 0 : i32
      %dma_wait3A_25 = tpu.memref_slice %arg2[%add3A, %dma_wait3A, %dma_wait3A_24] : memref<32x250x40xi32, #tpu.memory_space<hbm>> -> memref<1x250x40xi32, #tpu.memory_space<hbm>>
      %dma_wait3A_26 = tpu.memref_squeeze %dma_wait3A_25 : memref<1x250x40xi32, #tpu.memory_space<hbm>> -> memref<250x40xi32, #tpu.memory_space<hbm>>
      %dma_wait3A_27 = arith.constant 0 : i32
      %dma_wait3A_28 = arith.constant 0 : i32
      %dma_wait3A_29 = tpu.memref_slice %arg2[%add3A, %dma_wait3A_27, %dma_wait3A_28] : memref<32x250x40xi32, #tpu.memory_space<hbm>> -> memref<1x250x40xi32, #tpu.memory_space<hbm>>
      %dma_wait3A_30 = tpu.memref_squeeze %dma_wait3A_29 : memref<1x250x40xi32, #tpu.memory_space<hbm>> -> memref<250x40xi32, #tpu.memory_space<hbm>>
      tpu.wait_dma2 semaphore(%run_scoped3A : memref<!tpu.dma_semaphore, #tpu.memory_space<semaphore_mem>>) src(%dma_wait3A_30 : memref<250x40xi32, #tpu.memory_space<hbm>>) dst(%arg6 : memref<250x40xi32, #tpu.memory_space<vmem>>)
      tpu.yield
    }) : () -> ()
    "tpu.region"() ({
      %run_scoped3A = tpu.sem_alloc : memref<!tpu.dma_semaphore, #tpu.memory_space<semaphore_mem>>
      tpu.enqueue_dma source(%arg4 : memref<40x16xf32, #tpu.memory_space<hbm>>) target(%arg8 : memref<40x16xf32, #tpu.memory_space<vmem>>) target_semaphore(%run_scoped3A : memref<!tpu.dma_semaphore, #tpu.memory_space<semaphore_mem>>)
      tpu.wait_dma2 semaphore(%run_scoped3A : memref<!tpu.dma_semaphore, #tpu.memory_space<semaphore_mem>>) src(%arg4 : memref<40x16xf32, #tpu.memory_space<hbm>>) dst(%arg8 : memref<40x16xf32, #tpu.memory_space<vmem>>)
      tpu.yield
    }) : () -> ()
    %mul3A_1 = arith.constant 624 : i32
    %mul3A_2 = arith.muli %arg1, %mul3A_1 : i32
    "tpu.region"() ({
      %run_scoped3A = tpu.sem_alloc : memref<!tpu.dma_semaphore, #tpu.memory_space<semaphore_mem>>
      %dma_start3A = arith.constant 0 : i32
      %dma_start3A_17 = tpu.memref_slice %arg7[%mul3A_2, %dma_start3A] : memref<10000x16xf32, #tpu.memory_space<vmem_shared>> -> memref<640x16xf32, #tpu.memory_space<vmem_shared>>
      tpu.enqueue_dma source(%arg3 : memref<640x16xf32, #tpu.memory_space<hbm>>) target(%dma_start3A_17 : memref<640x16xf32, #tpu.memory_space<vmem_shared>>) target_semaphore(%run_scoped3A : memref<!tpu.dma_semaphore, #tpu.memory_space<semaphore_mem>>)
      %dma_wait3A = arith.constant 0 : i32
      %dma_wait3A_18 = tpu.memref_slice %arg7[%mul3A_2, %dma_wait3A] : memref<10000x16xf32, #tpu.memory_space<vmem_shared>> -> memref<640x16xf32, #tpu.memory_space<vmem_shared>>
      tpu.wait_dma2 semaphore(%run_scoped3A : memref<!tpu.dma_semaphore, #tpu.memory_space<semaphore_mem>>) src(%arg3 : memref<640x16xf32, #tpu.memory_space<hbm>>) dst(%dma_wait3A_18 : memref<640x16xf32, #tpu.memory_space<vmem_shared>>)
      tpu.yield
    }) : () -> ()
    %barrier3A = arith.constant 0 : index
    tpu.barrier barrier_id(%barrier3A)
    %scan3A = arith.constant 0 : i32
    %scan3A_3 = arith.constant 250 : i32
    %scan3A_4 = arith.addi %scan3A, %scan3A_3 : i32
    %scan3A_5 = arith.constant 1 : i32
    scf.for %scan3A_17 = %scan3A to %scan3A_4 step %scan3A_5  : i32 {
      %dma_start3A = arith.constant 0 : i32
      %dma_start3A_18 = tpu.memref_slice %arg6[%scan3A_17, %dma_start3A] : memref<250x40xi32, #tpu.memory_space<vmem>> -> memref<1x40xi32, #tpu.memory_space<vmem>>
      %dma_start3A_19 = tpu.memref_squeeze %dma_start3A_18 : memref<1x40xi32, #tpu.memory_space<vmem>> -> memref<40xi32, #tpu.memory_space<vmem>>
      %dma_start3A_20 = arith.constant 0 : i32
      %dma_start3A_21 = arith.constant 0 : i32
      %dma_start3A_22 = tpu.memref_slice %arg7[%dma_start3A_20, %dma_start3A_21] : memref<10000x16xf32, #tpu.memory_space<vmem_shared>> -> memref<10000x16xf32, #tpu.memory_space<vmem_shared>>
      tpu.enqueue_indirect_dma source(%arg8 : memref<40x16xf32, #tpu.memory_space<vmem>>) target(%dma_start3A_22 : memref<10000x16xf32, #tpu.memory_space<vmem_shared>>) offsets(%dma_start3A_19 : memref<40xi32, #tpu.memory_space<vmem>>) semaphore(%arg9 : memref<!tpu.dma_semaphore, #tpu.memory_space<semaphore_mem>>) {add = true}
    }
    %scan3A_6 = arith.constant 250 : i32
    %scan3A_7 = arith.constant 0 : i32
    %scan3A_8 = arith.constant 250 : i32
    %scan3A_9 = arith.addi %scan3A_7, %scan3A_8 : i32
    %scan3A_10 = arith.constant 1 : i32
    scf.for %scan3A_17 = %scan3A_7 to %scan3A_9 step %scan3A_10  : i32 {
      %dma_wait3A = arith.constant 0 : i32
      %dma_wait3A_18 = tpu.memref_slice %arg6[%scan3A_17, %dma_wait3A] : memref<250x40xi32, #tpu.memory_space<vmem>> -> memref<1x40xi32, #tpu.memory_space<vmem>>
      %dma_wait3A_19 = tpu.memref_squeeze %dma_wait3A_18 : memref<1x40xi32, #tpu.memory_space<vmem>> -> memref<40xi32, #tpu.memory_space<vmem>>
      %dma_wait3A_20 = arith.constant 0 : i32
      %dma_wait3A_21 = arith.constant 0 : i32
      %dma_wait3A_22 = tpu.memref_slice %arg7[%dma_wait3A_20, %dma_wait3A_21] : memref<10000x16xf32, #tpu.memory_space<vmem_shared>> -> memref<10000x16xf32, #tpu.memory_space<vmem_shared>>
      tpu.wait_indirect_dma semaphore(%arg9 : memref<!tpu.dma_semaphore, #tpu.memory_space<semaphore_mem>>) src(%arg8 : memref<40x16xf32, #tpu.memory_space<vmem>>) dst(%dma_wait3A_22 : memref<10000x16xf32, #tpu.memory_space<vmem_shared>>)
    }
    %scan3A_11 = arith.constant 250 : i32
    %barrier3A_12 = arith.constant 0 : index
    tpu.barrier barrier_id(%barrier3A_12)
    %mul3A_13 = arith.constant 624 : i32
    %mul3A_14 = arith.muli %arg1, %mul3A_13 : i32
    %mul3A_15 = arith.constant 624 : i32
    %mul3A_16 = arith.muli %arg1, %mul3A_15 : i32
    "tpu.region"() ({
      %run_scoped3A = tpu.sem_alloc : memref<!tpu.dma_semaphore, #tpu.memory_space<semaphore_mem>>
      %dma_start3A = arith.constant 0 : i32
      %dma_start3A_17 = tpu.memref_slice %arg5[%arg0, %mul3A_16, %dma_start3A] : memref<2x10000x16xf32, #tpu.memory_space<hbm>> -> memref<1x640x16xf32, #tpu.memory_space<hbm>>
      %dma_start3A_18 = tpu.memref_squeeze %dma_start3A_17 : memref<1x640x16xf32, #tpu.memory_space<hbm>> -> memref<640x16xf32, #tpu.memory_space<hbm>>
      %dma_start3A_19 = arith.constant 0 : i32
      %dma_start3A_20 = tpu.memref_slice %arg7[%mul3A_14, %dma_start3A_19] : memref<10000x16xf32, #tpu.memory_space<vmem_shared>> -> memref<640x16xf32, #tpu.memory_space<vmem_shared>>
      tpu.enqueue_dma source(%dma_start3A_20 : memref<640x16xf32, #tpu.memory_space<vmem_shared>>) target(%dma_start3A_18 : memref<640x16xf32, #tpu.memory_space<hbm>>) target_semaphore(%run_scoped3A : memref<!tpu.dma_semaphore, #tpu.memory_space<semaphore_mem>>)
      %dma_wait3A = arith.constant 0 : i32
      %dma_wait3A_21 = tpu.memref_slice %arg5[%arg0, %mul3A_16, %dma_wait3A] : memref<2x10000x16xf32, #tpu.memory_space<hbm>> -> memref<1x640x16xf32, #tpu.memory_space<hbm>>
      %dma_wait3A_22 = tpu.memref_squeeze %dma_wait3A_21 : memref<1x640x16xf32, #tpu.memory_space<hbm>> -> memref<640x16xf32, #tpu.memory_space<hbm>>
      %dma_wait3A_23 = arith.constant 0 : i32
      %dma_wait3A_24 = tpu.memref_slice %arg7[%mul3A_14, %dma_wait3A_23] : memref<10000x16xf32, #tpu.memory_space<vmem_shared>> -> memref<640x16xf32, #tpu.memory_space<vmem_shared>>
      tpu.wait_dma2 semaphore(%run_scoped3A : memref<!tpu.dma_semaphore, #tpu.memory_space<semaphore_mem>>) src(%dma_wait3A_24 : memref<640x16xf32, #tpu.memory_space<vmem_shared>>) dst(%dma_wait3A_22 : memref<640x16xf32, #tpu.memory_space<hbm>>)
      tpu.yield
    }) : () -> ()
    return
  }
}

#map = affine_map<(d0, d1) -> (0, 0)>
#map1 = affine_map<(d0, d1) -> (0, 0, 0)>
module attributes {stable_mosaic.version = 14 : i64} {
  func.func @agg(%arg0: i32, %arg1: i32, %arg2: memref<10000x64xf32, #tpu.memory_space<hbm>>, %arg3: memref<32x125x80xi32, #tpu.memory_space<hbm>>, %arg4: memref<32x125x80xi32, #tpu.memory_space<hbm>>, %arg5: memref<2x10000x64xf32, #tpu.memory_space<hbm>>, %arg6: memref<125x80xi32, #tpu.memory_space<vmem>>, %arg7: memref<125x80xi32, #tpu.memory_space<vmem>>, %arg8: memref<10000x64xf32, #tpu.memory_space<vmem_shared>>, %arg9: memref<80x64xf32, #tpu.memory_space<vmem>>, %arg10: memref<80x64xf32, #tpu.memory_space<vmem>>, %arg11: memref<80x64xf32, #tpu.memory_space<vmem>>, %arg12: memref<80x64xf32, #tpu.memory_space<vmem>>, %arg13: memref<80x64xf32, #tpu.memory_space<vmem>>, %arg14: memref<!tpu.dma_semaphore, #tpu.memory_space<semaphore_mem>>, %arg15: memref<!tpu.dma_semaphore, #tpu.memory_space<semaphore_mem>>, %arg16: memref<!tpu.dma_semaphore, #tpu.memory_space<semaphore_mem>>, %arg17: memref<!tpu.dma_semaphore, #tpu.memory_space<semaphore_mem>>, %arg18: memref<!tpu.dma_semaphore, #tpu.memory_space<semaphore_mem>>) attributes {dimension_semantics = [#tpu.dimension_semantics<core_parallel>, #tpu.dimension_semantics<subcore_parallel>], iteration_bounds = array<i64: 2, 16>, scalar_prefetch = 0 : i64, scratch_operands = 13 : i64, tpu.core_type = #tpu.core_type<sc_vector_subcore>, window_params = [{transform_indices = #map}, {transform_indices = #map1}, {transform_indices = #map1}, {transform_indices = #map1}]} {
    %mul3A = arith.constant 16 : i32
    %mul3A_0 = arith.muli %arg0, %mul3A : i32
    %add3A = arith.addi %mul3A_0, %arg1 : i32
    %broadcast_in_dim3A = arith.constant 0.000000e+00 : f32
    %broadcast_in_dim3A_1 = vector.broadcast %broadcast_in_dim3A : f32 to vector<16xf32>
    %scan3A = arith.constant 0 : i32
    %scan3A_2 = arith.constant 80 : i32
    %scan3A_3 = arith.addi %scan3A, %scan3A_2 : i32
    %scan3A_4 = arith.constant 1 : i32
    scf.for %scan3A_55 = %scan3A to %scan3A_3 step %scan3A_4  : i32 {
      %swap3A = arith.index_cast %scan3A_55 : i32 to index
      %swap3A_56 = arith.constant 0 : index
      %swap3A_57 = tpu.vector_load %arg9[%swap3A, %swap3A_56] {strides = array<i32>} : memref<80x64xf32, #tpu.memory_space<vmem>>, vector<1x16xf32>,
      %swap3A_58 = vector.shape_cast %swap3A_57 : vector<1x16xf32> to vector<16xf32>
      %swap3A_59 = vector.shape_cast %broadcast_in_dim3A_1 : vector<16xf32> to vector<1x16xf32>
      tpu.vector_store %arg9[%swap3A, %swap3A_56], %swap3A_59 {strides = array<i32>} : memref<80x64xf32, #tpu.memory_space<vmem>>, vector<1x16xf32>,
      %swap3A_60 = arith.index_cast %scan3A_55 : i32 to index
      %swap3A_61 = arith.constant 16 : index
      %swap3A_62 = tpu.vector_load %arg9[%swap3A_60, %swap3A_61] {strides = array<i32>} : memref<80x64xf32, #tpu.memory_space<vmem>>, vector<1x16xf32>,
      %swap3A_63 = vector.shape_cast %swap3A_62 : vector<1x16xf32> to vector<16xf32>
      %swap3A_64 = vector.shape_cast %broadcast_in_dim3A_1 : vector<16xf32> to vector<1x16xf32>
      tpu.vector_store %arg9[%swap3A_60, %swap3A_61], %swap3A_64 {strides = array<i32>} : memref<80x64xf32, #tpu.memory_space<vmem>>, vector<1x16xf32>,
      %swap3A_65 = arith.index_cast %scan3A_55 : i32 to index
      %swap3A_66 = arith.constant 32 : index
      %swap3A_67 = tpu.vector_load %arg9[%swap3A_65, %swap3A_66] {strides = array<i32>} : memref<80x64xf32, #tpu.memory_space<vmem>>, vector<1x16xf32>,
      %swap3A_68 = vector.shape_cast %swap3A_67 : vector<1x16xf32> to vector<16xf32>
      %swap3A_69 = vector.shape_cast %broadcast_in_dim3A_1 : vector<16xf32> to vector<1x16xf32>
      tpu.vector_store %arg9[%swap3A_65, %swap3A_66], %swap3A_69 {strides = array<i32>} : memref<80x64xf32, #tpu.memory_space<vmem>>, vector<1x16xf32>,
      %swap3A_70 = arith.index_cast %scan3A_55 : i32 to index
      %swap3A_71 = arith.constant 48 : index
      %swap3A_72 = tpu.vector_load %arg9[%swap3A_70, %swap3A_71] {strides = array<i32>} : memref<80x64xf32, #tpu.memory_space<vmem>>, vector<1x16xf32>,
      %swap3A_73 = vector.shape_cast %swap3A_72 : vector<1x16xf32> to vector<16xf32>
      %swap3A_74 = vector.shape_cast %broadcast_in_dim3A_1 : vector<16xf32> to vector<1x16xf32>
      tpu.vector_store %arg9[%swap3A_70, %swap3A_71], %swap3A_74 {strides = array<i32>} : memref<80x64xf32, #tpu.memory_space<vmem>>, vector<1x16xf32>,
    }
    %scan3A_5 = arith.constant 80 : i32
    %scan3A_6 = arith.constant 0 : i32
    %scan3A_7 = arith.constant 8 : i32
    %scan3A_8 = arith.addi %scan3A_6, %scan3A_7 : i32
    %scan3A_9 = arith.constant 1 : i32
    scf.for %scan3A_55 = %scan3A_6 to %scan3A_8 step %scan3A_9  : i32 {
      %mul3A_56 = arith.constant 624 : i32
      %mul3A_57 = arith.muli %arg1, %mul3A_56 : i32
      %mul3A_58 = arith.constant 80 : i32
      %mul3A_59 = arith.muli %scan3A_55, %mul3A_58 : i32
      %add3A_60 = arith.addi %mul3A_57, %mul3A_59 : i32
      "tpu.region"() ({
        %run_scoped3A = tpu.sem_alloc : memref<!tpu.dma_semaphore, #tpu.memory_space<semaphore_mem>>
        %dma_start3A_61 = arith.constant 0 : i32
        %dma_start3A_62 = tpu.memref_slice %arg8[%add3A_60, %dma_start3A_61] : memref<10000x64xf32, #tpu.memory_space<vmem_shared>> -> memref<80x64xf32, #tpu.memory_space<vmem_shared>>
        %dma_start3A_63 = arith.constant 0 : i32
        %dma_start3A_64 = tpu.memref_slice %arg8[%add3A_60, %dma_start3A_63] : memref<10000x64xf32, #tpu.memory_space<vmem_shared>> -> memref<80x64xf32, #tpu.memory_space<vmem_shared>>
        tpu.enqueue_dma source(%arg9 : memref<80x64xf32, #tpu.memory_space<vmem>>) target(%dma_start3A_64 : memref<80x64xf32, #tpu.memory_space<vmem_shared>>) target_semaphore(%run_scoped3A : memref<!tpu.dma_semaphore, #tpu.memory_space<semaphore_mem>>)
        %dma_wait3A = arith.constant 0 : i32
        %dma_wait3A_65 = tpu.memref_slice %arg8[%add3A_60, %dma_wait3A] : memref<10000x64xf32, #tpu.memory_space<vmem_shared>> -> memref<80x64xf32, #tpu.memory_space<vmem_shared>>
        %dma_wait3A_66 = arith.constant 0 : i32
        %dma_wait3A_67 = tpu.memref_slice %arg8[%add3A_60, %dma_wait3A_66] : memref<10000x64xf32, #tpu.memory_space<vmem_shared>> -> memref<80x64xf32, #tpu.memory_space<vmem_shared>>
        tpu.wait_dma2 semaphore(%run_scoped3A : memref<!tpu.dma_semaphore, #tpu.memory_space<semaphore_mem>>) src(%arg9 : memref<80x64xf32, #tpu.memory_space<vmem>>) dst(%dma_wait3A_67 : memref<80x64xf32, #tpu.memory_space<vmem_shared>>)
        tpu.yield
      }) : () -> ()
    }
    %scan3A_10 = arith.constant 8 : i32
    "tpu.region"() ({
      %run_scoped3A = tpu.sem_alloc : memref<!tpu.dma_semaphore, #tpu.memory_space<semaphore_mem>>
      %dma_start3A_55 = arith.constant 0 : i32
      %dma_start3A_56 = arith.constant 0 : i32
      %dma_start3A_57 = tpu.memref_slice %arg3[%add3A, %dma_start3A_55, %dma_start3A_56] : memref<32x125x80xi32, #tpu.memory_space<hbm>> -> memref<1x125x80xi32, #tpu.memory_space<hbm>>
      %dma_start3A_58 = tpu.memref_squeeze %dma_start3A_57 : memref<1x125x80xi32, #tpu.memory_space<hbm>> -> memref<125x80xi32, #tpu.memory_space<hbm>>
      %dma_start3A_59 = arith.constant 0 : i32
      %dma_start3A_60 = arith.constant 0 : i32
      %dma_start3A_61 = tpu.memref_slice %arg3[%add3A, %dma_start3A_59, %dma_start3A_60] : memref<32x125x80xi32, #tpu.memory_space<hbm>> -> memref<1x125x80xi32, #tpu.memory_space<hbm>>
      %dma_start3A_62 = tpu.memref_squeeze %dma_start3A_61 : memref<1x125x80xi32, #tpu.memory_space<hbm>> -> memref<125x80xi32, #tpu.memory_space<hbm>>
      tpu.enqueue_dma source(%dma_start3A_62 : memref<125x80xi32, #tpu.memory_space<hbm>>) target(%arg6 : memref<125x80xi32, #tpu.memory_space<vmem>>) target_semaphore(%run_scoped3A : memref<!tpu.dma_semaphore, #tpu.memory_space<semaphore_mem>>)
      %dma_wait3A = arith.constant 0 : i32
      %dma_wait3A_63 = arith.constant 0 : i32
      %dma_wait3A_64 = tpu.memref_slice %arg3[%add3A, %dma_wait3A, %dma_wait3A_63] : memref<32x125x80xi32, #tpu.memory_space<hbm>> -> memref<1x125x80xi32, #tpu.memory_space<hbm>>
      %dma_wait3A_65 = tpu.memref_squeeze %dma_wait3A_64 : memref<1x125x80xi32, #tpu.memory_space<hbm>> -> memref<125x80xi32, #tpu.memory_space<hbm>>
      %dma_wait3A_66 = arith.constant 0 : i32
      %dma_wait3A_67 = arith.constant 0 : i32
      %dma_wait3A_68 = tpu.memref_slice %arg3[%add3A, %dma_wait3A_66, %dma_wait3A_67] : memref<32x125x80xi32, #tpu.memory_space<hbm>> -> memref<1x125x80xi32, #tpu.memory_space<hbm>>
      %dma_wait3A_69 = tpu.memref_squeeze %dma_wait3A_68 : memref<1x125x80xi32, #tpu.memory_space<hbm>> -> memref<125x80xi32, #tpu.memory_space<hbm>>
      tpu.wait_dma2 semaphore(%run_scoped3A : memref<!tpu.dma_semaphore, #tpu.memory_space<semaphore_mem>>) src(%dma_wait3A_69 : memref<125x80xi32, #tpu.memory_space<hbm>>) dst(%arg6 : memref<125x80xi32, #tpu.memory_space<vmem>>)
      tpu.yield
    }) : () -> ()
    "tpu.region"() ({
      %run_scoped3A = tpu.sem_alloc : memref<!tpu.dma_semaphore, #tpu.memory_space<semaphore_mem>>
      %dma_start3A_55 = arith.constant 0 : i32
      %dma_start3A_56 = arith.constant 0 : i32
      %dma_start3A_57 = tpu.memref_slice %arg4[%add3A, %dma_start3A_55, %dma_start3A_56] : memref<32x125x80xi32, #tpu.memory_space<hbm>> -> memref<1x125x80xi32, #tpu.memory_space<hbm>>
      %dma_start3A_58 = tpu.memref_squeeze %dma_start3A_57 : memref<1x125x80xi32, #tpu.memory_space<hbm>> -> memref<125x80xi32, #tpu.memory_space<hbm>>
      %dma_start3A_59 = arith.constant 0 : i32
      %dma_start3A_60 = arith.constant 0 : i32
      %dma_start3A_61 = tpu.memref_slice %arg4[%add3A, %dma_start3A_59, %dma_start3A_60] : memref<32x125x80xi32, #tpu.memory_space<hbm>> -> memref<1x125x80xi32, #tpu.memory_space<hbm>>
      %dma_start3A_62 = tpu.memref_squeeze %dma_start3A_61 : memref<1x125x80xi32, #tpu.memory_space<hbm>> -> memref<125x80xi32, #tpu.memory_space<hbm>>
      tpu.enqueue_dma source(%dma_start3A_62 : memref<125x80xi32, #tpu.memory_space<hbm>>) target(%arg7 : memref<125x80xi32, #tpu.memory_space<vmem>>) target_semaphore(%run_scoped3A : memref<!tpu.dma_semaphore, #tpu.memory_space<semaphore_mem>>)
      %dma_wait3A = arith.constant 0 : i32
      %dma_wait3A_63 = arith.constant 0 : i32
      %dma_wait3A_64 = tpu.memref_slice %arg4[%add3A, %dma_wait3A, %dma_wait3A_63] : memref<32x125x80xi32, #tpu.memory_space<hbm>> -> memref<1x125x80xi32, #tpu.memory_space<hbm>>
      %dma_wait3A_65 = tpu.memref_squeeze %dma_wait3A_64 : memref<1x125x80xi32, #tpu.memory_space<hbm>> -> memref<125x80xi32, #tpu.memory_space<hbm>>
      %dma_wait3A_66 = arith.constant 0 : i32
      %dma_wait3A_67 = arith.constant 0 : i32
      %dma_wait3A_68 = tpu.memref_slice %arg4[%add3A, %dma_wait3A_66, %dma_wait3A_67] : memref<32x125x80xi32, #tpu.memory_space<hbm>> -> memref<1x125x80xi32, #tpu.memory_space<hbm>>
      %dma_wait3A_69 = tpu.memref_squeeze %dma_wait3A_68 : memref<1x125x80xi32, #tpu.memory_space<hbm>> -> memref<125x80xi32, #tpu.memory_space<hbm>>
      tpu.wait_dma2 semaphore(%run_scoped3A : memref<!tpu.dma_semaphore, #tpu.memory_space<semaphore_mem>>) src(%dma_wait3A_69 : memref<125x80xi32, #tpu.memory_space<hbm>>) dst(%arg7 : memref<125x80xi32, #tpu.memory_space<vmem>>)
      tpu.yield
    }) : () -> ()
    %barrier3A = arith.constant 0 : index
    tpu.barrier barrier_id(%barrier3A)
    %dma_start3A = arith.constant 0 : i32
    %dma_start3A_11 = arith.constant 0 : i32
    %dma_start3A_12 = tpu.memref_slice %arg6[%dma_start3A, %dma_start3A_11] : memref<125x80xi32, #tpu.memory_space<vmem>> -> memref<1x80xi32, #tpu.memory_space<vmem>>
    %dma_start3A_13 = tpu.memref_squeeze %dma_start3A_12 : memref<1x80xi32, #tpu.memory_space<vmem>> -> memref<80xi32, #tpu.memory_space<vmem>>
    %dma_start3A_14 = arith.constant 0 : i32
    %dma_start3A_15 = arith.constant 0 : i32
    %dma_start3A_16 = tpu.memref_slice %arg2[%dma_start3A_14, %dma_start3A_15] : memref<10000x64xf32, #tpu.memory_space<hbm>> -> memref<10000x64xf32, #tpu.memory_space<hbm>>
    tpu.enqueue_indirect_dma source(%dma_start3A_16 : memref<10000x64xf32, #tpu.memory_space<hbm>>) target(%arg9 : memref<80x64xf32, #tpu.memory_space<vmem>>) offsets(%dma_start3A_13 : memref<80xi32, #tpu.memory_space<vmem>>) semaphore(%arg14 : memref<!tpu.dma_semaphore, #tpu.memory_space<semaphore_mem>>)
    %dma_start3A_17 = arith.constant 1 : i32
    %dma_start3A_18 = arith.constant 0 : i32
    %dma_start3A_19 = tpu.memref_slice %arg6[%dma_start3A_17, %dma_start3A_18] : memref<125x80xi32, #tpu.memory_space<vmem>> -> memref<1x80xi32, #tpu.memory_space<vmem>>
    %dma_start3A_20 = tpu.memref_squeeze %dma_start3A_19 : memref<1x80xi32, #tpu.memory_space<vmem>> -> memref<80xi32, #tpu.memory_space<vmem>>
    %dma_start3A_21 = arith.constant 0 : i32
    %dma_start3A_22 = arith.constant 0 : i32
    %dma_start3A_23 = tpu.memref_slice %arg2[%dma_start3A_21, %dma_start3A_22] : memref<10000x64xf32, #tpu.memory_space<hbm>> -> memref<10000x64xf32, #tpu.memory_space<hbm>>
    tpu.enqueue_indirect_dma source(%dma_start3A_23 : memref<10000x64xf32, #tpu.memory_space<hbm>>) target(%arg10 : memref<80x64xf32, #tpu.memory_space<vmem>>) offsets(%dma_start3A_20 : memref<80xi32, #tpu.memory_space<vmem>>) semaphore(%arg15 : memref<!tpu.dma_semaphore, #tpu.memory_space<semaphore_mem>>)
    %dma_start3A_24 = arith.constant 2 : i32
    %dma_start3A_25 = arith.constant 0 : i32
    %dma_start3A_26 = tpu.memref_slice %arg6[%dma_start3A_24, %dma_start3A_25] : memref<125x80xi32, #tpu.memory_space<vmem>> -> memref<1x80xi32, #tpu.memory_space<vmem>>
    %dma_start3A_27 = tpu.memref_squeeze %dma_start3A_26 : memref<1x80xi32, #tpu.memory_space<vmem>> -> memref<80xi32, #tpu.memory_space<vmem>>
    %dma_start3A_28 = arith.constant 0 : i32
    %dma_start3A_29 = arith.constant 0 : i32
    %dma_start3A_30 = tpu.memref_slice %arg2[%dma_start3A_28, %dma_start3A_29] : memref<10000x64xf32, #tpu.memory_space<hbm>> -> memref<10000x64xf32, #tpu.memory_space<hbm>>
    tpu.enqueue_indirect_dma source(%dma_start3A_30 : memref<10000x64xf32, #tpu.memory_space<hbm>>) target(%arg11 : memref<80x64xf32, #tpu.memory_space<vmem>>) offsets(%dma_start3A_27 : memref<80xi32, #tpu.memory_space<vmem>>) semaphore(%arg16 : memref<!tpu.dma_semaphore, #tpu.memory_space<semaphore_mem>>)
    %dma_start3A_31 = arith.constant 3 : i32
    %dma_start3A_32 = arith.constant 0 : i32
    %dma_start3A_33 = tpu.memref_slice %arg6[%dma_start3A_31, %dma_start3A_32] : memref<125x80xi32, #tpu.memory_space<vmem>> -> memref<1x80xi32, #tpu.memory_space<vmem>>
    %dma_start3A_34 = tpu.memref_squeeze %dma_start3A_33 : memref<1x80xi32, #tpu.memory_space<vmem>> -> memref<80xi32, #tpu.memory_space<vmem>>
    %dma_start3A_35 = arith.constant 0 : i32
    %dma_start3A_36 = arith.constant 0 : i32
    %dma_start3A_37 = tpu.memref_slice %arg2[%dma_start3A_35, %dma_start3A_36] : memref<10000x64xf32, #tpu.memory_space<hbm>> -> memref<10000x64xf32, #tpu.memory_space<hbm>>
    tpu.enqueue_indirect_dma source(%dma_start3A_37 : memref<10000x64xf32, #tpu.memory_space<hbm>>) target(%arg12 : memref<80x64xf32, #tpu.memory_space<vmem>>) offsets(%dma_start3A_34 : memref<80xi32, #tpu.memory_space<vmem>>) semaphore(%arg17 : memref<!tpu.dma_semaphore, #tpu.memory_space<semaphore_mem>>)
    %dma_start3A_38 = arith.constant 4 : i32
    %dma_start3A_39 = arith.constant 0 : i32
    %dma_start3A_40 = tpu.memref_slice %arg6[%dma_start3A_38, %dma_start3A_39] : memref<125x80xi32, #tpu.memory_space<vmem>> -> memref<1x80xi32, #tpu.memory_space<vmem>>
    %dma_start3A_41 = tpu.memref_squeeze %dma_start3A_40 : memref<1x80xi32, #tpu.memory_space<vmem>> -> memref<80xi32, #tpu.memory_space<vmem>>
    %dma_start3A_42 = arith.constant 0 : i32
    %dma_start3A_43 = arith.constant 0 : i32
    %dma_start3A_44 = tpu.memref_slice %arg2[%dma_start3A_42, %dma_start3A_43] : memref<10000x64xf32, #tpu.memory_space<hbm>> -> memref<10000x64xf32, #tpu.memory_space<hbm>>
    tpu.enqueue_indirect_dma source(%dma_start3A_44 : memref<10000x64xf32, #tpu.memory_space<hbm>>) target(%arg13 : memref<80x64xf32, #tpu.memory_space<vmem>>) offsets(%dma_start3A_41 : memref<80xi32, #tpu.memory_space<vmem>>) semaphore(%arg18 : memref<!tpu.dma_semaphore, #tpu.memory_space<semaphore_mem>>)
    %scan3A_45 = arith.constant 0 : i32
    %scan3A_46 = arith.constant 25 : i32
    %scan3A_47 = arith.addi %scan3A_45, %scan3A_46 : i32
    %scan3A_48 = arith.constant 1 : i32
    scf.for %scan3A_55 = %scan3A_45 to %scan3A_47 step %scan3A_48  : i32 {
      %mul3A_56 = arith.constant 5 : i32
      %mul3A_57 = arith.muli %scan3A_55, %mul3A_56 : i32
      %add3A_58 = arith.constant 0 : i32
      %add3A_59 = arith.addi %mul3A_57, %add3A_58 : i32
      %dma_wait3A = arith.constant 0 : i32
      %dma_wait3A_60 = tpu.memref_slice %arg6[%add3A_59, %dma_wait3A] : memref<125x80xi32, #tpu.memory_space<vmem>> -> memref<1x80xi32, #tpu.memory_space<vmem>>
      %dma_wait3A_61 = tpu.memref_squeeze %dma_wait3A_60 : memref<1x80xi32, #tpu.memory_space<vmem>> -> memref<80xi32, #tpu.memory_space<vmem>>
      %dma_wait3A_62 = arith.constant 0 : i32
      %dma_wait3A_63 = arith.constant 0 : i32
      %dma_wait3A_64 = tpu.memref_slice %arg2[%dma_wait3A_62, %dma_wait3A_63] : memref<10000x64xf32, #tpu.memory_space<hbm>> -> memref<10000x64xf32, #tpu.memory_space<hbm>>
      tpu.wait_indirect_dma semaphore(%arg14 : memref<!tpu.dma_semaphore, #tpu.memory_space<semaphore_mem>>) src(%dma_wait3A_64 : memref<10000x64xf32, #tpu.memory_space<hbm>>) dst(%arg9 : memref<80x64xf32, #tpu.memory_space<vmem>>)
      "tpu.region"() ({
        %run_scoped3A = tpu.sem_alloc : memref<!tpu.dma_semaphore, #tpu.memory_space<semaphore_mem>>
        %dma_start3A_129 = arith.constant 0 : i32
        %dma_start3A_130 = tpu.memref_slice %arg7[%add3A_59, %dma_start3A_129] : memref<125x80xi32, #tpu.memory_space<vmem>> -> memref<1x80xi32, #tpu.memory_space<vmem>>
        %dma_start3A_131 = tpu.memref_squeeze %dma_start3A_130 : memref<1x80xi32, #tpu.memory_space<vmem>> -> memref<80xi32, #tpu.memory_space<vmem>>
        %dma_start3A_132 = arith.constant 0 : i32
        %dma_start3A_133 = arith.constant 0 : i32
        %dma_start3A_134 = tpu.memref_slice %arg8[%dma_start3A_132, %dma_start3A_133] : memref<10000x64xf32, #tpu.memory_space<vmem_shared>> -> memref<10000x64xf32, #tpu.memory_space<vmem_shared>>
        tpu.enqueue_indirect_dma source(%arg9 : memref<80x64xf32, #tpu.memory_space<vmem>>) target(%dma_start3A_134 : memref<10000x64xf32, #tpu.memory_space<vmem_shared>>) offsets(%dma_start3A_131 : memref<80xi32, #tpu.memory_space<vmem>>) semaphore(%run_scoped3A : memref<!tpu.dma_semaphore, #tpu.memory_space<semaphore_mem>>) {add = true}
        %dma_wait3A_135 = arith.constant 0 : i32
        %dma_wait3A_136 = tpu.memref_slice %arg7[%add3A_59, %dma_wait3A_135] : memref<125x80xi32, #tpu.memory_space<vmem>> -> memref<1x80xi32, #tpu.memory_space<vmem>>
        %dma_wait3A_137 = tpu.memref_squeeze %dma_wait3A_136 : memref<1x80xi32, #tpu.memory_space<vmem>> -> memref<80xi32, #tpu.memory_space<vmem>>
        %dma_wait3A_138 = arith.constant 0 : i32
        %dma_wait3A_139 = arith.constant 0 : i32
        %dma_wait3A_140 = tpu.memref_slice %arg8[%dma_wait3A_138, %dma_wait3A_139] : memref<10000x64xf32, #tpu.memory_space<vmem_shared>> -> memref<10000x64xf32, #tpu.memory_space<vmem_shared>>
        tpu.wait_indirect_dma semaphore(%run_scoped3A : memref<!tpu.dma_semaphore, #tpu.memory_space<semaphore_mem>>) src(%arg9 : memref<80x64xf32, #tpu.memory_space<vmem>>) dst(%dma_wait3A_140 : memref<10000x64xf32, #tpu.memory_space<vmem_shared>>)
        tpu.yield
      }) : () -> ()
      %add3A_65 = arith.constant 1 : i32
      %add3A_66 = arith.addi %scan3A_55, %add3A_65 : i32
      %lt3A = arith.constant 25 : i32
      %lt3A_67 = arith.cmpi slt, %add3A_66, %lt3A : i32
      %convert_element_type3A = arith.extui %lt3A_67 : i1 to i32
      %cond3A = arith.constant 0 : i32
      %cond3A_68 = arith.cmpi ne, %convert_element_type3A, %cond3A : i32
      scf.if %cond3A_68 {
        %add3A_129 = arith.constant 5 : i32
        %add3A_130 = arith.addi %add3A_59, %add3A_129 : i32
        %dma_start3A_131 = arith.constant 0 : i32
        %dma_start3A_132 = tpu.memref_slice %arg6[%add3A_130, %dma_start3A_131] : memref<125x80xi32, #tpu.memory_space<vmem>> -> memref<1x80xi32, #tpu.memory_space<vmem>>
        %dma_start3A_133 = tpu.memref_squeeze %dma_start3A_132 : memref<1x80xi32, #tpu.memory_space<vmem>> -> memref<80xi32, #tpu.memory_space<vmem>>
        %dma_start3A_134 = arith.constant 0 : i32
        %dma_start3A_135 = arith.constant 0 : i32
        %dma_start3A_136 = tpu.memref_slice %arg2[%dma_start3A_134, %dma_start3A_135] : memref<10000x64xf32, #tpu.memory_space<hbm>> -> memref<10000x64xf32, #tpu.memory_space<hbm>>
        tpu.enqueue_indirect_dma source(%dma_start3A_136 : memref<10000x64xf32, #tpu.memory_space<hbm>>) target(%arg9 : memref<80x64xf32, #tpu.memory_space<vmem>>) offsets(%dma_start3A_133 : memref<80xi32, #tpu.memory_space<vmem>>) semaphore(%arg14 : memref<!tpu.dma_semaphore, #tpu.memory_space<semaphore_mem>>)
      } else {
      }
      %add3A_69 = arith.constant 1 : i32
      %add3A_70 = arith.addi %mul3A_57, %add3A_69 : i32
      %dma_wait3A_71 = arith.constant 0 : i32
      %dma_wait3A_72 = tpu.memref_slice %arg6[%add3A_70, %dma_wait3A_71] : memref<125x80xi32, #tpu.memory_space<vmem>> -> memref<1x80xi32, #tpu.memory_space<vmem>>
      %dma_wait3A_73 = tpu.memref_squeeze %dma_wait3A_72 : memref<1x80xi32, #tpu.memory_space<vmem>> -> memref<80xi32, #tpu.memory_space<vmem>>
      %dma_wait3A_74 = arith.constant 0 : i32
      %dma_wait3A_75 = arith.constant 0 : i32
      %dma_wait3A_76 = tpu.memref_slice %arg2[%dma_wait3A_74, %dma_wait3A_75] : memref<10000x64xf32, #tpu.memory_space<hbm>> -> memref<10000x64xf32, #tpu.memory_space<hbm>>
      tpu.wait_indirect_dma semaphore(%arg15 : memref<!tpu.dma_semaphore, #tpu.memory_space<semaphore_mem>>) src(%dma_wait3A_76 : memref<10000x64xf32, #tpu.memory_space<hbm>>) dst(%arg10 : memref<80x64xf32, #tpu.memory_space<vmem>>)
      "tpu.region"() ({
        %run_scoped3A = tpu.sem_alloc : memref<!tpu.dma_semaphore, #tpu.memory_space<semaphore_mem>>
        %dma_start3A_129 = arith.constant 0 : i32
        %dma_start3A_130 = tpu.memref_slice %arg7[%add3A_70, %dma_start3A_129] : memref<125x80xi32, #tpu.memory_space<vmem>> -> memref<1x80xi32, #tpu.memory_space<vmem>>
        %dma_start3A_131 = tpu.memref_squeeze %dma_start3A_130 : memref<1x80xi32, #tpu.memory_space<vmem>> -> memref<80xi32, #tpu.memory_space<vmem>>
        %dma_start3A_132 = arith.constant 0 : i32
        %dma_start3A_133 = arith.constant 0 : i32
        %dma_start3A_134 = tpu.memref_slice %arg8[%dma_start3A_132, %dma_start3A_133] : memref<10000x64xf32, #tpu.memory_space<vmem_shared>> -> memref<10000x64xf32, #tpu.memory_space<vmem_shared>>
        tpu.enqueue_indirect_dma source(%arg10 : memref<80x64xf32, #tpu.memory_space<vmem>>) target(%dma_start3A_134 : memref<10000x64xf32, #tpu.memory_space<vmem_shared>>) offsets(%dma_start3A_131 : memref<80xi32, #tpu.memory_space<vmem>>) semaphore(%run_scoped3A : memref<!tpu.dma_semaphore, #tpu.memory_space<semaphore_mem>>) {add = true}
        %dma_wait3A_135 = arith.constant 0 : i32
        %dma_wait3A_136 = tpu.memref_slice %arg7[%add3A_70, %dma_wait3A_135] : memref<125x80xi32, #tpu.memory_space<vmem>> -> memref<1x80xi32, #tpu.memory_space<vmem>>
        %dma_wait3A_137 = tpu.memref_squeeze %dma_wait3A_136 : memref<1x80xi32, #tpu.memory_space<vmem>> -> memref<80xi32, #tpu.memory_space<vmem>>
        %dma_wait3A_138 = arith.constant 0 : i32
        %dma_wait3A_139 = arith.constant 0 : i32
        %dma_wait3A_140 = tpu.memref_slice %arg8[%dma_wait3A_138, %dma_wait3A_139] : memref<10000x64xf32, #tpu.memory_space<vmem_shared>> -> memref<10000x64xf32, #tpu.memory_space<vmem_shared>>
        tpu.wait_indirect_dma semaphore(%run_scoped3A : memref<!tpu.dma_semaphore, #tpu.memory_space<semaphore_mem>>) src(%arg10 : memref<80x64xf32, #tpu.memory_space<vmem>>) dst(%dma_wait3A_140 : memref<10000x64xf32, #tpu.memory_space<vmem_shared>>)
        tpu.yield
      }) : () -> ()
      %add3A_77 = arith.constant 1 : i32
      %add3A_78 = arith.addi %scan3A_55, %add3A_77 : i32
      %lt3A_79 = arith.constant 25 : i32
      %lt3A_80 = arith.cmpi slt, %add3A_78, %lt3A_79 : i32
      %convert_element_type3A_81 = arith.extui %lt3A_80 : i1 to i32
      %cond3A_82 = arith.constant 0 : i32
      %cond3A_83 = arith.cmpi ne, %convert_element_type3A_81, %cond3A_82 : i32
      scf.if %cond3A_83 {
        %add3A_129 = arith.constant 5 : i32
        %add3A_130 = arith.addi %add3A_70, %add3A_129 : i32
        %dma_start3A_131 = arith.constant 0 : i32
        %dma_start3A_132 = tpu.memref_slice %arg6[%add3A_130, %dma_start3A_131] : memref<125x80xi32, #tpu.memory_space<vmem>> -> memref<1x80xi32, #tpu.memory_space<vmem>>
        %dma_start3A_133 = tpu.memref_squeeze %dma_start3A_132 : memref<1x80xi32, #tpu.memory_space<vmem>> -> memref<80xi32, #tpu.memory_space<vmem>>
        %dma_start3A_134 = arith.constant 0 : i32
        %dma_start3A_135 = arith.constant 0 : i32
        %dma_start3A_136 = tpu.memref_slice %arg2[%dma_start3A_134, %dma_start3A_135] : memref<10000x64xf32, #tpu.memory_space<hbm>> -> memref<10000x64xf32, #tpu.memory_space<hbm>>
        tpu.enqueue_indirect_dma source(%dma_start3A_136 : memref<10000x64xf32, #tpu.memory_space<hbm>>) target(%arg10 : memref<80x64xf32, #tpu.memory_space<vmem>>) offsets(%dma_start3A_133 : memref<80xi32, #tpu.memory_space<vmem>>) semaphore(%arg15 : memref<!tpu.dma_semaphore, #tpu.memory_space<semaphore_mem>>)
      } else {
      }
      %add3A_84 = arith.constant 2 : i32
      %add3A_85 = arith.addi %mul3A_57, %add3A_84 : i32
      %dma_wait3A_86 = arith.constant 0 : i32
      %dma_wait3A_87 = tpu.memref_slice %arg6[%add3A_85, %dma_wait3A_86] : memref<125x80xi32, #tpu.memory_space<vmem>> -> memref<1x80xi32, #tpu.memory_space<vmem>>
      %dma_wait3A_88 = tpu.memref_squeeze %dma_wait3A_87 : memref<1x80xi32, #tpu.memory_space<vmem>> -> memref<80xi32, #tpu.memory_space<vmem>>
      %dma_wait3A_89 = arith.constant 0 : i32
      %dma_wait3A_90 = arith.constant 0 : i32
      %dma_wait3A_91 = tpu.memref_slice %arg2[%dma_wait3A_89, %dma_wait3A_90] : memref<10000x64xf32, #tpu.memory_space<hbm>> -> memref<10000x64xf32, #tpu.memory_space<hbm>>
      tpu.wait_indirect_dma semaphore(%arg16 : memref<!tpu.dma_semaphore, #tpu.memory_space<semaphore_mem>>) src(%dma_wait3A_91 : memref<10000x64xf32, #tpu.memory_space<hbm>>) dst(%arg11 : memref<80x64xf32, #tpu.memory_space<vmem>>)
      "tpu.region"() ({
        %run_scoped3A = tpu.sem_alloc : memref<!tpu.dma_semaphore, #tpu.memory_space<semaphore_mem>>
        %dma_start3A_129 = arith.constant 0 : i32
        %dma_start3A_130 = tpu.memref_slice %arg7[%add3A_85, %dma_start3A_129] : memref<125x80xi32, #tpu.memory_space<vmem>> -> memref<1x80xi32, #tpu.memory_space<vmem>>
        %dma_start3A_131 = tpu.memref_squeeze %dma_start3A_130 : memref<1x80xi32, #tpu.memory_space<vmem>> -> memref<80xi32, #tpu.memory_space<vmem>>
        %dma_start3A_132 = arith.constant 0 : i32
        %dma_start3A_133 = arith.constant 0 : i32
        %dma_start3A_134 = tpu.memref_slice %arg8[%dma_start3A_132, %dma_start3A_133] : memref<10000x64xf32, #tpu.memory_space<vmem_shared>> -> memref<10000x64xf32, #tpu.memory_space<vmem_shared>>
        tpu.enqueue_indirect_dma source(%arg11 : memref<80x64xf32, #tpu.memory_space<vmem>>) target(%dma_start3A_134 : memref<10000x64xf32, #tpu.memory_space<vmem_shared>>) offsets(%dma_start3A_131 : memref<80xi32, #tpu.memory_space<vmem>>) semaphore(%run_scoped3A : memref<!tpu.dma_semaphore, #tpu.memory_space<semaphore_mem>>) {add = true}
        %dma_wait3A_135 = arith.constant 0 : i32
        %dma_wait3A_136 = tpu.memref_slice %arg7[%add3A_85, %dma_wait3A_135] : memref<125x80xi32, #tpu.memory_space<vmem>> -> memref<1x80xi32, #tpu.memory_space<vmem>>
        %dma_wait3A_137 = tpu.memref_squeeze %dma_wait3A_136 : memref<1x80xi32, #tpu.memory_space<vmem>> -> memref<80xi32, #tpu.memory_space<vmem>>
        %dma_wait3A_138 = arith.constant 0 : i32
        %dma_wait3A_139 = arith.constant 0 : i32
        %dma_wait3A_140 = tpu.memref_slice %arg8[%dma_wait3A_138, %dma_wait3A_139] : memref<10000x64xf32, #tpu.memory_space<vmem_shared>> -> memref<10000x64xf32, #tpu.memory_space<vmem_shared>>
        tpu.wait_indirect_dma semaphore(%run_scoped3A : memref<!tpu.dma_semaphore, #tpu.memory_space<semaphore_mem>>) src(%arg11 : memref<80x64xf32, #tpu.memory_space<vmem>>) dst(%dma_wait3A_140 : memref<10000x64xf32, #tpu.memory_space<vmem_shared>>)
        tpu.yield
      }) : () -> ()
      %add3A_92 = arith.constant 1 : i32
      %add3A_93 = arith.addi %scan3A_55, %add3A_92 : i32
      %lt3A_94 = arith.constant 25 : i32
      %lt3A_95 = arith.cmpi slt, %add3A_93, %lt3A_94 : i32
      %convert_element_type3A_96 = arith.extui %lt3A_95 : i1 to i32
      %cond3A_97 = arith.constant 0 : i32
      %cond3A_98 = arith.cmpi ne, %convert_element_type3A_96, %cond3A_97 : i32
      scf.if %cond3A_98 {
        %add3A_129 = arith.constant 5 : i32
        %add3A_130 = arith.addi %add3A_85, %add3A_129 : i32
        %dma_start3A_131 = arith.constant 0 : i32
        %dma_start3A_132 = tpu.memref_slice %arg6[%add3A_130, %dma_start3A_131] : memref<125x80xi32, #tpu.memory_space<vmem>> -> memref<1x80xi32, #tpu.memory_space<vmem>>
        %dma_start3A_133 = tpu.memref_squeeze %dma_start3A_132 : memref<1x80xi32, #tpu.memory_space<vmem>> -> memref<80xi32, #tpu.memory_space<vmem>>
        %dma_start3A_134 = arith.constant 0 : i32
        %dma_start3A_135 = arith.constant 0 : i32
        %dma_start3A_136 = tpu.memref_slice %arg2[%dma_start3A_134, %dma_start3A_135] : memref<10000x64xf32, #tpu.memory_space<hbm>> -> memref<10000x64xf32, #tpu.memory_space<hbm>>
        tpu.enqueue_indirect_dma source(%dma_start3A_136 : memref<10000x64xf32, #tpu.memory_space<hbm>>) target(%arg11 : memref<80x64xf32, #tpu.memory_space<vmem>>) offsets(%dma_start3A_133 : memref<80xi32, #tpu.memory_space<vmem>>) semaphore(%arg16 : memref<!tpu.dma_semaphore, #tpu.memory_space<semaphore_mem>>)
      } else {
      }
      %add3A_99 = arith.constant 3 : i32
      %add3A_100 = arith.addi %mul3A_57, %add3A_99 : i32
      %dma_wait3A_101 = arith.constant 0 : i32
      %dma_wait3A_102 = tpu.memref_slice %arg6[%add3A_100, %dma_wait3A_101] : memref<125x80xi32, #tpu.memory_space<vmem>> -> memref<1x80xi32, #tpu.memory_space<vmem>>
      %dma_wait3A_103 = tpu.memref_squeeze %dma_wait3A_102 : memref<1x80xi32, #tpu.memory_space<vmem>> -> memref<80xi32, #tpu.memory_space<vmem>>
      %dma_wait3A_104 = arith.constant 0 : i32
      %dma_wait3A_105 = arith.constant 0 : i32
      %dma_wait3A_106 = tpu.memref_slice %arg2[%dma_wait3A_104, %dma_wait3A_105] : memref<10000x64xf32, #tpu.memory_space<hbm>> -> memref<10000x64xf32, #tpu.memory_space<hbm>>
      tpu.wait_indirect_dma semaphore(%arg17 : memref<!tpu.dma_semaphore, #tpu.memory_space<semaphore_mem>>) src(%dma_wait3A_106 : memref<10000x64xf32, #tpu.memory_space<hbm>>) dst(%arg12 : memref<80x64xf32, #tpu.memory_space<vmem>>)
      "tpu.region"() ({
        %run_scoped3A = tpu.sem_alloc : memref<!tpu.dma_semaphore, #tpu.memory_space<semaphore_mem>>
        %dma_start3A_129 = arith.constant 0 : i32
        %dma_start3A_130 = tpu.memref_slice %arg7[%add3A_100, %dma_start3A_129] : memref<125x80xi32, #tpu.memory_space<vmem>> -> memref<1x80xi32, #tpu.memory_space<vmem>>
        %dma_start3A_131 = tpu.memref_squeeze %dma_start3A_130 : memref<1x80xi32, #tpu.memory_space<vmem>> -> memref<80xi32, #tpu.memory_space<vmem>>
        %dma_start3A_132 = arith.constant 0 : i32
        %dma_start3A_133 = arith.constant 0 : i32
        %dma_start3A_134 = tpu.memref_slice %arg8[%dma_start3A_132, %dma_start3A_133] : memref<10000x64xf32, #tpu.memory_space<vmem_shared>> -> memref<10000x64xf32, #tpu.memory_space<vmem_shared>>
        tpu.enqueue_indirect_dma source(%arg12 : memref<80x64xf32, #tpu.memory_space<vmem>>) target(%dma_start3A_134 : memref<10000x64xf32, #tpu.memory_space<vmem_shared>>) offsets(%dma_start3A_131 : memref<80xi32, #tpu.memory_space<vmem>>) semaphore(%run_scoped3A : memref<!tpu.dma_semaphore, #tpu.memory_space<semaphore_mem>>) {add = true}
        %dma_wait3A_135 = arith.constant 0 : i32
        %dma_wait3A_136 = tpu.memref_slice %arg7[%add3A_100, %dma_wait3A_135] : memref<125x80xi32, #tpu.memory_space<vmem>> -> memref<1x80xi32, #tpu.memory_space<vmem>>
        %dma_wait3A_137 = tpu.memref_squeeze %dma_wait3A_136 : memref<1x80xi32, #tpu.memory_space<vmem>> -> memref<80xi32, #tpu.memory_space<vmem>>
        %dma_wait3A_138 = arith.constant 0 : i32
        %dma_wait3A_139 = arith.constant 0 : i32
        %dma_wait3A_140 = tpu.memref_slice %arg8[%dma_wait3A_138, %dma_wait3A_139] : memref<10000x64xf32, #tpu.memory_space<vmem_shared>> -> memref<10000x64xf32, #tpu.memory_space<vmem_shared>>
        tpu.wait_indirect_dma semaphore(%run_scoped3A : memref<!tpu.dma_semaphore, #tpu.memory_space<semaphore_mem>>) src(%arg12 : memref<80x64xf32, #tpu.memory_space<vmem>>) dst(%dma_wait3A_140 : memref<10000x64xf32, #tpu.memory_space<vmem_shared>>)
        tpu.yield
      }) : () -> ()
      %add3A_107 = arith.constant 1 : i32
      %add3A_108 = arith.addi %scan3A_55, %add3A_107 : i32
      %lt3A_109 = arith.constant 25 : i32
      %lt3A_110 = arith.cmpi slt, %add3A_108, %lt3A_109 : i32
      %convert_element_type3A_111 = arith.extui %lt3A_110 : i1 to i32
      %cond3A_112 = arith.constant 0 : i32
      %cond3A_113 = arith.cmpi ne, %convert_element_type3A_111, %cond3A_112 : i32
      scf.if %cond3A_113 {
        %add3A_129 = arith.constant 5 : i32
        %add3A_130 = arith.addi %add3A_100, %add3A_129 : i32
        %dma_start3A_131 = arith.constant 0 : i32
        %dma_start3A_132 = tpu.memref_slice %arg6[%add3A_130, %dma_start3A_131] : memref<125x80xi32, #tpu.memory_space<vmem>> -> memref<1x80xi32, #tpu.memory_space<vmem>>
        %dma_start3A_133 = tpu.memref_squeeze %dma_start3A_132 : memref<1x80xi32, #tpu.memory_space<vmem>> -> memref<80xi32, #tpu.memory_space<vmem>>
        %dma_start3A_134 = arith.constant 0 : i32
        %dma_start3A_135 = arith.constant 0 : i32
        %dma_start3A_136 = tpu.memref_slice %arg2[%dma_start3A_134, %dma_start3A_135] : memref<10000x64xf32, #tpu.memory_space<hbm>> -> memref<10000x64xf32, #tpu.memory_space<hbm>>
        tpu.enqueue_indirect_dma source(%dma_start3A_136 : memref<10000x64xf32, #tpu.memory_space<hbm>>) target(%arg12 : memref<80x64xf32, #tpu.memory_space<vmem>>) offsets(%dma_start3A_133 : memref<80xi32, #tpu.memory_space<vmem>>) semaphore(%arg17 : memref<!tpu.dma_semaphore, #tpu.memory_space<semaphore_mem>>)
      } else {
      }
      %add3A_114 = arith.constant 4 : i32
      %add3A_115 = arith.addi %mul3A_57, %add3A_114 : i32
      %dma_wait3A_116 = arith.constant 0 : i32
      %dma_wait3A_117 = tpu.memref_slice %arg6[%add3A_115, %dma_wait3A_116] : memref<125x80xi32, #tpu.memory_space<vmem>> -> memref<1x80xi32, #tpu.memory_space<vmem>>
      %dma_wait3A_118 = tpu.memref_squeeze %dma_wait3A_117 : memref<1x80xi32, #tpu.memory_space<vmem>> -> memref<80xi32, #tpu.memory_space<vmem>>
      %dma_wait3A_119 = arith.constant 0 : i32
      %dma_wait3A_120 = arith.constant 0 : i32
      %dma_wait3A_121 = tpu.memref_slice %arg2[%dma_wait3A_119, %dma_wait3A_120] : memref<10000x64xf32, #tpu.memory_space<hbm>> -> memref<10000x64xf32, #tpu.memory_space<hbm>>
      tpu.wait_indirect_dma semaphore(%arg18 : memref<!tpu.dma_semaphore, #tpu.memory_space<semaphore_mem>>) src(%dma_wait3A_121 : memref<10000x64xf32, #tpu.memory_space<hbm>>) dst(%arg13 : memref<80x64xf32, #tpu.memory_space<vmem>>)
      "tpu.region"() ({
        %run_scoped3A = tpu.sem_alloc : memref<!tpu.dma_semaphore, #tpu.memory_space<semaphore_mem>>
        %dma_start3A_129 = arith.constant 0 : i32
        %dma_start3A_130 = tpu.memref_slice %arg7[%add3A_115, %dma_start3A_129] : memref<125x80xi32, #tpu.memory_space<vmem>> -> memref<1x80xi32, #tpu.memory_space<vmem>>
        %dma_start3A_131 = tpu.memref_squeeze %dma_start3A_130 : memref<1x80xi32, #tpu.memory_space<vmem>> -> memref<80xi32, #tpu.memory_space<vmem>>
        %dma_start3A_132 = arith.constant 0 : i32
        %dma_start3A_133 = arith.constant 0 : i32
        %dma_start3A_134 = tpu.memref_slice %arg8[%dma_start3A_132, %dma_start3A_133] : memref<10000x64xf32, #tpu.memory_space<vmem_shared>> -> memref<10000x64xf32, #tpu.memory_space<vmem_shared>>
        tpu.enqueue_indirect_dma source(%arg13 : memref<80x64xf32, #tpu.memory_space<vmem>>) target(%dma_start3A_134 : memref<10000x64xf32, #tpu.memory_space<vmem_shared>>) offsets(%dma_start3A_131 : memref<80xi32, #tpu.memory_space<vmem>>) semaphore(%run_scoped3A : memref<!tpu.dma_semaphore, #tpu.memory_space<semaphore_mem>>) {add = true}
        %dma_wait3A_135 = arith.constant 0 : i32
        %dma_wait3A_136 = tpu.memref_slice %arg7[%add3A_115, %dma_wait3A_135] : memref<125x80xi32, #tpu.memory_space<vmem>> -> memref<1x80xi32, #tpu.memory_space<vmem>>
        %dma_wait3A_137 = tpu.memref_squeeze %dma_wait3A_136 : memref<1x80xi32, #tpu.memory_space<vmem>> -> memref<80xi32, #tpu.memory_space<vmem>>
        %dma_wait3A_138 = arith.constant 0 : i32
        %dma_wait3A_139 = arith.constant 0 : i32
        %dma_wait3A_140 = tpu.memref_slice %arg8[%dma_wait3A_138, %dma_wait3A_139] : memref<10000x64xf32, #tpu.memory_space<vmem_shared>> -> memref<10000x64xf32, #tpu.memory_space<vmem_shared>>
        tpu.wait_indirect_dma semaphore(%run_scoped3A : memref<!tpu.dma_semaphore, #tpu.memory_space<semaphore_mem>>) src(%arg13 : memref<80x64xf32, #tpu.memory_space<vmem>>) dst(%dma_wait3A_140 : memref<10000x64xf32, #tpu.memory_space<vmem_shared>>)
        tpu.yield
      }) : () -> ()
      %add3A_122 = arith.constant 1 : i32
      %add3A_123 = arith.addi %scan3A_55, %add3A_122 : i32
      %lt3A_124 = arith.constant 25 : i32
      %lt3A_125 = arith.cmpi slt, %add3A_123, %lt3A_124 : i32
      %convert_element_type3A_126 = arith.extui %lt3A_125 : i1 to i32
      %cond3A_127 = arith.constant 0 : i32
      %cond3A_128 = arith.cmpi ne, %convert_element_type3A_126, %cond3A_127 : i32
      scf.if %cond3A_128 {
        %add3A_129 = arith.constant 5 : i32
        %add3A_130 = arith.addi %add3A_115, %add3A_129 : i32
        %dma_start3A_131 = arith.constant 0 : i32
        %dma_start3A_132 = tpu.memref_slice %arg6[%add3A_130, %dma_start3A_131] : memref<125x80xi32, #tpu.memory_space<vmem>> -> memref<1x80xi32, #tpu.memory_space<vmem>>
        %dma_start3A_133 = tpu.memref_squeeze %dma_start3A_132 : memref<1x80xi32, #tpu.memory_space<vmem>> -> memref<80xi32, #tpu.memory_space<vmem>>
        %dma_start3A_134 = arith.constant 0 : i32
        %dma_start3A_135 = arith.constant 0 : i32
        %dma_start3A_136 = tpu.memref_slice %arg2[%dma_start3A_134, %dma_start3A_135] : memref<10000x64xf32, #tpu.memory_space<hbm>> -> memref<10000x64xf32, #tpu.memory_space<hbm>>
        tpu.enqueue_indirect_dma source(%dma_start3A_136 : memref<10000x64xf32, #tpu.memory_space<hbm>>) target(%arg13 : memref<80x64xf32, #tpu.memory_space<vmem>>) offsets(%dma_start3A_133 : memref<80xi32, #tpu.memory_space<vmem>>) semaphore(%arg18 : memref<!tpu.dma_semaphore, #tpu.memory_space<semaphore_mem>>)
      } else {
      }
    }
    %scan3A_49 = arith.constant 25 : i32
    %barrier3A_50 = arith.constant 0 : index
    tpu.barrier barrier_id(%barrier3A_50)
    %mul3A_51 = arith.constant 624 : i32
    %mul3A_52 = arith.muli %arg1, %mul3A_51 : i32
    %mul3A_53 = arith.constant 624 : i32
    %mul3A_54 = arith.muli %arg1, %mul3A_53 : i32
    "tpu.region"() ({
      %run_scoped3A = tpu.sem_alloc : memref<!tpu.dma_semaphore, #tpu.memory_space<semaphore_mem>>
      %dma_start3A_55 = arith.constant 0 : i32
      %dma_start3A_56 = tpu.memref_slice %arg5[%arg0, %mul3A_54, %dma_start3A_55] : memref<2x10000x64xf32, #tpu.memory_space<hbm>> -> memref<1x640x64xf32, #tpu.memory_space<hbm>>
      %dma_start3A_57 = tpu.memref_squeeze %dma_start3A_56 : memref<1x640x64xf32, #tpu.memory_space<hbm>> -> memref<640x64xf32, #tpu.memory_space<hbm>>
      %dma_start3A_58 = arith.constant 0 : i32
      %dma_start3A_59 = tpu.memref_slice %arg8[%mul3A_52, %dma_start3A_58] : memref<10000x64xf32, #tpu.memory_space<vmem_shared>> -> memref<640x64xf32, #tpu.memory_space<vmem_shared>>
      tpu.enqueue_dma source(%dma_start3A_59 : memref<640x64xf32, #tpu.memory_space<vmem_shared>>) target(%dma_start3A_57 : memref<640x64xf32, #tpu.memory_space<hbm>>) target_semaphore(%run_scoped3A : memref<!tpu.dma_semaphore, #tpu.memory_space<semaphore_mem>>)
      %dma_wait3A = arith.constant 0 : i32
      %dma_wait3A_60 = tpu.memref_slice %arg5[%arg0, %mul3A_54, %dma_wait3A] : memref<2x10000x64xf32, #tpu.memory_space<hbm>> -> memref<1x640x64xf32, #tpu.memory_space<hbm>>
      %dma_wait3A_61 = tpu.memref_squeeze %dma_wait3A_60 : memref<1x640x64xf32, #tpu.memory_space<hbm>> -> memref<640x64xf32, #tpu.memory_space<hbm>>
      %dma_wait3A_62 = arith.constant 0 : i32
      %dma_wait3A_63 = tpu.memref_slice %arg8[%mul3A_52, %dma_wait3A_62] : memref<10000x64xf32, #tpu.memory_space<vmem_shared>> -> memref<640x64xf32, #tpu.memory_space<vmem_shared>>
      tpu.wait_dma2 semaphore(%run_scoped3A : memref<!tpu.dma_semaphore, #tpu.memory_space<semaphore_mem>>) src(%dma_wait3A_63 : memref<640x64xf32, #tpu.memory_space<vmem_shared>>) dst(%dma_wait3A_61 : memref<640x64xf32, #tpu.memory_space<hbm>>)
      tpu.yield
    }) : () -> ()
    return
  }
}

#map = affine_map<(d0, d1) -> (0, 0)>
#map1 = affine_map<(d0, d1) -> (0, 0, 0)>
module attributes {stable_mosaic.version = 14 : i64} {
  func.func @agg(%arg0: i32, %arg1: i32, %arg2: memref<10000x128xf32, #tpu.memory_space<hbm>>, %arg3: memref<32x250x40xi32, #tpu.memory_space<hbm>>, %arg4: memref<32x250x40xi32, #tpu.memory_space<hbm>>, %arg5: memref<2x10000x128xf32, #tpu.memory_space<hbm>>, %arg6: memref<250x40xi32, #tpu.memory_space<vmem>>, %arg7: memref<250x40xi32, #tpu.memory_space<vmem>>, %arg8: memref<10000x128xf32, #tpu.memory_space<vmem_shared>>, %arg9: memref<40x128xf32, #tpu.memory_space<vmem>>, %arg10: memref<40x128xf32, #tpu.memory_space<vmem>>, %arg11: memref<40x128xf32, #tpu.memory_space<vmem>>, %arg12: memref<40x128xf32, #tpu.memory_space<vmem>>, %arg13: memref<40x128xf32, #tpu.memory_space<vmem>>, %arg14: memref<!tpu.dma_semaphore, #tpu.memory_space<semaphore_mem>>, %arg15: memref<!tpu.dma_semaphore, #tpu.memory_space<semaphore_mem>>, %arg16: memref<!tpu.dma_semaphore, #tpu.memory_space<semaphore_mem>>, %arg17: memref<!tpu.dma_semaphore, #tpu.memory_space<semaphore_mem>>, %arg18: memref<!tpu.dma_semaphore, #tpu.memory_space<semaphore_mem>>) attributes {dimension_semantics = [#tpu.dimension_semantics<core_parallel>, #tpu.dimension_semantics<subcore_parallel>], iteration_bounds = array<i64: 2, 16>, scalar_prefetch = 0 : i64, scratch_operands = 13 : i64, tpu.core_type = #tpu.core_type<sc_vector_subcore>, window_params = [{transform_indices = #map}, {transform_indices = #map1}, {transform_indices = #map1}, {transform_indices = #map1}]} {
    %mul3A = arith.constant 16 : i32
    %mul3A_0 = arith.muli %arg0, %mul3A : i32
    %add3A = arith.addi %mul3A_0, %arg1 : i32
    %broadcast_in_dim3A = arith.constant 0.000000e+00 : f32
    %broadcast_in_dim3A_1 = vector.broadcast %broadcast_in_dim3A : f32 to vector<16xf32>
    %scan3A = arith.constant 0 : i32
    %scan3A_2 = arith.constant 40 : i32
    %scan3A_3 = arith.addi %scan3A, %scan3A_2 : i32
    %scan3A_4 = arith.constant 1 : i32
    scf.for %scan3A_55 = %scan3A to %scan3A_3 step %scan3A_4  : i32 {
      %swap3A = arith.index_cast %scan3A_55 : i32 to index
      %swap3A_56 = arith.constant 0 : index
      %swap3A_57 = tpu.vector_load %arg9[%swap3A, %swap3A_56] {strides = array<i32>} : memref<40x128xf32, #tpu.memory_space<vmem>>, vector<1x16xf32>,
      %swap3A_58 = vector.shape_cast %swap3A_57 : vector<1x16xf32> to vector<16xf32>
      %swap3A_59 = vector.shape_cast %broadcast_in_dim3A_1 : vector<16xf32> to vector<1x16xf32>
      tpu.vector_store %arg9[%swap3A, %swap3A_56], %swap3A_59 {strides = array<i32>} : memref<40x128xf32, #tpu.memory_space<vmem>>, vector<1x16xf32>,
      %swap3A_60 = arith.index_cast %scan3A_55 : i32 to index
      %swap3A_61 = arith.constant 16 : index
      %swap3A_62 = tpu.vector_load %arg9[%swap3A_60, %swap3A_61] {strides = array<i32>} : memref<40x128xf32, #tpu.memory_space<vmem>>, vector<1x16xf32>,
      %swap3A_63 = vector.shape_cast %swap3A_62 : vector<1x16xf32> to vector<16xf32>
      %swap3A_64 = vector.shape_cast %broadcast_in_dim3A_1 : vector<16xf32> to vector<1x16xf32>
      tpu.vector_store %arg9[%swap3A_60, %swap3A_61], %swap3A_64 {strides = array<i32>} : memref<40x128xf32, #tpu.memory_space<vmem>>, vector<1x16xf32>,
      %swap3A_65 = arith.index_cast %scan3A_55 : i32 to index
      %swap3A_66 = arith.constant 32 : index
      %swap3A_67 = tpu.vector_load %arg9[%swap3A_65, %swap3A_66] {strides = array<i32>} : memref<40x128xf32, #tpu.memory_space<vmem>>, vector<1x16xf32>,
      %swap3A_68 = vector.shape_cast %swap3A_67 : vector<1x16xf32> to vector<16xf32>
      %swap3A_69 = vector.shape_cast %broadcast_in_dim3A_1 : vector<16xf32> to vector<1x16xf32>
      tpu.vector_store %arg9[%swap3A_65, %swap3A_66], %swap3A_69 {strides = array<i32>} : memref<40x128xf32, #tpu.memory_space<vmem>>, vector<1x16xf32>,
      %swap3A_70 = arith.index_cast %scan3A_55 : i32 to index
      %swap3A_71 = arith.constant 48 : index
      %swap3A_72 = tpu.vector_load %arg9[%swap3A_70, %swap3A_71] {strides = array<i32>} : memref<40x128xf32, #tpu.memory_space<vmem>>, vector<1x16xf32>,
      %swap3A_73 = vector.shape_cast %swap3A_72 : vector<1x16xf32> to vector<16xf32>
      %swap3A_74 = vector.shape_cast %broadcast_in_dim3A_1 : vector<16xf32> to vector<1x16xf32>
      tpu.vector_store %arg9[%swap3A_70, %swap3A_71], %swap3A_74 {strides = array<i32>} : memref<40x128xf32, #tpu.memory_space<vmem>>, vector<1x16xf32>,
      %swap3A_75 = arith.index_cast %scan3A_55 : i32 to index
      %swap3A_76 = arith.constant 64 : index
      %swap3A_77 = tpu.vector_load %arg9[%swap3A_75, %swap3A_76] {strides = array<i32>} : memref<40x128xf32, #tpu.memory_space<vmem>>, vector<1x16xf32>,
      %swap3A_78 = vector.shape_cast %swap3A_77 : vector<1x16xf32> to vector<16xf32>
      %swap3A_79 = vector.shape_cast %broadcast_in_dim3A_1 : vector<16xf32> to vector<1x16xf32>
      tpu.vector_store %arg9[%swap3A_75, %swap3A_76], %swap3A_79 {strides = array<i32>} : memref<40x128xf32, #tpu.memory_space<vmem>>, vector<1x16xf32>,
      %swap3A_80 = arith.index_cast %scan3A_55 : i32 to index
      %swap3A_81 = arith.constant 80 : index
      %swap3A_82 = tpu.vector_load %arg9[%swap3A_80, %swap3A_81] {strides = array<i32>} : memref<40x128xf32, #tpu.memory_space<vmem>>, vector<1x16xf32>,
      %swap3A_83 = vector.shape_cast %swap3A_82 : vector<1x16xf32> to vector<16xf32>
      %swap3A_84 = vector.shape_cast %broadcast_in_dim3A_1 : vector<16xf32> to vector<1x16xf32>
      tpu.vector_store %arg9[%swap3A_80, %swap3A_81], %swap3A_84 {strides = array<i32>} : memref<40x128xf32, #tpu.memory_space<vmem>>, vector<1x16xf32>,
      %swap3A_85 = arith.index_cast %scan3A_55 : i32 to index
      %swap3A_86 = arith.constant 96 : index
      %swap3A_87 = tpu.vector_load %arg9[%swap3A_85, %swap3A_86] {strides = array<i32>} : memref<40x128xf32, #tpu.memory_space<vmem>>, vector<1x16xf32>,
      %swap3A_88 = vector.shape_cast %swap3A_87 : vector<1x16xf32> to vector<16xf32>
      %swap3A_89 = vector.shape_cast %broadcast_in_dim3A_1 : vector<16xf32> to vector<1x16xf32>
      tpu.vector_store %arg9[%swap3A_85, %swap3A_86], %swap3A_89 {strides = array<i32>} : memref<40x128xf32, #tpu.memory_space<vmem>>, vector<1x16xf32>,
      %swap3A_90 = arith.index_cast %scan3A_55 : i32 to index
      %swap3A_91 = arith.constant 112 : index
      %swap3A_92 = tpu.vector_load %arg9[%swap3A_90, %swap3A_91] {strides = array<i32>} : memref<40x128xf32, #tpu.memory_space<vmem>>, vector<1x16xf32>,
      %swap3A_93 = vector.shape_cast %swap3A_92 : vector<1x16xf32> to vector<16xf32>
      %swap3A_94 = vector.shape_cast %broadcast_in_dim3A_1 : vector<16xf32> to vector<1x16xf32>
      tpu.vector_store %arg9[%swap3A_90, %swap3A_91], %swap3A_94 {strides = array<i32>} : memref<40x128xf32, #tpu.memory_space<vmem>>, vector<1x16xf32>,
    }
    %scan3A_5 = arith.constant 40 : i32
    %scan3A_6 = arith.constant 0 : i32
    %scan3A_7 = arith.constant 16 : i32
    %scan3A_8 = arith.addi %scan3A_6, %scan3A_7 : i32
    %scan3A_9 = arith.constant 1 : i32
    scf.for %scan3A_55 = %scan3A_6 to %scan3A_8 step %scan3A_9  : i32 {
      %mul3A_56 = arith.constant 624 : i32
      %mul3A_57 = arith.muli %arg1, %mul3A_56 : i32
      %mul3A_58 = arith.constant 40 : i32
      %mul3A_59 = arith.muli %scan3A_55, %mul3A_58 : i32
      %add3A_60 = arith.addi %mul3A_57, %mul3A_59 : i32
      "tpu.region"() ({
        %run_scoped3A = tpu.sem_alloc : memref<!tpu.dma_semaphore, #tpu.memory_space<semaphore_mem>>
        %dma_start3A_61 = arith.constant 0 : i32
        %dma_start3A_62 = tpu.memref_slice %arg8[%add3A_60, %dma_start3A_61] : memref<10000x128xf32, #tpu.memory_space<vmem_shared>> -> memref<40x128xf32, #tpu.memory_space<vmem_shared>>
        %dma_start3A_63 = arith.constant 0 : i32
        %dma_start3A_64 = tpu.memref_slice %arg8[%add3A_60, %dma_start3A_63] : memref<10000x128xf32, #tpu.memory_space<vmem_shared>> -> memref<40x128xf32, #tpu.memory_space<vmem_shared>>
        tpu.enqueue_dma source(%arg9 : memref<40x128xf32, #tpu.memory_space<vmem>>) target(%dma_start3A_64 : memref<40x128xf32, #tpu.memory_space<vmem_shared>>) target_semaphore(%run_scoped3A : memref<!tpu.dma_semaphore, #tpu.memory_space<semaphore_mem>>)
        %dma_wait3A = arith.constant 0 : i32
        %dma_wait3A_65 = tpu.memref_slice %arg8[%add3A_60, %dma_wait3A] : memref<10000x128xf32, #tpu.memory_space<vmem_shared>> -> memref<40x128xf32, #tpu.memory_space<vmem_shared>>
        %dma_wait3A_66 = arith.constant 0 : i32
        %dma_wait3A_67 = tpu.memref_slice %arg8[%add3A_60, %dma_wait3A_66] : memref<10000x128xf32, #tpu.memory_space<vmem_shared>> -> memref<40x128xf32, #tpu.memory_space<vmem_shared>>
        tpu.wait_dma2 semaphore(%run_scoped3A : memref<!tpu.dma_semaphore, #tpu.memory_space<semaphore_mem>>) src(%arg9 : memref<40x128xf32, #tpu.memory_space<vmem>>) dst(%dma_wait3A_67 : memref<40x128xf32, #tpu.memory_space<vmem_shared>>)
        tpu.yield
      }) : () -> ()
    }
    %scan3A_10 = arith.constant 16 : i32
    "tpu.region"() ({
      %run_scoped3A = tpu.sem_alloc : memref<!tpu.dma_semaphore, #tpu.memory_space<semaphore_mem>>
      %dma_start3A_55 = arith.constant 0 : i32
      %dma_start3A_56 = arith.constant 0 : i32
      %dma_start3A_57 = tpu.memref_slice %arg3[%add3A, %dma_start3A_55, %dma_start3A_56] : memref<32x250x40xi32, #tpu.memory_space<hbm>> -> memref<1x250x40xi32, #tpu.memory_space<hbm>>
      %dma_start3A_58 = tpu.memref_squeeze %dma_start3A_57 : memref<1x250x40xi32, #tpu.memory_space<hbm>> -> memref<250x40xi32, #tpu.memory_space<hbm>>
      %dma_start3A_59 = arith.constant 0 : i32
      %dma_start3A_60 = arith.constant 0 : i32
      %dma_start3A_61 = tpu.memref_slice %arg3[%add3A, %dma_start3A_59, %dma_start3A_60] : memref<32x250x40xi32, #tpu.memory_space<hbm>> -> memref<1x250x40xi32, #tpu.memory_space<hbm>>
      %dma_start3A_62 = tpu.memref_squeeze %dma_start3A_61 : memref<1x250x40xi32, #tpu.memory_space<hbm>> -> memref<250x40xi32, #tpu.memory_space<hbm>>
      tpu.enqueue_dma source(%dma_start3A_62 : memref<250x40xi32, #tpu.memory_space<hbm>>) target(%arg6 : memref<250x40xi32, #tpu.memory_space<vmem>>) target_semaphore(%run_scoped3A : memref<!tpu.dma_semaphore, #tpu.memory_space<semaphore_mem>>)
      %dma_wait3A = arith.constant 0 : i32
      %dma_wait3A_63 = arith.constant 0 : i32
      %dma_wait3A_64 = tpu.memref_slice %arg3[%add3A, %dma_wait3A, %dma_wait3A_63] : memref<32x250x40xi32, #tpu.memory_space<hbm>> -> memref<1x250x40xi32, #tpu.memory_space<hbm>>
      %dma_wait3A_65 = tpu.memref_squeeze %dma_wait3A_64 : memref<1x250x40xi32, #tpu.memory_space<hbm>> -> memref<250x40xi32, #tpu.memory_space<hbm>>
      %dma_wait3A_66 = arith.constant 0 : i32
      %dma_wait3A_67 = arith.constant 0 : i32
      %dma_wait3A_68 = tpu.memref_slice %arg3[%add3A, %dma_wait3A_66, %dma_wait3A_67] : memref<32x250x40xi32, #tpu.memory_space<hbm>> -> memref<1x250x40xi32, #tpu.memory_space<hbm>>
      %dma_wait3A_69 = tpu.memref_squeeze %dma_wait3A_68 : memref<1x250x40xi32, #tpu.memory_space<hbm>> -> memref<250x40xi32, #tpu.memory_space<hbm>>
      tpu.wait_dma2 semaphore(%run_scoped3A : memref<!tpu.dma_semaphore, #tpu.memory_space<semaphore_mem>>) src(%dma_wait3A_69 : memref<250x40xi32, #tpu.memory_space<hbm>>) dst(%arg6 : memref<250x40xi32, #tpu.memory_space<vmem>>)
      tpu.yield
    }) : () -> ()
    "tpu.region"() ({
      %run_scoped3A = tpu.sem_alloc : memref<!tpu.dma_semaphore, #tpu.memory_space<semaphore_mem>>
      %dma_start3A_55 = arith.constant 0 : i32
      %dma_start3A_56 = arith.constant 0 : i32
      %dma_start3A_57 = tpu.memref_slice %arg4[%add3A, %dma_start3A_55, %dma_start3A_56] : memref<32x250x40xi32, #tpu.memory_space<hbm>> -> memref<1x250x40xi32, #tpu.memory_space<hbm>>
      %dma_start3A_58 = tpu.memref_squeeze %dma_start3A_57 : memref<1x250x40xi32, #tpu.memory_space<hbm>> -> memref<250x40xi32, #tpu.memory_space<hbm>>
      %dma_start3A_59 = arith.constant 0 : i32
      %dma_start3A_60 = arith.constant 0 : i32
      %dma_start3A_61 = tpu.memref_slice %arg4[%add3A, %dma_start3A_59, %dma_start3A_60] : memref<32x250x40xi32, #tpu.memory_space<hbm>> -> memref<1x250x40xi32, #tpu.memory_space<hbm>>
      %dma_start3A_62 = tpu.memref_squeeze %dma_start3A_61 : memref<1x250x40xi32, #tpu.memory_space<hbm>> -> memref<250x40xi32, #tpu.memory_space<hbm>>
      tpu.enqueue_dma source(%dma_start3A_62 : memref<250x40xi32, #tpu.memory_space<hbm>>) target(%arg7 : memref<250x40xi32, #tpu.memory_space<vmem>>) target_semaphore(%run_scoped3A : memref<!tpu.dma_semaphore, #tpu.memory_space<semaphore_mem>>)
      %dma_wait3A = arith.constant 0 : i32
      %dma_wait3A_63 = arith.constant 0 : i32
      %dma_wait3A_64 = tpu.memref_slice %arg4[%add3A, %dma_wait3A, %dma_wait3A_63] : memref<32x250x40xi32, #tpu.memory_space<hbm>> -> memref<1x250x40xi32, #tpu.memory_space<hbm>>
      %dma_wait3A_65 = tpu.memref_squeeze %dma_wait3A_64 : memref<1x250x40xi32, #tpu.memory_space<hbm>> -> memref<250x40xi32, #tpu.memory_space<hbm>>
      %dma_wait3A_66 = arith.constant 0 : i32
      %dma_wait3A_67 = arith.constant 0 : i32
      %dma_wait3A_68 = tpu.memref_slice %arg4[%add3A, %dma_wait3A_66, %dma_wait3A_67] : memref<32x250x40xi32, #tpu.memory_space<hbm>> -> memref<1x250x40xi32, #tpu.memory_space<hbm>>
      %dma_wait3A_69 = tpu.memref_squeeze %dma_wait3A_68 : memref<1x250x40xi32, #tpu.memory_space<hbm>> -> memref<250x40xi32, #tpu.memory_space<hbm>>
      tpu.wait_dma2 semaphore(%run_scoped3A : memref<!tpu.dma_semaphore, #tpu.memory_space<semaphore_mem>>) src(%dma_wait3A_69 : memref<250x40xi32, #tpu.memory_space<hbm>>) dst(%arg7 : memref<250x40xi32, #tpu.memory_space<vmem>>)
      tpu.yield
    }) : () -> ()
    %barrier3A = arith.constant 0 : index
    tpu.barrier barrier_id(%barrier3A)
    %dma_start3A = arith.constant 0 : i32
    %dma_start3A_11 = arith.constant 0 : i32
    %dma_start3A_12 = tpu.memref_slice %arg6[%dma_start3A, %dma_start3A_11] : memref<250x40xi32, #tpu.memory_space<vmem>> -> memref<1x40xi32, #tpu.memory_space<vmem>>
    %dma_start3A_13 = tpu.memref_squeeze %dma_start3A_12 : memref<1x40xi32, #tpu.memory_space<vmem>> -> memref<40xi32, #tpu.memory_space<vmem>>
    %dma_start3A_14 = arith.constant 0 : i32
    %dma_start3A_15 = arith.constant 0 : i32
    %dma_start3A_16 = tpu.memref_slice %arg2[%dma_start3A_14, %dma_start3A_15] : memref<10000x128xf32, #tpu.memory_space<hbm>> -> memref<10000x128xf32, #tpu.memory_space<hbm>>
    tpu.enqueue_indirect_dma source(%dma_start3A_16 : memref<10000x128xf32, #tpu.memory_space<hbm>>) target(%arg9 : memref<40x128xf32, #tpu.memory_space<vmem>>) offsets(%dma_start3A_13 : memref<40xi32, #tpu.memory_space<vmem>>) semaphore(%arg14 : memref<!tpu.dma_semaphore, #tpu.memory_space<semaphore_mem>>)
    %dma_start3A_17 = arith.constant 1 : i32
    %dma_start3A_18 = arith.constant 0 : i32
    %dma_start3A_19 = tpu.memref_slice %arg6[%dma_start3A_17, %dma_start3A_18] : memref<250x40xi32, #tpu.memory_space<vmem>> -> memref<1x40xi32, #tpu.memory_space<vmem>>
    %dma_start3A_20 = tpu.memref_squeeze %dma_start3A_19 : memref<1x40xi32, #tpu.memory_space<vmem>> -> memref<40xi32, #tpu.memory_space<vmem>>
    %dma_start3A_21 = arith.constant 0 : i32
    %dma_start3A_22 = arith.constant 0 : i32
    %dma_start3A_23 = tpu.memref_slice %arg2[%dma_start3A_21, %dma_start3A_22] : memref<10000x128xf32, #tpu.memory_space<hbm>> -> memref<10000x128xf32, #tpu.memory_space<hbm>>
    tpu.enqueue_indirect_dma source(%dma_start3A_23 : memref<10000x128xf32, #tpu.memory_space<hbm>>) target(%arg10 : memref<40x128xf32, #tpu.memory_space<vmem>>) offsets(%dma_start3A_20 : memref<40xi32, #tpu.memory_space<vmem>>) semaphore(%arg15 : memref<!tpu.dma_semaphore, #tpu.memory_space<semaphore_mem>>)
    %dma_start3A_24 = arith.constant 2 : i32
    %dma_start3A_25 = arith.constant 0 : i32
    %dma_start3A_26 = tpu.memref_slice %arg6[%dma_start3A_24, %dma_start3A_25] : memref<250x40xi32, #tpu.memory_space<vmem>> -> memref<1x40xi32, #tpu.memory_space<vmem>>
    %dma_start3A_27 = tpu.memref_squeeze %dma_start3A_26 : memref<1x40xi32, #tpu.memory_space<vmem>> -> memref<40xi32, #tpu.memory_space<vmem>>
    %dma_start3A_28 = arith.constant 0 : i32
    %dma_start3A_29 = arith.constant 0 : i32
    %dma_start3A_30 = tpu.memref_slice %arg2[%dma_start3A_28, %dma_start3A_29] : memref<10000x128xf32, #tpu.memory_space<hbm>> -> memref<10000x128xf32, #tpu.memory_space<hbm>>
    tpu.enqueue_indirect_dma source(%dma_start3A_30 : memref<10000x128xf32, #tpu.memory_space<hbm>>) target(%arg11 : memref<40x128xf32, #tpu.memory_space<vmem>>) offsets(%dma_start3A_27 : memref<40xi32, #tpu.memory_space<vmem>>) semaphore(%arg16 : memref<!tpu.dma_semaphore, #tpu.memory_space<semaphore_mem>>)
    %dma_start3A_31 = arith.constant 3 : i32
    %dma_start3A_32 = arith.constant 0 : i32
    %dma_start3A_33 = tpu.memref_slice %arg6[%dma_start3A_31, %dma_start3A_32] : memref<250x40xi32, #tpu.memory_space<vmem>> -> memref<1x40xi32, #tpu.memory_space<vmem>>
    %dma_start3A_34 = tpu.memref_squeeze %dma_start3A_33 : memref<1x40xi32, #tpu.memory_space<vmem>> -> memref<40xi32, #tpu.memory_space<vmem>>
    %dma_start3A_35 = arith.constant 0 : i32
    %dma_start3A_36 = arith.constant 0 : i32
    %dma_start3A_37 = tpu.memref_slice %arg2[%dma_start3A_35, %dma_start3A_36] : memref<10000x128xf32, #tpu.memory_space<hbm>> -> memref<10000x128xf32, #tpu.memory_space<hbm>>
    tpu.enqueue_indirect_dma source(%dma_start3A_37 : memref<10000x128xf32, #tpu.memory_space<hbm>>) target(%arg12 : memref<40x128xf32, #tpu.memory_space<vmem>>) offsets(%dma_start3A_34 : memref<40xi32, #tpu.memory_space<vmem>>) semaphore(%arg17 : memref<!tpu.dma_semaphore, #tpu.memory_space<semaphore_mem>>)
    %dma_start3A_38 = arith.constant 4 : i32
    %dma_start3A_39 = arith.constant 0 : i32
    %dma_start3A_40 = tpu.memref_slice %arg6[%dma_start3A_38, %dma_start3A_39] : memref<250x40xi32, #tpu.memory_space<vmem>> -> memref<1x40xi32, #tpu.memory_space<vmem>>
    %dma_start3A_41 = tpu.memref_squeeze %dma_start3A_40 : memref<1x40xi32, #tpu.memory_space<vmem>> -> memref<40xi32, #tpu.memory_space<vmem>>
    %dma_start3A_42 = arith.constant 0 : i32
    %dma_start3A_43 = arith.constant 0 : i32
    %dma_start3A_44 = tpu.memref_slice %arg2[%dma_start3A_42, %dma_start3A_43] : memref<10000x128xf32, #tpu.memory_space<hbm>> -> memref<10000x128xf32, #tpu.memory_space<hbm>>
    tpu.enqueue_indirect_dma source(%dma_start3A_44 : memref<10000x128xf32, #tpu.memory_space<hbm>>) target(%arg13 : memref<40x128xf32, #tpu.memory_space<vmem>>) offsets(%dma_start3A_41 : memref<40xi32, #tpu.memory_space<vmem>>) semaphore(%arg18 : memref<!tpu.dma_semaphore, #tpu.memory_space<semaphore_mem>>)
    %scan3A_45 = arith.constant 0 : i32
    %scan3A_46 = arith.constant 50 : i32
    %scan3A_47 = arith.addi %scan3A_45, %scan3A_46 : i32
    %scan3A_48 = arith.constant 1 : i32
    scf.for %scan3A_55 = %scan3A_45 to %scan3A_47 step %scan3A_48  : i32 {
      %mul3A_56 = arith.constant 5 : i32
      %mul3A_57 = arith.muli %scan3A_55, %mul3A_56 : i32
      %add3A_58 = arith.constant 0 : i32
      %add3A_59 = arith.addi %mul3A_57, %add3A_58 : i32
      %dma_wait3A = arith.constant 0 : i32
      %dma_wait3A_60 = tpu.memref_slice %arg6[%add3A_59, %dma_wait3A] : memref<250x40xi32, #tpu.memory_space<vmem>> -> memref<1x40xi32, #tpu.memory_space<vmem>>
      %dma_wait3A_61 = tpu.memref_squeeze %dma_wait3A_60 : memref<1x40xi32, #tpu.memory_space<vmem>> -> memref<40xi32, #tpu.memory_space<vmem>>
      %dma_wait3A_62 = arith.constant 0 : i32
      %dma_wait3A_63 = arith.constant 0 : i32
      %dma_wait3A_64 = tpu.memref_slice %arg2[%dma_wait3A_62, %dma_wait3A_63] : memref<10000x128xf32, #tpu.memory_space<hbm>> -> memref<10000x128xf32, #tpu.memory_space<hbm>>
      tpu.wait_indirect_dma semaphore(%arg14 : memref<!tpu.dma_semaphore, #tpu.memory_space<semaphore_mem>>) src(%dma_wait3A_64 : memref<10000x128xf32, #tpu.memory_space<hbm>>) dst(%arg9 : memref<40x128xf32, #tpu.memory_space<vmem>>)
      "tpu.region"() ({
        %run_scoped3A = tpu.sem_alloc : memref<!tpu.dma_semaphore, #tpu.memory_space<semaphore_mem>>
        %dma_start3A_129 = arith.constant 0 : i32
        %dma_start3A_130 = tpu.memref_slice %arg7[%add3A_59, %dma_start3A_129] : memref<250x40xi32, #tpu.memory_space<vmem>> -> memref<1x40xi32, #tpu.memory_space<vmem>>
        %dma_start3A_131 = tpu.memref_squeeze %dma_start3A_130 : memref<1x40xi32, #tpu.memory_space<vmem>> -> memref<40xi32, #tpu.memory_space<vmem>>
        %dma_start3A_132 = arith.constant 0 : i32
        %dma_start3A_133 = arith.constant 0 : i32
        %dma_start3A_134 = tpu.memref_slice %arg8[%dma_start3A_132, %dma_start3A_133] : memref<10000x128xf32, #tpu.memory_space<vmem_shared>> -> memref<10000x128xf32, #tpu.memory_space<vmem_shared>>
        tpu.enqueue_indirect_dma source(%arg9 : memref<40x128xf32, #tpu.memory_space<vmem>>) target(%dma_start3A_134 : memref<10000x128xf32, #tpu.memory_space<vmem_shared>>) offsets(%dma_start3A_131 : memref<40xi32, #tpu.memory_space<vmem>>) semaphore(%run_scoped3A : memref<!tpu.dma_semaphore, #tpu.memory_space<semaphore_mem>>) {add = true}
        %dma_wait3A_135 = arith.constant 0 : i32
        %dma_wait3A_136 = tpu.memref_slice %arg7[%add3A_59, %dma_wait3A_135] : memref<250x40xi32, #tpu.memory_space<vmem>> -> memref<1x40xi32, #tpu.memory_space<vmem>>
        %dma_wait3A_137 = tpu.memref_squeeze %dma_wait3A_136 : memref<1x40xi32, #tpu.memory_space<vmem>> -> memref<40xi32, #tpu.memory_space<vmem>>
        %dma_wait3A_138 = arith.constant 0 : i32
        %dma_wait3A_139 = arith.constant 0 : i32
        %dma_wait3A_140 = tpu.memref_slice %arg8[%dma_wait3A_138, %dma_wait3A_139] : memref<10000x128xf32, #tpu.memory_space<vmem_shared>> -> memref<10000x128xf32, #tpu.memory_space<vmem_shared>>
        tpu.wait_indirect_dma semaphore(%run_scoped3A : memref<!tpu.dma_semaphore, #tpu.memory_space<semaphore_mem>>) src(%arg9 : memref<40x128xf32, #tpu.memory_space<vmem>>) dst(%dma_wait3A_140 : memref<10000x128xf32, #tpu.memory_space<vmem_shared>>)
        tpu.yield
      }) : () -> ()
      %add3A_65 = arith.constant 1 : i32
      %add3A_66 = arith.addi %scan3A_55, %add3A_65 : i32
      %lt3A = arith.constant 50 : i32
      %lt3A_67 = arith.cmpi slt, %add3A_66, %lt3A : i32
      %convert_element_type3A = arith.extui %lt3A_67 : i1 to i32
      %cond3A = arith.constant 0 : i32
      %cond3A_68 = arith.cmpi ne, %convert_element_type3A, %cond3A : i32
      scf.if %cond3A_68 {
        %add3A_129 = arith.constant 5 : i32
        %add3A_130 = arith.addi %add3A_59, %add3A_129 : i32
        %dma_start3A_131 = arith.constant 0 : i32
        %dma_start3A_132 = tpu.memref_slice %arg6[%add3A_130, %dma_start3A_131] : memref<250x40xi32, #tpu.memory_space<vmem>> -> memref<1x40xi32, #tpu.memory_space<vmem>>
        %dma_start3A_133 = tpu.memref_squeeze %dma_start3A_132 : memref<1x40xi32, #tpu.memory_space<vmem>> -> memref<40xi32, #tpu.memory_space<vmem>>
        %dma_start3A_134 = arith.constant 0 : i32
        %dma_start3A_135 = arith.constant 0 : i32
        %dma_start3A_136 = tpu.memref_slice %arg2[%dma_start3A_134, %dma_start3A_135] : memref<10000x128xf32, #tpu.memory_space<hbm>> -> memref<10000x128xf32, #tpu.memory_space<hbm>>
        tpu.enqueue_indirect_dma source(%dma_start3A_136 : memref<10000x128xf32, #tpu.memory_space<hbm>>) target(%arg9 : memref<40x128xf32, #tpu.memory_space<vmem>>) offsets(%dma_start3A_133 : memref<40xi32, #tpu.memory_space<vmem>>) semaphore(%arg14 : memref<!tpu.dma_semaphore, #tpu.memory_space<semaphore_mem>>)
      } else {
      }
      %add3A_69 = arith.constant 1 : i32
      %add3A_70 = arith.addi %mul3A_57, %add3A_69 : i32
      %dma_wait3A_71 = arith.constant 0 : i32
      %dma_wait3A_72 = tpu.memref_slice %arg6[%add3A_70, %dma_wait3A_71] : memref<250x40xi32, #tpu.memory_space<vmem>> -> memref<1x40xi32, #tpu.memory_space<vmem>>
      %dma_wait3A_73 = tpu.memref_squeeze %dma_wait3A_72 : memref<1x40xi32, #tpu.memory_space<vmem>> -> memref<40xi32, #tpu.memory_space<vmem>>
      %dma_wait3A_74 = arith.constant 0 : i32
      %dma_wait3A_75 = arith.constant 0 : i32
      %dma_wait3A_76 = tpu.memref_slice %arg2[%dma_wait3A_74, %dma_wait3A_75] : memref<10000x128xf32, #tpu.memory_space<hbm>> -> memref<10000x128xf32, #tpu.memory_space<hbm>>
      tpu.wait_indirect_dma semaphore(%arg15 : memref<!tpu.dma_semaphore, #tpu.memory_space<semaphore_mem>>) src(%dma_wait3A_76 : memref<10000x128xf32, #tpu.memory_space<hbm>>) dst(%arg10 : memref<40x128xf32, #tpu.memory_space<vmem>>)
      "tpu.region"() ({
        %run_scoped3A = tpu.sem_alloc : memref<!tpu.dma_semaphore, #tpu.memory_space<semaphore_mem>>
        %dma_start3A_129 = arith.constant 0 : i32
        %dma_start3A_130 = tpu.memref_slice %arg7[%add3A_70, %dma_start3A_129] : memref<250x40xi32, #tpu.memory_space<vmem>> -> memref<1x40xi32, #tpu.memory_space<vmem>>
        %dma_start3A_131 = tpu.memref_squeeze %dma_start3A_130 : memref<1x40xi32, #tpu.memory_space<vmem>> -> memref<40xi32, #tpu.memory_space<vmem>>
        %dma_start3A_132 = arith.constant 0 : i32
        %dma_start3A_133 = arith.constant 0 : i32
        %dma_start3A_134 = tpu.memref_slice %arg8[%dma_start3A_132, %dma_start3A_133] : memref<10000x128xf32, #tpu.memory_space<vmem_shared>> -> memref<10000x128xf32, #tpu.memory_space<vmem_shared>>
        tpu.enqueue_indirect_dma source(%arg10 : memref<40x128xf32, #tpu.memory_space<vmem>>) target(%dma_start3A_134 : memref<10000x128xf32, #tpu.memory_space<vmem_shared>>) offsets(%dma_start3A_131 : memref<40xi32, #tpu.memory_space<vmem>>) semaphore(%run_scoped3A : memref<!tpu.dma_semaphore, #tpu.memory_space<semaphore_mem>>) {add = true}
        %dma_wait3A_135 = arith.constant 0 : i32
        %dma_wait3A_136 = tpu.memref_slice %arg7[%add3A_70, %dma_wait3A_135] : memref<250x40xi32, #tpu.memory_space<vmem>> -> memref<1x40xi32, #tpu.memory_space<vmem>>
        %dma_wait3A_137 = tpu.memref_squeeze %dma_wait3A_136 : memref<1x40xi32, #tpu.memory_space<vmem>> -> memref<40xi32, #tpu.memory_space<vmem>>
        %dma_wait3A_138 = arith.constant 0 : i32
        %dma_wait3A_139 = arith.constant 0 : i32
        %dma_wait3A_140 = tpu.memref_slice %arg8[%dma_wait3A_138, %dma_wait3A_139] : memref<10000x128xf32, #tpu.memory_space<vmem_shared>> -> memref<10000x128xf32, #tpu.memory_space<vmem_shared>>
        tpu.wait_indirect_dma semaphore(%run_scoped3A : memref<!tpu.dma_semaphore, #tpu.memory_space<semaphore_mem>>) src(%arg10 : memref<40x128xf32, #tpu.memory_space<vmem>>) dst(%dma_wait3A_140 : memref<10000x128xf32, #tpu.memory_space<vmem_shared>>)
        tpu.yield
      }) : () -> ()
      %add3A_77 = arith.constant 1 : i32
      %add3A_78 = arith.addi %scan3A_55, %add3A_77 : i32
      %lt3A_79 = arith.constant 50 : i32
      %lt3A_80 = arith.cmpi slt, %add3A_78, %lt3A_79 : i32
      %convert_element_type3A_81 = arith.extui %lt3A_80 : i1 to i32
      %cond3A_82 = arith.constant 0 : i32
      %cond3A_83 = arith.cmpi ne, %convert_element_type3A_81, %cond3A_82 : i32
      scf.if %cond3A_83 {
        %add3A_129 = arith.constant 5 : i32
        %add3A_130 = arith.addi %add3A_70, %add3A_129 : i32
        %dma_start3A_131 = arith.constant 0 : i32
        %dma_start3A_132 = tpu.memref_slice %arg6[%add3A_130, %dma_start3A_131] : memref<250x40xi32, #tpu.memory_space<vmem>> -> memref<1x40xi32, #tpu.memory_space<vmem>>
        %dma_start3A_133 = tpu.memref_squeeze %dma_start3A_132 : memref<1x40xi32, #tpu.memory_space<vmem>> -> memref<40xi32, #tpu.memory_space<vmem>>
        %dma_start3A_134 = arith.constant 0 : i32
        %dma_start3A_135 = arith.constant 0 : i32
        %dma_start3A_136 = tpu.memref_slice %arg2[%dma_start3A_134, %dma_start3A_135] : memref<10000x128xf32, #tpu.memory_space<hbm>> -> memref<10000x128xf32, #tpu.memory_space<hbm>>
        tpu.enqueue_indirect_dma source(%dma_start3A_136 : memref<10000x128xf32, #tpu.memory_space<hbm>>) target(%arg10 : memref<40x128xf32, #tpu.memory_space<vmem>>) offsets(%dma_start3A_133 : memref<40xi32, #tpu.memory_space<vmem>>) semaphore(%arg15 : memref<!tpu.dma_semaphore, #tpu.memory_space<semaphore_mem>>)
      } else {
      }
      %add3A_84 = arith.constant 2 : i32
      %add3A_85 = arith.addi %mul3A_57, %add3A_84 : i32
      %dma_wait3A_86 = arith.constant 0 : i32
      %dma_wait3A_87 = tpu.memref_slice %arg6[%add3A_85, %dma_wait3A_86] : memref<250x40xi32, #tpu.memory_space<vmem>> -> memref<1x40xi32, #tpu.memory_space<vmem>>
      %dma_wait3A_88 = tpu.memref_squeeze %dma_wait3A_87 : memref<1x40xi32, #tpu.memory_space<vmem>> -> memref<40xi32, #tpu.memory_space<vmem>>
      %dma_wait3A_89 = arith.constant 0 : i32
      %dma_wait3A_90 = arith.constant 0 : i32
      %dma_wait3A_91 = tpu.memref_slice %arg2[%dma_wait3A_89, %dma_wait3A_90] : memref<10000x128xf32, #tpu.memory_space<hbm>> -> memref<10000x128xf32, #tpu.memory_space<hbm>>
      tpu.wait_indirect_dma semaphore(%arg16 : memref<!tpu.dma_semaphore, #tpu.memory_space<semaphore_mem>>) src(%dma_wait3A_91 : memref<10000x128xf32, #tpu.memory_space<hbm>>) dst(%arg11 : memref<40x128xf32, #tpu.memory_space<vmem>>)
      "tpu.region"() ({
        %run_scoped3A = tpu.sem_alloc : memref<!tpu.dma_semaphore, #tpu.memory_space<semaphore_mem>>
        %dma_start3A_129 = arith.constant 0 : i32
        %dma_start3A_130 = tpu.memref_slice %arg7[%add3A_85, %dma_start3A_129] : memref<250x40xi32, #tpu.memory_space<vmem>> -> memref<1x40xi32, #tpu.memory_space<vmem>>
        %dma_start3A_131 = tpu.memref_squeeze %dma_start3A_130 : memref<1x40xi32, #tpu.memory_space<vmem>> -> memref<40xi32, #tpu.memory_space<vmem>>
        %dma_start3A_132 = arith.constant 0 : i32
        %dma_start3A_133 = arith.constant 0 : i32
        %dma_start3A_134 = tpu.memref_slice %arg8[%dma_start3A_132, %dma_start3A_133] : memref<10000x128xf32, #tpu.memory_space<vmem_shared>> -> memref<10000x128xf32, #tpu.memory_space<vmem_shared>>
        tpu.enqueue_indirect_dma source(%arg11 : memref<40x128xf32, #tpu.memory_space<vmem>>) target(%dma_start3A_134 : memref<10000x128xf32, #tpu.memory_space<vmem_shared>>) offsets(%dma_start3A_131 : memref<40xi32, #tpu.memory_space<vmem>>) semaphore(%run_scoped3A : memref<!tpu.dma_semaphore, #tpu.memory_space<semaphore_mem>>) {add = true}
        %dma_wait3A_135 = arith.constant 0 : i32
        %dma_wait3A_136 = tpu.memref_slice %arg7[%add3A_85, %dma_wait3A_135] : memref<250x40xi32, #tpu.memory_space<vmem>> -> memref<1x40xi32, #tpu.memory_space<vmem>>
        %dma_wait3A_137 = tpu.memref_squeeze %dma_wait3A_136 : memref<1x40xi32, #tpu.memory_space<vmem>> -> memref<40xi32, #tpu.memory_space<vmem>>
        %dma_wait3A_138 = arith.constant 0 : i32
        %dma_wait3A_139 = arith.constant 0 : i32
        %dma_wait3A_140 = tpu.memref_slice %arg8[%dma_wait3A_138, %dma_wait3A_139] : memref<10000x128xf32, #tpu.memory_space<vmem_shared>> -> memref<10000x128xf32, #tpu.memory_space<vmem_shared>>
        tpu.wait_indirect_dma semaphore(%run_scoped3A : memref<!tpu.dma_semaphore, #tpu.memory_space<semaphore_mem>>) src(%arg11 : memref<40x128xf32, #tpu.memory_space<vmem>>) dst(%dma_wait3A_140 : memref<10000x128xf32, #tpu.memory_space<vmem_shared>>)
        tpu.yield
      }) : () -> ()
      %add3A_92 = arith.constant 1 : i32
      %add3A_93 = arith.addi %scan3A_55, %add3A_92 : i32
      %lt3A_94 = arith.constant 50 : i32
      %lt3A_95 = arith.cmpi slt, %add3A_93, %lt3A_94 : i32
      %convert_element_type3A_96 = arith.extui %lt3A_95 : i1 to i32
      %cond3A_97 = arith.constant 0 : i32
      %cond3A_98 = arith.cmpi ne, %convert_element_type3A_96, %cond3A_97 : i32
      scf.if %cond3A_98 {
        %add3A_129 = arith.constant 5 : i32
        %add3A_130 = arith.addi %add3A_85, %add3A_129 : i32
        %dma_start3A_131 = arith.constant 0 : i32
        %dma_start3A_132 = tpu.memref_slice %arg6[%add3A_130, %dma_start3A_131] : memref<250x40xi32, #tpu.memory_space<vmem>> -> memref<1x40xi32, #tpu.memory_space<vmem>>
        %dma_start3A_133 = tpu.memref_squeeze %dma_start3A_132 : memref<1x40xi32, #tpu.memory_space<vmem>> -> memref<40xi32, #tpu.memory_space<vmem>>
        %dma_start3A_134 = arith.constant 0 : i32
        %dma_start3A_135 = arith.constant 0 : i32
        %dma_start3A_136 = tpu.memref_slice %arg2[%dma_start3A_134, %dma_start3A_135] : memref<10000x128xf32, #tpu.memory_space<hbm>> -> memref<10000x128xf32, #tpu.memory_space<hbm>>
        tpu.enqueue_indirect_dma source(%dma_start3A_136 : memref<10000x128xf32, #tpu.memory_space<hbm>>) target(%arg11 : memref<40x128xf32, #tpu.memory_space<vmem>>) offsets(%dma_start3A_133 : memref<40xi32, #tpu.memory_space<vmem>>) semaphore(%arg16 : memref<!tpu.dma_semaphore, #tpu.memory_space<semaphore_mem>>)
      } else {
      }
      %add3A_99 = arith.constant 3 : i32
      %add3A_100 = arith.addi %mul3A_57, %add3A_99 : i32
      %dma_wait3A_101 = arith.constant 0 : i32
      %dma_wait3A_102 = tpu.memref_slice %arg6[%add3A_100, %dma_wait3A_101] : memref<250x40xi32, #tpu.memory_space<vmem>> -> memref<1x40xi32, #tpu.memory_space<vmem>>
      %dma_wait3A_103 = tpu.memref_squeeze %dma_wait3A_102 : memref<1x40xi32, #tpu.memory_space<vmem>> -> memref<40xi32, #tpu.memory_space<vmem>>
      %dma_wait3A_104 = arith.constant 0 : i32
      %dma_wait3A_105 = arith.constant 0 : i32
      %dma_wait3A_106 = tpu.memref_slice %arg2[%dma_wait3A_104, %dma_wait3A_105] : memref<10000x128xf32, #tpu.memory_space<hbm>> -> memref<10000x128xf32, #tpu.memory_space<hbm>>
      tpu.wait_indirect_dma semaphore(%arg17 : memref<!tpu.dma_semaphore, #tpu.memory_space<semaphore_mem>>) src(%dma_wait3A_106 : memref<10000x128xf32, #tpu.memory_space<hbm>>) dst(%arg12 : memref<40x128xf32, #tpu.memory_space<vmem>>)
      "tpu.region"() ({
        %run_scoped3A = tpu.sem_alloc : memref<!tpu.dma_semaphore, #tpu.memory_space<semaphore_mem>>
        %dma_start3A_129 = arith.constant 0 : i32
        %dma_start3A_130 = tpu.memref_slice %arg7[%add3A_100, %dma_start3A_129] : memref<250x40xi32, #tpu.memory_space<vmem>> -> memref<1x40xi32, #tpu.memory_space<vmem>>
        %dma_start3A_131 = tpu.memref_squeeze %dma_start3A_130 : memref<1x40xi32, #tpu.memory_space<vmem>> -> memref<40xi32, #tpu.memory_space<vmem>>
        %dma_start3A_132 = arith.constant 0 : i32
        %dma_start3A_133 = arith.constant 0 : i32
        %dma_start3A_134 = tpu.memref_slice %arg8[%dma_start3A_132, %dma_start3A_133] : memref<10000x128xf32, #tpu.memory_space<vmem_shared>> -> memref<10000x128xf32, #tpu.memory_space<vmem_shared>>
        tpu.enqueue_indirect_dma source(%arg12 : memref<40x128xf32, #tpu.memory_space<vmem>>) target(%dma_start3A_134 : memref<10000x128xf32, #tpu.memory_space<vmem_shared>>) offsets(%dma_start3A_131 : memref<40xi32, #tpu.memory_space<vmem>>) semaphore(%run_scoped3A : memref<!tpu.dma_semaphore, #tpu.memory_space<semaphore_mem>>) {add = true}
        %dma_wait3A_135 = arith.constant 0 : i32
        %dma_wait3A_136 = tpu.memref_slice %arg7[%add3A_100, %dma_wait3A_135] : memref<250x40xi32, #tpu.memory_space<vmem>> -> memref<1x40xi32, #tpu.memory_space<vmem>>
        %dma_wait3A_137 = tpu.memref_squeeze %dma_wait3A_136 : memref<1x40xi32, #tpu.memory_space<vmem>> -> memref<40xi32, #tpu.memory_space<vmem>>
        %dma_wait3A_138 = arith.constant 0 : i32
        %dma_wait3A_139 = arith.constant 0 : i32
        %dma_wait3A_140 = tpu.memref_slice %arg8[%dma_wait3A_138, %dma_wait3A_139] : memref<10000x128xf32, #tpu.memory_space<vmem_shared>> -> memref<10000x128xf32, #tpu.memory_space<vmem_shared>>
        tpu.wait_indirect_dma semaphore(%run_scoped3A : memref<!tpu.dma_semaphore, #tpu.memory_space<semaphore_mem>>) src(%arg12 : memref<40x128xf32, #tpu.memory_space<vmem>>) dst(%dma_wait3A_140 : memref<10000x128xf32, #tpu.memory_space<vmem_shared>>)
        tpu.yield
      }) : () -> ()
      %add3A_107 = arith.constant 1 : i32
      %add3A_108 = arith.addi %scan3A_55, %add3A_107 : i32
      %lt3A_109 = arith.constant 50 : i32
      %lt3A_110 = arith.cmpi slt, %add3A_108, %lt3A_109 : i32
      %convert_element_type3A_111 = arith.extui %lt3A_110 : i1 to i32
      %cond3A_112 = arith.constant 0 : i32
      %cond3A_113 = arith.cmpi ne, %convert_element_type3A_111, %cond3A_112 : i32
      scf.if %cond3A_113 {
        %add3A_129 = arith.constant 5 : i32
        %add3A_130 = arith.addi %add3A_100, %add3A_129 : i32
        %dma_start3A_131 = arith.constant 0 : i32
        %dma_start3A_132 = tpu.memref_slice %arg6[%add3A_130, %dma_start3A_131] : memref<250x40xi32, #tpu.memory_space<vmem>> -> memref<1x40xi32, #tpu.memory_space<vmem>>
        %dma_start3A_133 = tpu.memref_squeeze %dma_start3A_132 : memref<1x40xi32, #tpu.memory_space<vmem>> -> memref<40xi32, #tpu.memory_space<vmem>>
        %dma_start3A_134 = arith.constant 0 : i32
        %dma_start3A_135 = arith.constant 0 : i32
        %dma_start3A_136 = tpu.memref_slice %arg2[%dma_start3A_134, %dma_start3A_135] : memref<10000x128xf32, #tpu.memory_space<hbm>> -> memref<10000x128xf32, #tpu.memory_space<hbm>>
        tpu.enqueue_indirect_dma source(%dma_start3A_136 : memref<10000x128xf32, #tpu.memory_space<hbm>>) target(%arg12 : memref<40x128xf32, #tpu.memory_space<vmem>>) offsets(%dma_start3A_133 : memref<40xi32, #tpu.memory_space<vmem>>) semaphore(%arg17 : memref<!tpu.dma_semaphore, #tpu.memory_space<semaphore_mem>>)
      } else {
      }
      %add3A_114 = arith.constant 4 : i32
      %add3A_115 = arith.addi %mul3A_57, %add3A_114 : i32
      %dma_wait3A_116 = arith.constant 0 : i32
      %dma_wait3A_117 = tpu.memref_slice %arg6[%add3A_115, %dma_wait3A_116] : memref<250x40xi32, #tpu.memory_space<vmem>> -> memref<1x40xi32, #tpu.memory_space<vmem>>
      %dma_wait3A_118 = tpu.memref_squeeze %dma_wait3A_117 : memref<1x40xi32, #tpu.memory_space<vmem>> -> memref<40xi32, #tpu.memory_space<vmem>>
      %dma_wait3A_119 = arith.constant 0 : i32
      %dma_wait3A_120 = arith.constant 0 : i32
      %dma_wait3A_121 = tpu.memref_slice %arg2[%dma_wait3A_119, %dma_wait3A_120] : memref<10000x128xf32, #tpu.memory_space<hbm>> -> memref<10000x128xf32, #tpu.memory_space<hbm>>
      tpu.wait_indirect_dma semaphore(%arg18 : memref<!tpu.dma_semaphore, #tpu.memory_space<semaphore_mem>>) src(%dma_wait3A_121 : memref<10000x128xf32, #tpu.memory_space<hbm>>) dst(%arg13 : memref<40x128xf32, #tpu.memory_space<vmem>>)
      "tpu.region"() ({
        %run_scoped3A = tpu.sem_alloc : memref<!tpu.dma_semaphore, #tpu.memory_space<semaphore_mem>>
        %dma_start3A_129 = arith.constant 0 : i32
        %dma_start3A_130 = tpu.memref_slice %arg7[%add3A_115, %dma_start3A_129] : memref<250x40xi32, #tpu.memory_space<vmem>> -> memref<1x40xi32, #tpu.memory_space<vmem>>
        %dma_start3A_131 = tpu.memref_squeeze %dma_start3A_130 : memref<1x40xi32, #tpu.memory_space<vmem>> -> memref<40xi32, #tpu.memory_space<vmem>>
        %dma_start3A_132 = arith.constant 0 : i32
        %dma_start3A_133 = arith.constant 0 : i32
        %dma_start3A_134 = tpu.memref_slice %arg8[%dma_start3A_132, %dma_start3A_133] : memref<10000x128xf32, #tpu.memory_space<vmem_shared>> -> memref<10000x128xf32, #tpu.memory_space<vmem_shared>>
        tpu.enqueue_indirect_dma source(%arg13 : memref<40x128xf32, #tpu.memory_space<vmem>>) target(%dma_start3A_134 : memref<10000x128xf32, #tpu.memory_space<vmem_shared>>) offsets(%dma_start3A_131 : memref<40xi32, #tpu.memory_space<vmem>>) semaphore(%run_scoped3A : memref<!tpu.dma_semaphore, #tpu.memory_space<semaphore_mem>>) {add = true}
        %dma_wait3A_135 = arith.constant 0 : i32
        %dma_wait3A_136 = tpu.memref_slice %arg7[%add3A_115, %dma_wait3A_135] : memref<250x40xi32, #tpu.memory_space<vmem>> -> memref<1x40xi32, #tpu.memory_space<vmem>>
        %dma_wait3A_137 = tpu.memref_squeeze %dma_wait3A_136 : memref<1x40xi32, #tpu.memory_space<vmem>> -> memref<40xi32, #tpu.memory_space<vmem>>
        %dma_wait3A_138 = arith.constant 0 : i32
        %dma_wait3A_139 = arith.constant 0 : i32
        %dma_wait3A_140 = tpu.memref_slice %arg8[%dma_wait3A_138, %dma_wait3A_139] : memref<10000x128xf32, #tpu.memory_space<vmem_shared>> -> memref<10000x128xf32, #tpu.memory_space<vmem_shared>>
        tpu.wait_indirect_dma semaphore(%run_scoped3A : memref<!tpu.dma_semaphore, #tpu.memory_space<semaphore_mem>>) src(%arg13 : memref<40x128xf32, #tpu.memory_space<vmem>>) dst(%dma_wait3A_140 : memref<10000x128xf32, #tpu.memory_space<vmem_shared>>)
        tpu.yield
      }) : () -> ()
      %add3A_122 = arith.constant 1 : i32
      %add3A_123 = arith.addi %scan3A_55, %add3A_122 : i32
      %lt3A_124 = arith.constant 50 : i32
      %lt3A_125 = arith.cmpi slt, %add3A_123, %lt3A_124 : i32
      %convert_element_type3A_126 = arith.extui %lt3A_125 : i1 to i32
      %cond3A_127 = arith.constant 0 : i32
      %cond3A_128 = arith.cmpi ne, %convert_element_type3A_126, %cond3A_127 : i32
      scf.if %cond3A_128 {
        %add3A_129 = arith.constant 5 : i32
        %add3A_130 = arith.addi %add3A_115, %add3A_129 : i32
        %dma_start3A_131 = arith.constant 0 : i32
        %dma_start3A_132 = tpu.memref_slice %arg6[%add3A_130, %dma_start3A_131] : memref<250x40xi32, #tpu.memory_space<vmem>> -> memref<1x40xi32, #tpu.memory_space<vmem>>
        %dma_start3A_133 = tpu.memref_squeeze %dma_start3A_132 : memref<1x40xi32, #tpu.memory_space<vmem>> -> memref<40xi32, #tpu.memory_space<vmem>>
        %dma_start3A_134 = arith.constant 0 : i32
        %dma_start3A_135 = arith.constant 0 : i32
        %dma_start3A_136 = tpu.memref_slice %arg2[%dma_start3A_134, %dma_start3A_135] : memref<10000x128xf32, #tpu.memory_space<hbm>> -> memref<10000x128xf32, #tpu.memory_space<hbm>>
        tpu.enqueue_indirect_dma source(%dma_start3A_136 : memref<10000x128xf32, #tpu.memory_space<hbm>>) target(%arg13 : memref<40x128xf32, #tpu.memory_space<vmem>>) offsets(%dma_start3A_133 : memref<40xi32, #tpu.memory_space<vmem>>) semaphore(%arg18 : memref<!tpu.dma_semaphore, #tpu.memory_space<semaphore_mem>>)
      } else {
      }
    }
    %scan3A_49 = arith.constant 50 : i32
    %barrier3A_50 = arith.constant 0 : index
    tpu.barrier barrier_id(%barrier3A_50)
    %mul3A_51 = arith.constant 624 : i32
    %mul3A_52 = arith.muli %arg1, %mul3A_51 : i32
    %mul3A_53 = arith.constant 624 : i32
    %mul3A_54 = arith.muli %arg1, %mul3A_53 : i32
    "tpu.region"() ({
      %run_scoped3A = tpu.sem_alloc : memref<!tpu.dma_semaphore, #tpu.memory_space<semaphore_mem>>
      %dma_start3A_55 = arith.constant 0 : i32
      %dma_start3A_56 = tpu.memref_slice %arg5[%arg0, %mul3A_54, %dma_start3A_55] : memref<2x10000x128xf32, #tpu.memory_space<hbm>> -> memref<1x640x128xf32, #tpu.memory_space<hbm>>
      %dma_start3A_57 = tpu.memref_squeeze %dma_start3A_56 : memref<1x640x128xf32, #tpu.memory_space<hbm>> -> memref<640x128xf32, #tpu.memory_space<hbm>>
      %dma_start3A_58 = arith.constant 0 : i32
      %dma_start3A_59 = tpu.memref_slice %arg8[%mul3A_52, %dma_start3A_58] : memref<10000x128xf32, #tpu.memory_space<vmem_shared>> -> memref<640x128xf32, #tpu.memory_space<vmem_shared>>
      tpu.enqueue_dma source(%dma_start3A_59 : memref<640x128xf32, #tpu.memory_space<vmem_shared>>) target(%dma_start3A_57 : memref<640x128xf32, #tpu.memory_space<hbm>>) target_semaphore(%run_scoped3A : memref<!tpu.dma_semaphore, #tpu.memory_space<semaphore_mem>>)
      %dma_wait3A = arith.constant 0 : i32
      %dma_wait3A_60 = tpu.memref_slice %arg5[%arg0, %mul3A_54, %dma_wait3A] : memref<2x10000x128xf32, #tpu.memory_space<hbm>> -> memref<1x640x128xf32, #tpu.memory_space<hbm>>
      %dma_wait3A_61 = tpu.memref_squeeze %dma_wait3A_60 : memref<1x640x128xf32, #tpu.memory_space<hbm>> -> memref<640x128xf32, #tpu.memory_space<hbm>>
      %dma_wait3A_62 = arith.constant 0 : i32
      %dma_wait3A_63 = tpu.memref_slice %arg8[%mul3A_52, %dma_wait3A_62] : memref<10000x128xf32, #tpu.memory_space<vmem_shared>> -> memref<640x128xf32, #tpu.memory_space<vmem_shared>>
      tpu.wait_dma2 semaphore(%run_scoped3A : memref<!tpu.dma_semaphore, #tpu.memory_space<semaphore_mem>>) src(%dma_wait3A_63 : memref<640x128xf32, #tpu.memory_space<vmem_shared>>) dst(%dma_wait3A_61 : memref<640x128xf32, #tpu.memory_space<hbm>>)
      tpu.yield
    }) : () -> ()
    return
  }
}

#map = affine_map<(d0, d1) -> (0, 0)>
#map1 = affine_map<(d0, d1) -> (0, 0, 0)>
module attributes {stable_mosaic.version = 14 : i64} {
  func.func @agg(%arg0: i32, %arg1: i32, %arg2: memref<10000x128xf32, #tpu.memory_space<hbm>>, %arg3: memref<32x250x40xi32, #tpu.memory_space<hbm>>, %arg4: memref<32x250x40xi32, #tpu.memory_space<hbm>>, %arg5: memref<2x10000x128xf32, #tpu.memory_space<hbm>>, %arg6: memref<250x40xi32, #tpu.memory_space<vmem>>, %arg7: memref<250x40xi32, #tpu.memory_space<vmem>>, %arg8: memref<10000x128xf32, #tpu.memory_space<vmem_shared>>, %arg9: memref<40x128xf32, #tpu.memory_space<vmem>>, %arg10: memref<40x128xf32, #tpu.memory_space<vmem>>, %arg11: memref<40x128xf32, #tpu.memory_space<vmem>>, %arg12: memref<40x128xf32, #tpu.memory_space<vmem>>, %arg13: memref<40x128xf32, #tpu.memory_space<vmem>>, %arg14: memref<!tpu.dma_semaphore, #tpu.memory_space<semaphore_mem>>, %arg15: memref<!tpu.dma_semaphore, #tpu.memory_space<semaphore_mem>>, %arg16: memref<!tpu.dma_semaphore, #tpu.memory_space<semaphore_mem>>, %arg17: memref<!tpu.dma_semaphore, #tpu.memory_space<semaphore_mem>>, %arg18: memref<!tpu.dma_semaphore, #tpu.memory_space<semaphore_mem>>) attributes {dimension_semantics = [#tpu.dimension_semantics<core_parallel>, #tpu.dimension_semantics<subcore_parallel>], iteration_bounds = array<i64: 2, 16>, scalar_prefetch = 0 : i64, scratch_operands = 13 : i64, tpu.core_type = #tpu.core_type<sc_vector_subcore>, window_params = [{transform_indices = #map}, {transform_indices = #map1}, {transform_indices = #map1}, {transform_indices = #map1}]} {
    %mul3A = arith.constant 16 : i32
    %mul3A_0 = arith.muli %arg0, %mul3A : i32
    %add3A = arith.addi %mul3A_0, %arg1 : i32
    %broadcast_in_dim3A = arith.constant 0.000000e+00 : f32
    %broadcast_in_dim3A_1 = vector.broadcast %broadcast_in_dim3A : f32 to vector<16xf32>
    %scan3A = arith.constant 0 : i32
    %scan3A_2 = arith.constant 40 : i32
    %scan3A_3 = arith.addi %scan3A, %scan3A_2 : i32
    %scan3A_4 = arith.constant 1 : i32
    scf.for %scan3A_55 = %scan3A to %scan3A_3 step %scan3A_4  : i32 {
      %swap3A = arith.index_cast %scan3A_55 : i32 to index
      %swap3A_56 = arith.constant 0 : index
      %swap3A_57 = tpu.vector_load %arg9[%swap3A, %swap3A_56] {strides = array<i32>} : memref<40x128xf32, #tpu.memory_space<vmem>>, vector<1x16xf32>,
      %swap3A_58 = vector.shape_cast %swap3A_57 : vector<1x16xf32> to vector<16xf32>
      %swap3A_59 = vector.shape_cast %broadcast_in_dim3A_1 : vector<16xf32> to vector<1x16xf32>
      tpu.vector_store %arg9[%swap3A, %swap3A_56], %swap3A_59 {strides = array<i32>} : memref<40x128xf32, #tpu.memory_space<vmem>>, vector<1x16xf32>,
      %swap3A_60 = arith.index_cast %scan3A_55 : i32 to index
      %swap3A_61 = arith.constant 16 : index
      %swap3A_62 = tpu.vector_load %arg9[%swap3A_60, %swap3A_61] {strides = array<i32>} : memref<40x128xf32, #tpu.memory_space<vmem>>, vector<1x16xf32>,
      %swap3A_63 = vector.shape_cast %swap3A_62 : vector<1x16xf32> to vector<16xf32>
      %swap3A_64 = vector.shape_cast %broadcast_in_dim3A_1 : vector<16xf32> to vector<1x16xf32>
      tpu.vector_store %arg9[%swap3A_60, %swap3A_61], %swap3A_64 {strides = array<i32>} : memref<40x128xf32, #tpu.memory_space<vmem>>, vector<1x16xf32>,
      %swap3A_65 = arith.index_cast %scan3A_55 : i32 to index
      %swap3A_66 = arith.constant 32 : index
      %swap3A_67 = tpu.vector_load %arg9[%swap3A_65, %swap3A_66] {strides = array<i32>} : memref<40x128xf32, #tpu.memory_space<vmem>>, vector<1x16xf32>,
      %swap3A_68 = vector.shape_cast %swap3A_67 : vector<1x16xf32> to vector<16xf32>
      %swap3A_69 = vector.shape_cast %broadcast_in_dim3A_1 : vector<16xf32> to vector<1x16xf32>
      tpu.vector_store %arg9[%swap3A_65, %swap3A_66], %swap3A_69 {strides = array<i32>} : memref<40x128xf32, #tpu.memory_space<vmem>>, vector<1x16xf32>,
      %swap3A_70 = arith.index_cast %scan3A_55 : i32 to index
      %swap3A_71 = arith.constant 48 : index
      %swap3A_72 = tpu.vector_load %arg9[%swap3A_70, %swap3A_71] {strides = array<i32>} : memref<40x128xf32, #tpu.memory_space<vmem>>, vector<1x16xf32>,
      %swap3A_73 = vector.shape_cast %swap3A_72 : vector<1x16xf32> to vector<16xf32>
      %swap3A_74 = vector.shape_cast %broadcast_in_dim3A_1 : vector<16xf32> to vector<1x16xf32>
      tpu.vector_store %arg9[%swap3A_70, %swap3A_71], %swap3A_74 {strides = array<i32>} : memref<40x128xf32, #tpu.memory_space<vmem>>, vector<1x16xf32>,
      %swap3A_75 = arith.index_cast %scan3A_55 : i32 to index
      %swap3A_76 = arith.constant 64 : index
      %swap3A_77 = tpu.vector_load %arg9[%swap3A_75, %swap3A_76] {strides = array<i32>} : memref<40x128xf32, #tpu.memory_space<vmem>>, vector<1x16xf32>,
      %swap3A_78 = vector.shape_cast %swap3A_77 : vector<1x16xf32> to vector<16xf32>
      %swap3A_79 = vector.shape_cast %broadcast_in_dim3A_1 : vector<16xf32> to vector<1x16xf32>
      tpu.vector_store %arg9[%swap3A_75, %swap3A_76], %swap3A_79 {strides = array<i32>} : memref<40x128xf32, #tpu.memory_space<vmem>>, vector<1x16xf32>,
      %swap3A_80 = arith.index_cast %scan3A_55 : i32 to index
      %swap3A_81 = arith.constant 80 : index
      %swap3A_82 = tpu.vector_load %arg9[%swap3A_80, %swap3A_81] {strides = array<i32>} : memref<40x128xf32, #tpu.memory_space<vmem>>, vector<1x16xf32>,
      %swap3A_83 = vector.shape_cast %swap3A_82 : vector<1x16xf32> to vector<16xf32>
      %swap3A_84 = vector.shape_cast %broadcast_in_dim3A_1 : vector<16xf32> to vector<1x16xf32>
      tpu.vector_store %arg9[%swap3A_80, %swap3A_81], %swap3A_84 {strides = array<i32>} : memref<40x128xf32, #tpu.memory_space<vmem>>, vector<1x16xf32>,
      %swap3A_85 = arith.index_cast %scan3A_55 : i32 to index
      %swap3A_86 = arith.constant 96 : index
      %swap3A_87 = tpu.vector_load %arg9[%swap3A_85, %swap3A_86] {strides = array<i32>} : memref<40x128xf32, #tpu.memory_space<vmem>>, vector<1x16xf32>,
      %swap3A_88 = vector.shape_cast %swap3A_87 : vector<1x16xf32> to vector<16xf32>
      %swap3A_89 = vector.shape_cast %broadcast_in_dim3A_1 : vector<16xf32> to vector<1x16xf32>
      tpu.vector_store %arg9[%swap3A_85, %swap3A_86], %swap3A_89 {strides = array<i32>} : memref<40x128xf32, #tpu.memory_space<vmem>>, vector<1x16xf32>,
      %swap3A_90 = arith.index_cast %scan3A_55 : i32 to index
      %swap3A_91 = arith.constant 112 : index
      %swap3A_92 = tpu.vector_load %arg9[%swap3A_90, %swap3A_91] {strides = array<i32>} : memref<40x128xf32, #tpu.memory_space<vmem>>, vector<1x16xf32>,
      %swap3A_93 = vector.shape_cast %swap3A_92 : vector<1x16xf32> to vector<16xf32>
      %swap3A_94 = vector.shape_cast %broadcast_in_dim3A_1 : vector<16xf32> to vector<1x16xf32>
      tpu.vector_store %arg9[%swap3A_90, %swap3A_91], %swap3A_94 {strides = array<i32>} : memref<40x128xf32, #tpu.memory_space<vmem>>, vector<1x16xf32>,
    }
    %scan3A_5 = arith.constant 40 : i32
    %scan3A_6 = arith.constant 0 : i32
    %scan3A_7 = arith.constant 16 : i32
    %scan3A_8 = arith.addi %scan3A_6, %scan3A_7 : i32
    %scan3A_9 = arith.constant 1 : i32
    scf.for %scan3A_55 = %scan3A_6 to %scan3A_8 step %scan3A_9  : i32 {
      %mul3A_56 = arith.constant 624 : i32
      %mul3A_57 = arith.muli %arg1, %mul3A_56 : i32
      %mul3A_58 = arith.constant 40 : i32
      %mul3A_59 = arith.muli %scan3A_55, %mul3A_58 : i32
      %add3A_60 = arith.addi %mul3A_57, %mul3A_59 : i32
      "tpu.region"() ({
        %run_scoped3A = tpu.sem_alloc : memref<!tpu.dma_semaphore, #tpu.memory_space<semaphore_mem>>
        %dma_start3A_61 = arith.constant 0 : i32
        %dma_start3A_62 = tpu.memref_slice %arg8[%add3A_60, %dma_start3A_61] : memref<10000x128xf32, #tpu.memory_space<vmem_shared>> -> memref<40x128xf32, #tpu.memory_space<vmem_shared>>
        %dma_start3A_63 = arith.constant 0 : i32
        %dma_start3A_64 = tpu.memref_slice %arg8[%add3A_60, %dma_start3A_63] : memref<10000x128xf32, #tpu.memory_space<vmem_shared>> -> memref<40x128xf32, #tpu.memory_space<vmem_shared>>
        tpu.enqueue_dma source(%arg9 : memref<40x128xf32, #tpu.memory_space<vmem>>) target(%dma_start3A_64 : memref<40x128xf32, #tpu.memory_space<vmem_shared>>) target_semaphore(%run_scoped3A : memref<!tpu.dma_semaphore, #tpu.memory_space<semaphore_mem>>)
        %dma_wait3A = arith.constant 0 : i32
        %dma_wait3A_65 = tpu.memref_slice %arg8[%add3A_60, %dma_wait3A] : memref<10000x128xf32, #tpu.memory_space<vmem_shared>> -> memref<40x128xf32, #tpu.memory_space<vmem_shared>>
        %dma_wait3A_66 = arith.constant 0 : i32
        %dma_wait3A_67 = tpu.memref_slice %arg8[%add3A_60, %dma_wait3A_66] : memref<10000x128xf32, #tpu.memory_space<vmem_shared>> -> memref<40x128xf32, #tpu.memory_space<vmem_shared>>
        tpu.wait_dma2 semaphore(%run_scoped3A : memref<!tpu.dma_semaphore, #tpu.memory_space<semaphore_mem>>) src(%arg9 : memref<40x128xf32, #tpu.memory_space<vmem>>) dst(%dma_wait3A_67 : memref<40x128xf32, #tpu.memory_space<vmem_shared>>)
        tpu.yield
      }) : () -> ()
    }
    %scan3A_10 = arith.constant 16 : i32
    "tpu.region"() ({
      %run_scoped3A = tpu.sem_alloc : memref<!tpu.dma_semaphore, #tpu.memory_space<semaphore_mem>>
      %dma_start3A_55 = arith.constant 0 : i32
      %dma_start3A_56 = arith.constant 0 : i32
      %dma_start3A_57 = tpu.memref_slice %arg3[%add3A, %dma_start3A_55, %dma_start3A_56] : memref<32x250x40xi32, #tpu.memory_space<hbm>> -> memref<1x250x40xi32, #tpu.memory_space<hbm>>
      %dma_start3A_58 = tpu.memref_squeeze %dma_start3A_57 : memref<1x250x40xi32, #tpu.memory_space<hbm>> -> memref<250x40xi32, #tpu.memory_space<hbm>>
      %dma_start3A_59 = arith.constant 0 : i32
      %dma_start3A_60 = arith.constant 0 : i32
      %dma_start3A_61 = tpu.memref_slice %arg3[%add3A, %dma_start3A_59, %dma_start3A_60] : memref<32x250x40xi32, #tpu.memory_space<hbm>> -> memref<1x250x40xi32, #tpu.memory_space<hbm>>
      %dma_start3A_62 = tpu.memref_squeeze %dma_start3A_61 : memref<1x250x40xi32, #tpu.memory_space<hbm>> -> memref<250x40xi32, #tpu.memory_space<hbm>>
      tpu.enqueue_dma source(%dma_start3A_62 : memref<250x40xi32, #tpu.memory_space<hbm>>) target(%arg6 : memref<250x40xi32, #tpu.memory_space<vmem>>) target_semaphore(%run_scoped3A : memref<!tpu.dma_semaphore, #tpu.memory_space<semaphore_mem>>)
      %dma_wait3A = arith.constant 0 : i32
      %dma_wait3A_63 = arith.constant 0 : i32
      %dma_wait3A_64 = tpu.memref_slice %arg3[%add3A, %dma_wait3A, %dma_wait3A_63] : memref<32x250x40xi32, #tpu.memory_space<hbm>> -> memref<1x250x40xi32, #tpu.memory_space<hbm>>
      %dma_wait3A_65 = tpu.memref_squeeze %dma_wait3A_64 : memref<1x250x40xi32, #tpu.memory_space<hbm>> -> memref<250x40xi32, #tpu.memory_space<hbm>>
      %dma_wait3A_66 = arith.constant 0 : i32
      %dma_wait3A_67 = arith.constant 0 : i32
      %dma_wait3A_68 = tpu.memref_slice %arg3[%add3A, %dma_wait3A_66, %dma_wait3A_67] : memref<32x250x40xi32, #tpu.memory_space<hbm>> -> memref<1x250x40xi32, #tpu.memory_space<hbm>>
      %dma_wait3A_69 = tpu.memref_squeeze %dma_wait3A_68 : memref<1x250x40xi32, #tpu.memory_space<hbm>> -> memref<250x40xi32, #tpu.memory_space<hbm>>
      tpu.wait_dma2 semaphore(%run_scoped3A : memref<!tpu.dma_semaphore, #tpu.memory_space<semaphore_mem>>) src(%dma_wait3A_69 : memref<250x40xi32, #tpu.memory_space<hbm>>) dst(%arg6 : memref<250x40xi32, #tpu.memory_space<vmem>>)
      tpu.yield
    }) : () -> ()
    "tpu.region"() ({
      %run_scoped3A = tpu.sem_alloc : memref<!tpu.dma_semaphore, #tpu.memory_space<semaphore_mem>>
      %dma_start3A_55 = arith.constant 0 : i32
      %dma_start3A_56 = arith.constant 0 : i32
      %dma_start3A_57 = tpu.memref_slice %arg4[%add3A, %dma_start3A_55, %dma_start3A_56] : memref<32x250x40xi32, #tpu.memory_space<hbm>> -> memref<1x250x40xi32, #tpu.memory_space<hbm>>
      %dma_start3A_58 = tpu.memref_squeeze %dma_start3A_57 : memref<1x250x40xi32, #tpu.memory_space<hbm>> -> memref<250x40xi32, #tpu.memory_space<hbm>>
      %dma_start3A_59 = arith.constant 0 : i32
      %dma_start3A_60 = arith.constant 0 : i32
      %dma_start3A_61 = tpu.memref_slice %arg4[%add3A, %dma_start3A_59, %dma_start3A_60] : memref<32x250x40xi32, #tpu.memory_space<hbm>> -> memref<1x250x40xi32, #tpu.memory_space<hbm>>
      %dma_start3A_62 = tpu.memref_squeeze %dma_start3A_61 : memref<1x250x40xi32, #tpu.memory_space<hbm>> -> memref<250x40xi32, #tpu.memory_space<hbm>>
      tpu.enqueue_dma source(%dma_start3A_62 : memref<250x40xi32, #tpu.memory_space<hbm>>) target(%arg7 : memref<250x40xi32, #tpu.memory_space<vmem>>) target_semaphore(%run_scoped3A : memref<!tpu.dma_semaphore, #tpu.memory_space<semaphore_mem>>)
      %dma_wait3A = arith.constant 0 : i32
      %dma_wait3A_63 = arith.constant 0 : i32
      %dma_wait3A_64 = tpu.memref_slice %arg4[%add3A, %dma_wait3A, %dma_wait3A_63] : memref<32x250x40xi32, #tpu.memory_space<hbm>> -> memref<1x250x40xi32, #tpu.memory_space<hbm>>
      %dma_wait3A_65 = tpu.memref_squeeze %dma_wait3A_64 : memref<1x250x40xi32, #tpu.memory_space<hbm>> -> memref<250x40xi32, #tpu.memory_space<hbm>>
      %dma_wait3A_66 = arith.constant 0 : i32
      %dma_wait3A_67 = arith.constant 0 : i32
      %dma_wait3A_68 = tpu.memref_slice %arg4[%add3A, %dma_wait3A_66, %dma_wait3A_67] : memref<32x250x40xi32, #tpu.memory_space<hbm>> -> memref<1x250x40xi32, #tpu.memory_space<hbm>>
      %dma_wait3A_69 = tpu.memref_squeeze %dma_wait3A_68 : memref<1x250x40xi32, #tpu.memory_space<hbm>> -> memref<250x40xi32, #tpu.memory_space<hbm>>
      tpu.wait_dma2 semaphore(%run_scoped3A : memref<!tpu.dma_semaphore, #tpu.memory_space<semaphore_mem>>) src(%dma_wait3A_69 : memref<250x40xi32, #tpu.memory_space<hbm>>) dst(%arg7 : memref<250x40xi32, #tpu.memory_space<vmem>>)
      tpu.yield
    }) : () -> ()
    %barrier3A = arith.constant 0 : index
    tpu.barrier barrier_id(%barrier3A)
    %dma_start3A = arith.constant 0 : i32
    %dma_start3A_11 = arith.constant 0 : i32
    %dma_start3A_12 = tpu.memref_slice %arg6[%dma_start3A, %dma_start3A_11] : memref<250x40xi32, #tpu.memory_space<vmem>> -> memref<1x40xi32, #tpu.memory_space<vmem>>
    %dma_start3A_13 = tpu.memref_squeeze %dma_start3A_12 : memref<1x40xi32, #tpu.memory_space<vmem>> -> memref<40xi32, #tpu.memory_space<vmem>>
    %dma_start3A_14 = arith.constant 0 : i32
    %dma_start3A_15 = arith.constant 0 : i32
    %dma_start3A_16 = tpu.memref_slice %arg2[%dma_start3A_14, %dma_start3A_15] : memref<10000x128xf32, #tpu.memory_space<hbm>> -> memref<10000x128xf32, #tpu.memory_space<hbm>>
    tpu.enqueue_indirect_dma source(%dma_start3A_16 : memref<10000x128xf32, #tpu.memory_space<hbm>>) target(%arg9 : memref<40x128xf32, #tpu.memory_space<vmem>>) offsets(%dma_start3A_13 : memref<40xi32, #tpu.memory_space<vmem>>) semaphore(%arg14 : memref<!tpu.dma_semaphore, #tpu.memory_space<semaphore_mem>>)
    %dma_start3A_17 = arith.constant 1 : i32
    %dma_start3A_18 = arith.constant 0 : i32
    %dma_start3A_19 = tpu.memref_slice %arg6[%dma_start3A_17, %dma_start3A_18] : memref<250x40xi32, #tpu.memory_space<vmem>> -> memref<1x40xi32, #tpu.memory_space<vmem>>
    %dma_start3A_20 = tpu.memref_squeeze %dma_start3A_19 : memref<1x40xi32, #tpu.memory_space<vmem>> -> memref<40xi32, #tpu.memory_space<vmem>>
    %dma_start3A_21 = arith.constant 0 : i32
    %dma_start3A_22 = arith.constant 0 : i32
    %dma_start3A_23 = tpu.memref_slice %arg2[%dma_start3A_21, %dma_start3A_22] : memref<10000x128xf32, #tpu.memory_space<hbm>> -> memref<10000x128xf32, #tpu.memory_space<hbm>>
    tpu.enqueue_indirect_dma source(%dma_start3A_23 : memref<10000x128xf32, #tpu.memory_space<hbm>>) target(%arg10 : memref<40x128xf32, #tpu.memory_space<vmem>>) offsets(%dma_start3A_20 : memref<40xi32, #tpu.memory_space<vmem>>) semaphore(%arg15 : memref<!tpu.dma_semaphore, #tpu.memory_space<semaphore_mem>>)
    %dma_start3A_24 = arith.constant 2 : i32
    %dma_start3A_25 = arith.constant 0 : i32
    %dma_start3A_26 = tpu.memref_slice %arg6[%dma_start3A_24, %dma_start3A_25] : memref<250x40xi32, #tpu.memory_space<vmem>> -> memref<1x40xi32, #tpu.memory_space<vmem>>
    %dma_start3A_27 = tpu.memref_squeeze %dma_start3A_26 : memref<1x40xi32, #tpu.memory_space<vmem>> -> memref<40xi32, #tpu.memory_space<vmem>>
    %dma_start3A_28 = arith.constant 0 : i32
    %dma_start3A_29 = arith.constant 0 : i32
    %dma_start3A_30 = tpu.memref_slice %arg2[%dma_start3A_28, %dma_start3A_29] : memref<10000x128xf32, #tpu.memory_space<hbm>> -> memref<10000x128xf32, #tpu.memory_space<hbm>>
    tpu.enqueue_indirect_dma source(%dma_start3A_30 : memref<10000x128xf32, #tpu.memory_space<hbm>>) target(%arg11 : memref<40x128xf32, #tpu.memory_space<vmem>>) offsets(%dma_start3A_27 : memref<40xi32, #tpu.memory_space<vmem>>) semaphore(%arg16 : memref<!tpu.dma_semaphore, #tpu.memory_space<semaphore_mem>>)
    %dma_start3A_31 = arith.constant 3 : i32
    %dma_start3A_32 = arith.constant 0 : i32
    %dma_start3A_33 = tpu.memref_slice %arg6[%dma_start3A_31, %dma_start3A_32] : memref<250x40xi32, #tpu.memory_space<vmem>> -> memref<1x40xi32, #tpu.memory_space<vmem>>
    %dma_start3A_34 = tpu.memref_squeeze %dma_start3A_33 : memref<1x40xi32, #tpu.memory_space<vmem>> -> memref<40xi32, #tpu.memory_space<vmem>>
    %dma_start3A_35 = arith.constant 0 : i32
    %dma_start3A_36 = arith.constant 0 : i32
    %dma_start3A_37 = tpu.memref_slice %arg2[%dma_start3A_35, %dma_start3A_36] : memref<10000x128xf32, #tpu.memory_space<hbm>> -> memref<10000x128xf32, #tpu.memory_space<hbm>>
    tpu.enqueue_indirect_dma source(%dma_start3A_37 : memref<10000x128xf32, #tpu.memory_space<hbm>>) target(%arg12 : memref<40x128xf32, #tpu.memory_space<vmem>>) offsets(%dma_start3A_34 : memref<40xi32, #tpu.memory_space<vmem>>) semaphore(%arg17 : memref<!tpu.dma_semaphore, #tpu.memory_space<semaphore_mem>>)
    %dma_start3A_38 = arith.constant 4 : i32
    %dma_start3A_39 = arith.constant 0 : i32
    %dma_start3A_40 = tpu.memref_slice %arg6[%dma_start3A_38, %dma_start3A_39] : memref<250x40xi32, #tpu.memory_space<vmem>> -> memref<1x40xi32, #tpu.memory_space<vmem>>
    %dma_start3A_41 = tpu.memref_squeeze %dma_start3A_40 : memref<1x40xi32, #tpu.memory_space<vmem>> -> memref<40xi32, #tpu.memory_space<vmem>>
    %dma_start3A_42 = arith.constant 0 : i32
    %dma_start3A_43 = arith.constant 0 : i32
    %dma_start3A_44 = tpu.memref_slice %arg2[%dma_start3A_42, %dma_start3A_43] : memref<10000x128xf32, #tpu.memory_space<hbm>> -> memref<10000x128xf32, #tpu.memory_space<hbm>>
    tpu.enqueue_indirect_dma source(%dma_start3A_44 : memref<10000x128xf32, #tpu.memory_space<hbm>>) target(%arg13 : memref<40x128xf32, #tpu.memory_space<vmem>>) offsets(%dma_start3A_41 : memref<40xi32, #tpu.memory_space<vmem>>) semaphore(%arg18 : memref<!tpu.dma_semaphore, #tpu.memory_space<semaphore_mem>>)
    %scan3A_45 = arith.constant 0 : i32
    %scan3A_46 = arith.constant 50 : i32
    %scan3A_47 = arith.addi %scan3A_45, %scan3A_46 : i32
    %scan3A_48 = arith.constant 1 : i32
    scf.for %scan3A_55 = %scan3A_45 to %scan3A_47 step %scan3A_48  : i32 {
      %mul3A_56 = arith.constant 5 : i32
      %mul3A_57 = arith.muli %scan3A_55, %mul3A_56 : i32
      %add3A_58 = arith.constant 0 : i32
      %add3A_59 = arith.addi %mul3A_57, %add3A_58 : i32
      %dma_wait3A = arith.constant 0 : i32
      %dma_wait3A_60 = tpu.memref_slice %arg6[%add3A_59, %dma_wait3A] : memref<250x40xi32, #tpu.memory_space<vmem>> -> memref<1x40xi32, #tpu.memory_space<vmem>>
      %dma_wait3A_61 = tpu.memref_squeeze %dma_wait3A_60 : memref<1x40xi32, #tpu.memory_space<vmem>> -> memref<40xi32, #tpu.memory_space<vmem>>
      %dma_wait3A_62 = arith.constant 0 : i32
      %dma_wait3A_63 = arith.constant 0 : i32
      %dma_wait3A_64 = tpu.memref_slice %arg2[%dma_wait3A_62, %dma_wait3A_63] : memref<10000x128xf32, #tpu.memory_space<hbm>> -> memref<10000x128xf32, #tpu.memory_space<hbm>>
      tpu.wait_indirect_dma semaphore(%arg14 : memref<!tpu.dma_semaphore, #tpu.memory_space<semaphore_mem>>) src(%dma_wait3A_64 : memref<10000x128xf32, #tpu.memory_space<hbm>>) dst(%arg9 : memref<40x128xf32, #tpu.memory_space<vmem>>)
      "tpu.region"() ({
        %run_scoped3A = tpu.sem_alloc : memref<!tpu.dma_semaphore, #tpu.memory_space<semaphore_mem>>
        %dma_start3A_129 = arith.constant 0 : i32
        %dma_start3A_130 = tpu.memref_slice %arg7[%add3A_59, %dma_start3A_129] : memref<250x40xi32, #tpu.memory_space<vmem>> -> memref<1x40xi32, #tpu.memory_space<vmem>>
        %dma_start3A_131 = tpu.memref_squeeze %dma_start3A_130 : memref<1x40xi32, #tpu.memory_space<vmem>> -> memref<40xi32, #tpu.memory_space<vmem>>
        %dma_start3A_132 = arith.constant 0 : i32
        %dma_start3A_133 = arith.constant 0 : i32
        %dma_start3A_134 = tpu.memref_slice %arg8[%dma_start3A_132, %dma_start3A_133] : memref<10000x128xf32, #tpu.memory_space<vmem_shared>> -> memref<10000x128xf32, #tpu.memory_space<vmem_shared>>
        tpu.enqueue_indirect_dma source(%arg9 : memref<40x128xf32, #tpu.memory_space<vmem>>) target(%dma_start3A_134 : memref<10000x128xf32, #tpu.memory_space<vmem_shared>>) offsets(%dma_start3A_131 : memref<40xi32, #tpu.memory_space<vmem>>) semaphore(%run_scoped3A : memref<!tpu.dma_semaphore, #tpu.memory_space<semaphore_mem>>) {add = true}
        %dma_wait3A_135 = arith.constant 0 : i32
        %dma_wait3A_136 = tpu.memref_slice %arg7[%add3A_59, %dma_wait3A_135] : memref<250x40xi32, #tpu.memory_space<vmem>> -> memref<1x40xi32, #tpu.memory_space<vmem>>
        %dma_wait3A_137 = tpu.memref_squeeze %dma_wait3A_136 : memref<1x40xi32, #tpu.memory_space<vmem>> -> memref<40xi32, #tpu.memory_space<vmem>>
        %dma_wait3A_138 = arith.constant 0 : i32
        %dma_wait3A_139 = arith.constant 0 : i32
        %dma_wait3A_140 = tpu.memref_slice %arg8[%dma_wait3A_138, %dma_wait3A_139] : memref<10000x128xf32, #tpu.memory_space<vmem_shared>> -> memref<10000x128xf32, #tpu.memory_space<vmem_shared>>
        tpu.wait_indirect_dma semaphore(%run_scoped3A : memref<!tpu.dma_semaphore, #tpu.memory_space<semaphore_mem>>) src(%arg9 : memref<40x128xf32, #tpu.memory_space<vmem>>) dst(%dma_wait3A_140 : memref<10000x128xf32, #tpu.memory_space<vmem_shared>>)
        tpu.yield
      }) : () -> ()
      %add3A_65 = arith.constant 1 : i32
      %add3A_66 = arith.addi %scan3A_55, %add3A_65 : i32
      %lt3A = arith.constant 50 : i32
      %lt3A_67 = arith.cmpi slt, %add3A_66, %lt3A : i32
      %convert_element_type3A = arith.extui %lt3A_67 : i1 to i32
      %cond3A = arith.constant 0 : i32
      %cond3A_68 = arith.cmpi ne, %convert_element_type3A, %cond3A : i32
      scf.if %cond3A_68 {
        %add3A_129 = arith.constant 5 : i32
        %add3A_130 = arith.addi %add3A_59, %add3A_129 : i32
        %dma_start3A_131 = arith.constant 0 : i32
        %dma_start3A_132 = tpu.memref_slice %arg6[%add3A_130, %dma_start3A_131] : memref<250x40xi32, #tpu.memory_space<vmem>> -> memref<1x40xi32, #tpu.memory_space<vmem>>
        %dma_start3A_133 = tpu.memref_squeeze %dma_start3A_132 : memref<1x40xi32, #tpu.memory_space<vmem>> -> memref<40xi32, #tpu.memory_space<vmem>>
        %dma_start3A_134 = arith.constant 0 : i32
        %dma_start3A_135 = arith.constant 0 : i32
        %dma_start3A_136 = tpu.memref_slice %arg2[%dma_start3A_134, %dma_start3A_135] : memref<10000x128xf32, #tpu.memory_space<hbm>> -> memref<10000x128xf32, #tpu.memory_space<hbm>>
        tpu.enqueue_indirect_dma source(%dma_start3A_136 : memref<10000x128xf32, #tpu.memory_space<hbm>>) target(%arg9 : memref<40x128xf32, #tpu.memory_space<vmem>>) offsets(%dma_start3A_133 : memref<40xi32, #tpu.memory_space<vmem>>) semaphore(%arg14 : memref<!tpu.dma_semaphore, #tpu.memory_space<semaphore_mem>>)
      } else {
      }
      %add3A_69 = arith.constant 1 : i32
      %add3A_70 = arith.addi %mul3A_57, %add3A_69 : i32
      %dma_wait3A_71 = arith.constant 0 : i32
      %dma_wait3A_72 = tpu.memref_slice %arg6[%add3A_70, %dma_wait3A_71] : memref<250x40xi32, #tpu.memory_space<vmem>> -> memref<1x40xi32, #tpu.memory_space<vmem>>
      %dma_wait3A_73 = tpu.memref_squeeze %dma_wait3A_72 : memref<1x40xi32, #tpu.memory_space<vmem>> -> memref<40xi32, #tpu.memory_space<vmem>>
      %dma_wait3A_74 = arith.constant 0 : i32
      %dma_wait3A_75 = arith.constant 0 : i32
      %dma_wait3A_76 = tpu.memref_slice %arg2[%dma_wait3A_74, %dma_wait3A_75] : memref<10000x128xf32, #tpu.memory_space<hbm>> -> memref<10000x128xf32, #tpu.memory_space<hbm>>
      tpu.wait_indirect_dma semaphore(%arg15 : memref<!tpu.dma_semaphore, #tpu.memory_space<semaphore_mem>>) src(%dma_wait3A_76 : memref<10000x128xf32, #tpu.memory_space<hbm>>) dst(%arg10 : memref<40x128xf32, #tpu.memory_space<vmem>>)
      "tpu.region"() ({
        %run_scoped3A = tpu.sem_alloc : memref<!tpu.dma_semaphore, #tpu.memory_space<semaphore_mem>>
        %dma_start3A_129 = arith.constant 0 : i32
        %dma_start3A_130 = tpu.memref_slice %arg7[%add3A_70, %dma_start3A_129] : memref<250x40xi32, #tpu.memory_space<vmem>> -> memref<1x40xi32, #tpu.memory_space<vmem>>
        %dma_start3A_131 = tpu.memref_squeeze %dma_start3A_130 : memref<1x40xi32, #tpu.memory_space<vmem>> -> memref<40xi32, #tpu.memory_space<vmem>>
        %dma_start3A_132 = arith.constant 0 : i32
        %dma_start3A_133 = arith.constant 0 : i32
        %dma_start3A_134 = tpu.memref_slice %arg8[%dma_start3A_132, %dma_start3A_133] : memref<10000x128xf32, #tpu.memory_space<vmem_shared>> -> memref<10000x128xf32, #tpu.memory_space<vmem_shared>>
        tpu.enqueue_indirect_dma source(%arg10 : memref<40x128xf32, #tpu.memory_space<vmem>>) target(%dma_start3A_134 : memref<10000x128xf32, #tpu.memory_space<vmem_shared>>) offsets(%dma_start3A_131 : memref<40xi32, #tpu.memory_space<vmem>>) semaphore(%run_scoped3A : memref<!tpu.dma_semaphore, #tpu.memory_space<semaphore_mem>>) {add = true}
        %dma_wait3A_135 = arith.constant 0 : i32
        %dma_wait3A_136 = tpu.memref_slice %arg7[%add3A_70, %dma_wait3A_135] : memref<250x40xi32, #tpu.memory_space<vmem>> -> memref<1x40xi32, #tpu.memory_space<vmem>>
        %dma_wait3A_137 = tpu.memref_squeeze %dma_wait3A_136 : memref<1x40xi32, #tpu.memory_space<vmem>> -> memref<40xi32, #tpu.memory_space<vmem>>
        %dma_wait3A_138 = arith.constant 0 : i32
        %dma_wait3A_139 = arith.constant 0 : i32
        %dma_wait3A_140 = tpu.memref_slice %arg8[%dma_wait3A_138, %dma_wait3A_139] : memref<10000x128xf32, #tpu.memory_space<vmem_shared>> -> memref<10000x128xf32, #tpu.memory_space<vmem_shared>>
        tpu.wait_indirect_dma semaphore(%run_scoped3A : memref<!tpu.dma_semaphore, #tpu.memory_space<semaphore_mem>>) src(%arg10 : memref<40x128xf32, #tpu.memory_space<vmem>>) dst(%dma_wait3A_140 : memref<10000x128xf32, #tpu.memory_space<vmem_shared>>)
        tpu.yield
      }) : () -> ()
      %add3A_77 = arith.constant 1 : i32
      %add3A_78 = arith.addi %scan3A_55, %add3A_77 : i32
      %lt3A_79 = arith.constant 50 : i32
      %lt3A_80 = arith.cmpi slt, %add3A_78, %lt3A_79 : i32
      %convert_element_type3A_81 = arith.extui %lt3A_80 : i1 to i32
      %cond3A_82 = arith.constant 0 : i32
      %cond3A_83 = arith.cmpi ne, %convert_element_type3A_81, %cond3A_82 : i32
      scf.if %cond3A_83 {
        %add3A_129 = arith.constant 5 : i32
        %add3A_130 = arith.addi %add3A_70, %add3A_129 : i32
        %dma_start3A_131 = arith.constant 0 : i32
        %dma_start3A_132 = tpu.memref_slice %arg6[%add3A_130, %dma_start3A_131] : memref<250x40xi32, #tpu.memory_space<vmem>> -> memref<1x40xi32, #tpu.memory_space<vmem>>
        %dma_start3A_133 = tpu.memref_squeeze %dma_start3A_132 : memref<1x40xi32, #tpu.memory_space<vmem>> -> memref<40xi32, #tpu.memory_space<vmem>>
        %dma_start3A_134 = arith.constant 0 : i32
        %dma_start3A_135 = arith.constant 0 : i32
        %dma_start3A_136 = tpu.memref_slice %arg2[%dma_start3A_134, %dma_start3A_135] : memref<10000x128xf32, #tpu.memory_space<hbm>> -> memref<10000x128xf32, #tpu.memory_space<hbm>>
        tpu.enqueue_indirect_dma source(%dma_start3A_136 : memref<10000x128xf32, #tpu.memory_space<hbm>>) target(%arg10 : memref<40x128xf32, #tpu.memory_space<vmem>>) offsets(%dma_start3A_133 : memref<40xi32, #tpu.memory_space<vmem>>) semaphore(%arg15 : memref<!tpu.dma_semaphore, #tpu.memory_space<semaphore_mem>>)
      } else {
      }
      %add3A_84 = arith.constant 2 : i32
      %add3A_85 = arith.addi %mul3A_57, %add3A_84 : i32
      %dma_wait3A_86 = arith.constant 0 : i32
      %dma_wait3A_87 = tpu.memref_slice %arg6[%add3A_85, %dma_wait3A_86] : memref<250x40xi32, #tpu.memory_space<vmem>> -> memref<1x40xi32, #tpu.memory_space<vmem>>
      %dma_wait3A_88 = tpu.memref_squeeze %dma_wait3A_87 : memref<1x40xi32, #tpu.memory_space<vmem>> -> memref<40xi32, #tpu.memory_space<vmem>>
      %dma_wait3A_89 = arith.constant 0 : i32
      %dma_wait3A_90 = arith.constant 0 : i32
      %dma_wait3A_91 = tpu.memref_slice %arg2[%dma_wait3A_89, %dma_wait3A_90] : memref<10000x128xf32, #tpu.memory_space<hbm>> -> memref<10000x128xf32, #tpu.memory_space<hbm>>
      tpu.wait_indirect_dma semaphore(%arg16 : memref<!tpu.dma_semaphore, #tpu.memory_space<semaphore_mem>>) src(%dma_wait3A_91 : memref<10000x128xf32, #tpu.memory_space<hbm>>) dst(%arg11 : memref<40x128xf32, #tpu.memory_space<vmem>>)
      "tpu.region"() ({
        %run_scoped3A = tpu.sem_alloc : memref<!tpu.dma_semaphore, #tpu.memory_space<semaphore_mem>>
        %dma_start3A_129 = arith.constant 0 : i32
        %dma_start3A_130 = tpu.memref_slice %arg7[%add3A_85, %dma_start3A_129] : memref<250x40xi32, #tpu.memory_space<vmem>> -> memref<1x40xi32, #tpu.memory_space<vmem>>
        %dma_start3A_131 = tpu.memref_squeeze %dma_start3A_130 : memref<1x40xi32, #tpu.memory_space<vmem>> -> memref<40xi32, #tpu.memory_space<vmem>>
        %dma_start3A_132 = arith.constant 0 : i32
        %dma_start3A_133 = arith.constant 0 : i32
        %dma_start3A_134 = tpu.memref_slice %arg8[%dma_start3A_132, %dma_start3A_133] : memref<10000x128xf32, #tpu.memory_space<vmem_shared>> -> memref<10000x128xf32, #tpu.memory_space<vmem_shared>>
        tpu.enqueue_indirect_dma source(%arg11 : memref<40x128xf32, #tpu.memory_space<vmem>>) target(%dma_start3A_134 : memref<10000x128xf32, #tpu.memory_space<vmem_shared>>) offsets(%dma_start3A_131 : memref<40xi32, #tpu.memory_space<vmem>>) semaphore(%run_scoped3A : memref<!tpu.dma_semaphore, #tpu.memory_space<semaphore_mem>>) {add = true}
        %dma_wait3A_135 = arith.constant 0 : i32
        %dma_wait3A_136 = tpu.memref_slice %arg7[%add3A_85, %dma_wait3A_135] : memref<250x40xi32, #tpu.memory_space<vmem>> -> memref<1x40xi32, #tpu.memory_space<vmem>>
        %dma_wait3A_137 = tpu.memref_squeeze %dma_wait3A_136 : memref<1x40xi32, #tpu.memory_space<vmem>> -> memref<40xi32, #tpu.memory_space<vmem>>
        %dma_wait3A_138 = arith.constant 0 : i32
        %dma_wait3A_139 = arith.constant 0 : i32
        %dma_wait3A_140 = tpu.memref_slice %arg8[%dma_wait3A_138, %dma_wait3A_139] : memref<10000x128xf32, #tpu.memory_space<vmem_shared>> -> memref<10000x128xf32, #tpu.memory_space<vmem_shared>>
        tpu.wait_indirect_dma semaphore(%run_scoped3A : memref<!tpu.dma_semaphore, #tpu.memory_space<semaphore_mem>>) src(%arg11 : memref<40x128xf32, #tpu.memory_space<vmem>>) dst(%dma_wait3A_140 : memref<10000x128xf32, #tpu.memory_space<vmem_shared>>)
        tpu.yield
      }) : () -> ()
      %add3A_92 = arith.constant 1 : i32
      %add3A_93 = arith.addi %scan3A_55, %add3A_92 : i32
      %lt3A_94 = arith.constant 50 : i32
      %lt3A_95 = arith.cmpi slt, %add3A_93, %lt3A_94 : i32
      %convert_element_type3A_96 = arith.extui %lt3A_95 : i1 to i32
      %cond3A_97 = arith.constant 0 : i32
      %cond3A_98 = arith.cmpi ne, %convert_element_type3A_96, %cond3A_97 : i32
      scf.if %cond3A_98 {
        %add3A_129 = arith.constant 5 : i32
        %add3A_130 = arith.addi %add3A_85, %add3A_129 : i32
        %dma_start3A_131 = arith.constant 0 : i32
        %dma_start3A_132 = tpu.memref_slice %arg6[%add3A_130, %dma_start3A_131] : memref<250x40xi32, #tpu.memory_space<vmem>> -> memref<1x40xi32, #tpu.memory_space<vmem>>
        %dma_start3A_133 = tpu.memref_squeeze %dma_start3A_132 : memref<1x40xi32, #tpu.memory_space<vmem>> -> memref<40xi32, #tpu.memory_space<vmem>>
        %dma_start3A_134 = arith.constant 0 : i32
        %dma_start3A_135 = arith.constant 0 : i32
        %dma_start3A_136 = tpu.memref_slice %arg2[%dma_start3A_134, %dma_start3A_135] : memref<10000x128xf32, #tpu.memory_space<hbm>> -> memref<10000x128xf32, #tpu.memory_space<hbm>>
        tpu.enqueue_indirect_dma source(%dma_start3A_136 : memref<10000x128xf32, #tpu.memory_space<hbm>>) target(%arg11 : memref<40x128xf32, #tpu.memory_space<vmem>>) offsets(%dma_start3A_133 : memref<40xi32, #tpu.memory_space<vmem>>) semaphore(%arg16 : memref<!tpu.dma_semaphore, #tpu.memory_space<semaphore_mem>>)
      } else {
      }
      %add3A_99 = arith.constant 3 : i32
      %add3A_100 = arith.addi %mul3A_57, %add3A_99 : i32
      %dma_wait3A_101 = arith.constant 0 : i32
      %dma_wait3A_102 = tpu.memref_slice %arg6[%add3A_100, %dma_wait3A_101] : memref<250x40xi32, #tpu.memory_space<vmem>> -> memref<1x40xi32, #tpu.memory_space<vmem>>
      %dma_wait3A_103 = tpu.memref_squeeze %dma_wait3A_102 : memref<1x40xi32, #tpu.memory_space<vmem>> -> memref<40xi32, #tpu.memory_space<vmem>>
      %dma_wait3A_104 = arith.constant 0 : i32
      %dma_wait3A_105 = arith.constant 0 : i32
      %dma_wait3A_106 = tpu.memref_slice %arg2[%dma_wait3A_104, %dma_wait3A_105] : memref<10000x128xf32, #tpu.memory_space<hbm>> -> memref<10000x128xf32, #tpu.memory_space<hbm>>
      tpu.wait_indirect_dma semaphore(%arg17 : memref<!tpu.dma_semaphore, #tpu.memory_space<semaphore_mem>>) src(%dma_wait3A_106 : memref<10000x128xf32, #tpu.memory_space<hbm>>) dst(%arg12 : memref<40x128xf32, #tpu.memory_space<vmem>>)
      "tpu.region"() ({
        %run_scoped3A = tpu.sem_alloc : memref<!tpu.dma_semaphore, #tpu.memory_space<semaphore_mem>>
        %dma_start3A_129 = arith.constant 0 : i32
        %dma_start3A_130 = tpu.memref_slice %arg7[%add3A_100, %dma_start3A_129] : memref<250x40xi32, #tpu.memory_space<vmem>> -> memref<1x40xi32, #tpu.memory_space<vmem>>
        %dma_start3A_131 = tpu.memref_squeeze %dma_start3A_130 : memref<1x40xi32, #tpu.memory_space<vmem>> -> memref<40xi32, #tpu.memory_space<vmem>>
        %dma_start3A_132 = arith.constant 0 : i32
        %dma_start3A_133 = arith.constant 0 : i32
        %dma_start3A_134 = tpu.memref_slice %arg8[%dma_start3A_132, %dma_start3A_133] : memref<10000x128xf32, #tpu.memory_space<vmem_shared>> -> memref<10000x128xf32, #tpu.memory_space<vmem_shared>>
        tpu.enqueue_indirect_dma source(%arg12 : memref<40x128xf32, #tpu.memory_space<vmem>>) target(%dma_start3A_134 : memref<10000x128xf32, #tpu.memory_space<vmem_shared>>) offsets(%dma_start3A_131 : memref<40xi32, #tpu.memory_space<vmem>>) semaphore(%run_scoped3A : memref<!tpu.dma_semaphore, #tpu.memory_space<semaphore_mem>>) {add = true}
        %dma_wait3A_135 = arith.constant 0 : i32
        %dma_wait3A_136 = tpu.memref_slice %arg7[%add3A_100, %dma_wait3A_135] : memref<250x40xi32, #tpu.memory_space<vmem>> -> memref<1x40xi32, #tpu.memory_space<vmem>>
        %dma_wait3A_137 = tpu.memref_squeeze %dma_wait3A_136 : memref<1x40xi32, #tpu.memory_space<vmem>> -> memref<40xi32, #tpu.memory_space<vmem>>
        %dma_wait3A_138 = arith.constant 0 : i32
        %dma_wait3A_139 = arith.constant 0 : i32
        %dma_wait3A_140 = tpu.memref_slice %arg8[%dma_wait3A_138, %dma_wait3A_139] : memref<10000x128xf32, #tpu.memory_space<vmem_shared>> -> memref<10000x128xf32, #tpu.memory_space<vmem_shared>>
        tpu.wait_indirect_dma semaphore(%run_scoped3A : memref<!tpu.dma_semaphore, #tpu.memory_space<semaphore_mem>>) src(%arg12 : memref<40x128xf32, #tpu.memory_space<vmem>>) dst(%dma_wait3A_140 : memref<10000x128xf32, #tpu.memory_space<vmem_shared>>)
        tpu.yield
      }) : () -> ()
      %add3A_107 = arith.constant 1 : i32
      %add3A_108 = arith.addi %scan3A_55, %add3A_107 : i32
      %lt3A_109 = arith.constant 50 : i32
      %lt3A_110 = arith.cmpi slt, %add3A_108, %lt3A_109 : i32
      %convert_element_type3A_111 = arith.extui %lt3A_110 : i1 to i32
      %cond3A_112 = arith.constant 0 : i32
      %cond3A_113 = arith.cmpi ne, %convert_element_type3A_111, %cond3A_112 : i32
      scf.if %cond3A_113 {
        %add3A_129 = arith.constant 5 : i32
        %add3A_130 = arith.addi %add3A_100, %add3A_129 : i32
        %dma_start3A_131 = arith.constant 0 : i32
        %dma_start3A_132 = tpu.memref_slice %arg6[%add3A_130, %dma_start3A_131] : memref<250x40xi32, #tpu.memory_space<vmem>> -> memref<1x40xi32, #tpu.memory_space<vmem>>
        %dma_start3A_133 = tpu.memref_squeeze %dma_start3A_132 : memref<1x40xi32, #tpu.memory_space<vmem>> -> memref<40xi32, #tpu.memory_space<vmem>>
        %dma_start3A_134 = arith.constant 0 : i32
        %dma_start3A_135 = arith.constant 0 : i32
        %dma_start3A_136 = tpu.memref_slice %arg2[%dma_start3A_134, %dma_start3A_135] : memref<10000x128xf32, #tpu.memory_space<hbm>> -> memref<10000x128xf32, #tpu.memory_space<hbm>>
        tpu.enqueue_indirect_dma source(%dma_start3A_136 : memref<10000x128xf32, #tpu.memory_space<hbm>>) target(%arg12 : memref<40x128xf32, #tpu.memory_space<vmem>>) offsets(%dma_start3A_133 : memref<40xi32, #tpu.memory_space<vmem>>) semaphore(%arg17 : memref<!tpu.dma_semaphore, #tpu.memory_space<semaphore_mem>>)
      } else {
      }
      %add3A_114 = arith.constant 4 : i32
      %add3A_115 = arith.addi %mul3A_57, %add3A_114 : i32
      %dma_wait3A_116 = arith.constant 0 : i32
      %dma_wait3A_117 = tpu.memref_slice %arg6[%add3A_115, %dma_wait3A_116] : memref<250x40xi32, #tpu.memory_space<vmem>> -> memref<1x40xi32, #tpu.memory_space<vmem>>
      %dma_wait3A_118 = tpu.memref_squeeze %dma_wait3A_117 : memref<1x40xi32, #tpu.memory_space<vmem>> -> memref<40xi32, #tpu.memory_space<vmem>>
      %dma_wait3A_119 = arith.constant 0 : i32
      %dma_wait3A_120 = arith.constant 0 : i32
      %dma_wait3A_121 = tpu.memref_slice %arg2[%dma_wait3A_119, %dma_wait3A_120] : memref<10000x128xf32, #tpu.memory_space<hbm>> -> memref<10000x128xf32, #tpu.memory_space<hbm>>
      tpu.wait_indirect_dma semaphore(%arg18 : memref<!tpu.dma_semaphore, #tpu.memory_space<semaphore_mem>>) src(%dma_wait3A_121 : memref<10000x128xf32, #tpu.memory_space<hbm>>) dst(%arg13 : memref<40x128xf32, #tpu.memory_space<vmem>>)
      "tpu.region"() ({
        %run_scoped3A = tpu.sem_alloc : memref<!tpu.dma_semaphore, #tpu.memory_space<semaphore_mem>>
        %dma_start3A_129 = arith.constant 0 : i32
        %dma_start3A_130 = tpu.memref_slice %arg7[%add3A_115, %dma_start3A_129] : memref<250x40xi32, #tpu.memory_space<vmem>> -> memref<1x40xi32, #tpu.memory_space<vmem>>
        %dma_start3A_131 = tpu.memref_squeeze %dma_start3A_130 : memref<1x40xi32, #tpu.memory_space<vmem>> -> memref<40xi32, #tpu.memory_space<vmem>>
        %dma_start3A_132 = arith.constant 0 : i32
        %dma_start3A_133 = arith.constant 0 : i32
        %dma_start3A_134 = tpu.memref_slice %arg8[%dma_start3A_132, %dma_start3A_133] : memref<10000x128xf32, #tpu.memory_space<vmem_shared>> -> memref<10000x128xf32, #tpu.memory_space<vmem_shared>>
        tpu.enqueue_indirect_dma source(%arg13 : memref<40x128xf32, #tpu.memory_space<vmem>>) target(%dma_start3A_134 : memref<10000x128xf32, #tpu.memory_space<vmem_shared>>) offsets(%dma_start3A_131 : memref<40xi32, #tpu.memory_space<vmem>>) semaphore(%run_scoped3A : memref<!tpu.dma_semaphore, #tpu.memory_space<semaphore_mem>>) {add = true}
        %dma_wait3A_135 = arith.constant 0 : i32
        %dma_wait3A_136 = tpu.memref_slice %arg7[%add3A_115, %dma_wait3A_135] : memref<250x40xi32, #tpu.memory_space<vmem>> -> memref<1x40xi32, #tpu.memory_space<vmem>>
        %dma_wait3A_137 = tpu.memref_squeeze %dma_wait3A_136 : memref<1x40xi32, #tpu.memory_space<vmem>> -> memref<40xi32, #tpu.memory_space<vmem>>
        %dma_wait3A_138 = arith.constant 0 : i32
        %dma_wait3A_139 = arith.constant 0 : i32
        %dma_wait3A_140 = tpu.memref_slice %arg8[%dma_wait3A_138, %dma_wait3A_139] : memref<10000x128xf32, #tpu.memory_space<vmem_shared>> -> memref<10000x128xf32, #tpu.memory_space<vmem_shared>>
        tpu.wait_indirect_dma semaphore(%run_scoped3A : memref<!tpu.dma_semaphore, #tpu.memory_space<semaphore_mem>>) src(%arg13 : memref<40x128xf32, #tpu.memory_space<vmem>>) dst(%dma_wait3A_140 : memref<10000x128xf32, #tpu.memory_space<vmem_shared>>)
        tpu.yield
      }) : () -> ()
      %add3A_122 = arith.constant 1 : i32
      %add3A_123 = arith.addi %scan3A_55, %add3A_122 : i32
      %lt3A_124 = arith.constant 50 : i32
      %lt3A_125 = arith.cmpi slt, %add3A_123, %lt3A_124 : i32
      %convert_element_type3A_126 = arith.extui %lt3A_125 : i1 to i32
      %cond3A_127 = arith.constant 0 : i32
      %cond3A_128 = arith.cmpi ne, %convert_element_type3A_126, %cond3A_127 : i32
      scf.if %cond3A_128 {
        %add3A_129 = arith.constant 5 : i32
        %add3A_130 = arith.addi %add3A_115, %add3A_129 : i32
        %dma_start3A_131 = arith.constant 0 : i32
        %dma_start3A_132 = tpu.memref_slice %arg6[%add3A_130, %dma_start3A_131] : memref<250x40xi32, #tpu.memory_space<vmem>> -> memref<1x40xi32, #tpu.memory_space<vmem>>
        %dma_start3A_133 = tpu.memref_squeeze %dma_start3A_132 : memref<1x40xi32, #tpu.memory_space<vmem>> -> memref<40xi32, #tpu.memory_space<vmem>>
        %dma_start3A_134 = arith.constant 0 : i32
        %dma_start3A_135 = arith.constant 0 : i32
        %dma_start3A_136 = tpu.memref_slice %arg2[%dma_start3A_134, %dma_start3A_135] : memref<10000x128xf32, #tpu.memory_space<hbm>> -> memref<10000x128xf32, #tpu.memory_space<hbm>>
        tpu.enqueue_indirect_dma source(%dma_start3A_136 : memref<10000x128xf32, #tpu.memory_space<hbm>>) target(%arg13 : memref<40x128xf32, #tpu.memory_space<vmem>>) offsets(%dma_start3A_133 : memref<40xi32, #tpu.memory_space<vmem>>) semaphore(%arg18 : memref<!tpu.dma_semaphore, #tpu.memory_space<semaphore_mem>>)
      } else {
      }
    }
    %scan3A_49 = arith.constant 50 : i32
    %barrier3A_50 = arith.constant 0 : index
    tpu.barrier barrier_id(%barrier3A_50)
    %mul3A_51 = arith.constant 624 : i32
    %mul3A_52 = arith.muli %arg1, %mul3A_51 : i32
    %mul3A_53 = arith.constant 624 : i32
    %mul3A_54 = arith.muli %arg1, %mul3A_53 : i32
    "tpu.region"() ({
      %run_scoped3A = tpu.sem_alloc : memref<!tpu.dma_semaphore, #tpu.memory_space<semaphore_mem>>
      %dma_start3A_55 = arith.constant 0 : i32
      %dma_start3A_56 = tpu.memref_slice %arg5[%arg0, %mul3A_54, %dma_start3A_55] : memref<2x10000x128xf32, #tpu.memory_space<hbm>> -> memref<1x640x128xf32, #tpu.memory_space<hbm>>
      %dma_start3A_57 = tpu.memref_squeeze %dma_start3A_56 : memref<1x640x128xf32, #tpu.memory_space<hbm>> -> memref<640x128xf32, #tpu.memory_space<hbm>>
      %dma_start3A_58 = arith.constant 0 : i32
      %dma_start3A_59 = tpu.memref_slice %arg8[%mul3A_52, %dma_start3A_58] : memref<10000x128xf32, #tpu.memory_space<vmem_shared>> -> memref<640x128xf32, #tpu.memory_space<vmem_shared>>
      tpu.enqueue_dma source(%dma_start3A_59 : memref<640x128xf32, #tpu.memory_space<vmem_shared>>) target(%dma_start3A_57 : memref<640x128xf32, #tpu.memory_space<hbm>>) target_semaphore(%run_scoped3A : memref<!tpu.dma_semaphore, #tpu.memory_space<semaphore_mem>>)
      %dma_wait3A = arith.constant 0 : i32
      %dma_wait3A_60 = tpu.memref_slice %arg5[%arg0, %mul3A_54, %dma_wait3A] : memref<2x10000x128xf32, #tpu.memory_space<hbm>> -> memref<1x640x128xf32, #tpu.memory_space<hbm>>
      %dma_wait3A_61 = tpu.memref_squeeze %dma_wait3A_60 : memref<1x640x128xf32, #tpu.memory_space<hbm>> -> memref<640x128xf32, #tpu.memory_space<hbm>>
      %dma_wait3A_62 = arith.constant 0 : i32
      %dma_wait3A_63 = tpu.memref_slice %arg8[%mul3A_52, %dma_wait3A_62] : memref<10000x128xf32, #tpu.memory_space<vmem_shared>> -> memref<640x128xf32, #tpu.memory_space<vmem_shared>>
      tpu.wait_dma2 semaphore(%run_scoped3A : memref<!tpu.dma_semaphore, #tpu.memory_space<semaphore_mem>>) src(%dma_wait3A_63 : memref<640x128xf32, #tpu.memory_space<vmem_shared>>) dst(%dma_wait3A_61 : memref<640x128xf32, #tpu.memory_space<hbm>>)
      tpu.yield
    }) : () -> ()
    return
  }
}

module attributes {stable_mosaic.version = 14 : i64} {
  func.func @_stage_a_body(%arg0: i32, %arg1: memref<2000x128xf32, #tpu.memory_space<vmem>>, %arg2: memref<128x128xf32, #tpu.memory_space<vmem>>, %arg3: memref<2x2000x1xf32, #tpu.memory_space<vmem>>, %arg4: memref<2000x128xf32, #tpu.memory_space<vmem>>, %arg5: memref<2000x1xf32, #tpu.memory_space<vmem>>) attributes {dimension_semantics = [#tpu.dimension_semantics<arbitrary>], iteration_bounds = array<i64: 5>, scalar_prefetch = 0 : i64, scratch_operands = 0 : i64, tpu.core_type = #tpu.core_type<tc>, window_params = [{transform_indices = @transform_0, window_bounds = array<i64: 2000, 128>}, {pipeline_mode = #tpu.pipeline_mode<synchronous>, transform_indices = @transform_1, window_bounds = array<i64: 128, 128>}, {transform_indices = @transform_2, window_bounds = array<i64: 2, 2000, 1>}, {transform_indices = @transform_3, window_bounds = array<i64: 2000, 128>}, {transform_indices = @transform_4, window_bounds = array<i64: 2000, 1>}]} {
    %get3A = arith.constant 0 : index
    %get3A_0 = arith.constant 0 : index
    %get3A_1 = arith.constant 0 : index
    %get3A_2 = vector.load %arg3[%get3A, %get3A_0, %get3A_1] : memref<2x2000x1xf32, #tpu.memory_space<vmem>>, vector<1x2000x1xf32>
    %get3A_3 = vector.shape_cast %get3A_2 : vector<1x2000x1xf32> to vector<2000x1xf32>
    %add3A = arith.constant 1.000000e+00 : f32
    %add3A_4 = vector.broadcast %add3A : f32 to vector<2000x1xf32>
    %add3A_5 = arith.addf %add3A_4, %get3A_3 : vector<2000x1xf32>
    %get3A_6 = arith.constant 1 : index
    %get3A_7 = arith.constant 0 : index
    %get3A_8 = arith.constant 0 : index
    %get3A_9 = vector.load %arg3[%get3A_6, %get3A_7, %get3A_8] : memref<2x2000x1xf32, #tpu.memory_space<vmem>>, vector<1x2000x1xf32>
    %get3A_10 = vector.shape_cast %get3A_9 : vector<1x2000x1xf32> to vector<2000x1xf32>
    %add3A_11 = arith.addf %add3A_5, %get3A_10 : vector<2000x1xf32>
    %rsqrt3A = math.rsqrt %add3A_11 : vector<2000x1xf32>
    %get3A_12 = arith.constant 0 : index
    %get3A_13 = arith.constant 0 : index
    %get3A_14 = vector.load %arg1[%get3A_12, %get3A_13] : memref<2000x128xf32, #tpu.memory_space<vmem>>, vector<2000x128xf32>
    %get3A_15 = arith.constant 0 : index
    %get3A_16 = arith.constant 0 : index
    %get3A_17 = vector.load %arg2[%get3A_15, %get3A_16] : memref<128x128xf32, #tpu.memory_space<vmem>>, vector<128x128xf32>
    %dot_general3A = arith.constant dense<0.000000e+00> : vector<2000x128xf32>
    %dot_general3A_18 = tpu.matmul %get3A_14, %get3A_17, %dot_general3A {dimension_numbers = #tpu.dot_dimension_numbers<[1], [0], [0], [1], [0, 0, 1, 1], [], []>, transpose_lhs_hint = false} : vector<2000x128xf32>, vector<128x128xf32>, vector<2000x128xf32> -> vector<2000x128xf32>
    %mul3A = vector.broadcast %rsqrt3A : vector<2000x1xf32> to vector<2000x128xf32>
    %mul3A_19 = arith.mulf %mul3A, %dot_general3A_18 : vector<2000x128xf32>
    %swap3A = arith.constant 0 : index
    %swap3A_20 = arith.constant 0 : index
    %swap3A_21 = vector.load %arg4[%swap3A, %swap3A_20] : memref<2000x128xf32, #tpu.memory_space<vmem>>, vector<2000x128xf32>
    tpu.vector_store %arg4[%swap3A, %swap3A_20], %mul3A_19 {strides = array<i32>} : memref<2000x128xf32, #tpu.memory_space<vmem>>, vector<2000x128xf32>,
    %swap3A_22 = arith.constant 0 : index
    %swap3A_23 = arith.constant 0 : index
    %swap3A_24 = vector.load %arg5[%swap3A_22, %swap3A_23] : memref<2000x1xf32, #tpu.memory_space<vmem>>, vector<2000x1xf32>
    tpu.vector_store %arg5[%swap3A_22, %swap3A_23], %rsqrt3A {strides = array<i32>} : memref<2000x1xf32, #tpu.memory_space<vmem>>, vector<2000x1xf32>,
    return
  }
  func.func @transform_0(%arg0: i32) -> (i32, i32) {
    %c0_i32 = arith.constant 0 : i32
    %c0_i32_0 = arith.constant 0 : i32
    return %arg0, %c0_i32 : i32, i32
  }
  func.func @transform_1(%arg0: i32) -> (i32, i32) {
    %c0_i32 = arith.constant 0 : i32
    %c0_i32_0 = arith.constant 0 : i32
    %c0_i32_1 = arith.constant 0 : i32
    return %c0_i32, %c0_i32_0 : i32, i32
  }
  func.func @transform_2(%arg0: i32) -> (i32, i32, i32) {
    %c0_i32 = arith.constant 0 : i32
    %c0_i32_0 = arith.constant 0 : i32
    %c0_i32_1 = arith.constant 0 : i32
    return %c0_i32, %arg0, %c0_i32_0 : i32, i32, i32
  }
  func.func @transform_3(%arg0: i32) -> (i32, i32) {
    %c0_i32 = arith.constant 0 : i32
    %c0_i32_0 = arith.constant 0 : i32
    return %arg0, %c0_i32 : i32, i32
  }
  func.func @transform_4(%arg0: i32) -> (i32, i32) {
    %c0_i32 = arith.constant 0 : i32
    %c0_i32_0 = arith.constant 0 : i32
    return %arg0, %c0_i32 : i32, i32
  }
}

module attributes {stable_mosaic.version = 14 : i64} {
  func.func @_stage_b_body(%arg0: i32, %arg1: memref<2x2000x128xf32, #tpu.memory_space<vmem>>, %arg2: memref<2000x128xf32, #tpu.memory_space<vmem>>, %arg3: memref<2000x1xf32, #tpu.memory_space<vmem>>, %arg4: memref<1x128xf32, #tpu.memory_space<vmem>>, %arg5: memref<128x128xf32, #tpu.memory_space<vmem>>, %arg6: memref<2000x128xf32, #tpu.memory_space<vmem>>) attributes {dimension_semantics = [#tpu.dimension_semantics<arbitrary>], iteration_bounds = array<i64: 5>, scalar_prefetch = 0 : i64, scratch_operands = 0 : i64, tpu.core_type = #tpu.core_type<tc>, window_params = [{transform_indices = @transform_0, window_bounds = array<i64: 2, 2000, 128>}, {transform_indices = @transform_1, window_bounds = array<i64: 2000, 128>}, {transform_indices = @transform_2, window_bounds = array<i64: 2000, 1>}, {pipeline_mode = #tpu.pipeline_mode<synchronous>, transform_indices = @transform_3, window_bounds = array<i64: 1, 128>}, {pipeline_mode = #tpu.pipeline_mode<synchronous>, transform_indices = @transform_4, window_bounds = array<i64: 128, 128>}, {transform_indices = @transform_5, window_bounds = array<i64: 2000, 128>}]} {
    %get3A = arith.constant 0 : index
    %get3A_0 = arith.constant 0 : index
    %get3A_1 = vector.load %arg3[%get3A, %get3A_0] : memref<2000x1xf32, #tpu.memory_space<vmem>>, vector<2000x1xf32>
    %get3A_2 = arith.constant 0 : index
    %get3A_3 = arith.constant 0 : index
    %get3A_4 = arith.constant 0 : index
    %get3A_5 = vector.load %arg1[%get3A_2, %get3A_3, %get3A_4] : memref<2x2000x128xf32, #tpu.memory_space<vmem>>, vector<1x2000x128xf32>
    %get3A_6 = vector.shape_cast %get3A_5 : vector<1x2000x128xf32> to vector<2000x128xf32>
    %get3A_7 = arith.constant 1 : index
    %get3A_8 = arith.constant 0 : index
    %get3A_9 = arith.constant 0 : index
    %get3A_10 = vector.load %arg1[%get3A_7, %get3A_8, %get3A_9] : memref<2x2000x128xf32, #tpu.memory_space<vmem>>, vector<1x2000x128xf32>
    %get3A_11 = vector.shape_cast %get3A_10 : vector<1x2000x128xf32> to vector<2000x128xf32>
    %add3A = arith.addf %get3A_6, %get3A_11 : vector<2000x128xf32>
    %get3A_12 = arith.constant 0 : index
    %get3A_13 = arith.constant 0 : index
    %get3A_14 = vector.load %arg2[%get3A_12, %get3A_13] : memref<2000x128xf32, #tpu.memory_space<vmem>>, vector<2000x128xf32>
    %add3A_15 = arith.addf %add3A, %get3A_14 : vector<2000x128xf32>
    %mul3A = vector.broadcast %get3A_1 : vector<2000x1xf32> to vector<2000x128xf32>
    %mul3A_16 = arith.mulf %mul3A, %add3A_15 : vector<2000x128xf32>
    %get3A_17 = arith.constant 0 : index
    %get3A_18 = arith.constant 0 : index
    %get3A_19 = vector.load %arg4[%get3A_17, %get3A_18] : memref<1x128xf32, #tpu.memory_space<vmem>>, vector<1x128xf32>
    %add3A_20 = vector.broadcast %get3A_19 : vector<1x128xf32> to vector<2000x128xf32>
    %add3A_21 = arith.addf %mul3A_16, %add3A_20 : vector<2000x128xf32>
    %max3A = arith.constant 0.000000e+00 : f32
    %max3A_22 = vector.broadcast %max3A : f32 to vector<2000x128xf32>
    %max3A_23 = arith.maximumf %add3A_21, %max3A_22 : vector<2000x128xf32>
    %get3A_24 = arith.constant 0 : index
    %get3A_25 = arith.constant 0 : index
    %get3A_26 = vector.load %arg5[%get3A_24, %get3A_25] : memref<128x128xf32, #tpu.memory_space<vmem>>, vector<128x128xf32>
    %dot_general3A = arith.constant dense<0.000000e+00> : vector<2000x128xf32>
    %dot_general3A_27 = tpu.matmul %max3A_23, %get3A_26, %dot_general3A {dimension_numbers = #tpu.dot_dimension_numbers<[1], [0], [0], [1], [0, 0, 1, 1], [], []>, transpose_lhs_hint = false} : vector<2000x128xf32>, vector<128x128xf32>, vector<2000x128xf32> -> vector<2000x128xf32>
    %mul3A_28 = vector.broadcast %get3A_1 : vector<2000x1xf32> to vector<2000x128xf32>
    %mul3A_29 = arith.mulf %mul3A_28, %dot_general3A_27 : vector<2000x128xf32>
    %swap3A = arith.constant 0 : index
    %swap3A_30 = arith.constant 0 : index
    %swap3A_31 = vector.load %arg6[%swap3A, %swap3A_30] : memref<2000x128xf32, #tpu.memory_space<vmem>>, vector<2000x128xf32>
    tpu.vector_store %arg6[%swap3A, %swap3A_30], %mul3A_29 {strides = array<i32>} : memref<2000x128xf32, #tpu.memory_space<vmem>>, vector<2000x128xf32>,
    return
  }
  func.func @transform_0(%arg0: i32) -> (i32, i32, i32) {
    %c0_i32 = arith.constant 0 : i32
    %c0_i32_0 = arith.constant 0 : i32
    %c0_i32_1 = arith.constant 0 : i32
    return %c0_i32, %arg0, %c0_i32_0 : i32, i32, i32
  }
  func.func @transform_1(%arg0: i32) -> (i32, i32) {
    %c0_i32 = arith.constant 0 : i32
    %c0_i32_0 = arith.constant 0 : i32
    return %arg0, %c0_i32 : i32, i32
  }
  func.func @transform_2(%arg0: i32) -> (i32, i32) {
    %c0_i32 = arith.constant 0 : i32
    %c0_i32_0 = arith.constant 0 : i32
    return %arg0, %c0_i32 : i32, i32
  }
  func.func @transform_3(%arg0: i32) -> (i32, i32) {
    %c0_i32 = arith.constant 0 : i32
    %c0_i32_0 = arith.constant 0 : i32
    %c0_i32_1 = arith.constant 0 : i32
    return %c0_i32, %c0_i32_0 : i32, i32
  }
  func.func @transform_4(%arg0: i32) -> (i32, i32) {
    %c0_i32 = arith.constant 0 : i32
    %c0_i32_0 = arith.constant 0 : i32
    %c0_i32_1 = arith.constant 0 : i32
    return %c0_i32, %c0_i32_0 : i32, i32
  }
  func.func @transform_5(%arg0: i32) -> (i32, i32) {
    %c0_i32 = arith.constant 0 : i32
    %c0_i32_0 = arith.constant 0 : i32
    return %arg0, %c0_i32 : i32, i32
  }
}

module attributes {stable_mosaic.version = 14 : i64} {
  func.func @_stage_b_body(%arg0: i32, %arg1: memref<2x2000x128xf32, #tpu.memory_space<vmem>>, %arg2: memref<2000x128xf32, #tpu.memory_space<vmem>>, %arg3: memref<2000x1xf32, #tpu.memory_space<vmem>>, %arg4: memref<1x128xf32, #tpu.memory_space<vmem>>, %arg5: memref<128x64xf32, #tpu.memory_space<vmem>>, %arg6: memref<2000x64xf32, #tpu.memory_space<vmem>>) attributes {dimension_semantics = [#tpu.dimension_semantics<arbitrary>], iteration_bounds = array<i64: 5>, scalar_prefetch = 0 : i64, scratch_operands = 0 : i64, tpu.core_type = #tpu.core_type<tc>, window_params = [{transform_indices = @transform_0, window_bounds = array<i64: 2, 2000, 128>}, {transform_indices = @transform_1, window_bounds = array<i64: 2000, 128>}, {transform_indices = @transform_2, window_bounds = array<i64: 2000, 1>}, {pipeline_mode = #tpu.pipeline_mode<synchronous>, transform_indices = @transform_3, window_bounds = array<i64: 1, 128>}, {pipeline_mode = #tpu.pipeline_mode<synchronous>, transform_indices = @transform_4, window_bounds = array<i64: 128, 64>}, {transform_indices = @transform_5, window_bounds = array<i64: 2000, 64>}]} {
    %get3A = arith.constant 0 : index
    %get3A_0 = arith.constant 0 : index
    %get3A_1 = vector.load %arg3[%get3A, %get3A_0] : memref<2000x1xf32, #tpu.memory_space<vmem>>, vector<2000x1xf32>
    %get3A_2 = arith.constant 0 : index
    %get3A_3 = arith.constant 0 : index
    %get3A_4 = arith.constant 0 : index
    %get3A_5 = vector.load %arg1[%get3A_2, %get3A_3, %get3A_4] : memref<2x2000x128xf32, #tpu.memory_space<vmem>>, vector<1x2000x128xf32>
    %get3A_6 = vector.shape_cast %get3A_5 : vector<1x2000x128xf32> to vector<2000x128xf32>
    %get3A_7 = arith.constant 1 : index
    %get3A_8 = arith.constant 0 : index
    %get3A_9 = arith.constant 0 : index
    %get3A_10 = vector.load %arg1[%get3A_7, %get3A_8, %get3A_9] : memref<2x2000x128xf32, #tpu.memory_space<vmem>>, vector<1x2000x128xf32>
    %get3A_11 = vector.shape_cast %get3A_10 : vector<1x2000x128xf32> to vector<2000x128xf32>
    %add3A = arith.addf %get3A_6, %get3A_11 : vector<2000x128xf32>
    %get3A_12 = arith.constant 0 : index
    %get3A_13 = arith.constant 0 : index
    %get3A_14 = vector.load %arg2[%get3A_12, %get3A_13] : memref<2000x128xf32, #tpu.memory_space<vmem>>, vector<2000x128xf32>
    %add3A_15 = arith.addf %add3A, %get3A_14 : vector<2000x128xf32>
    %mul3A = vector.broadcast %get3A_1 : vector<2000x1xf32> to vector<2000x128xf32>
    %mul3A_16 = arith.mulf %mul3A, %add3A_15 : vector<2000x128xf32>
    %get3A_17 = arith.constant 0 : index
    %get3A_18 = arith.constant 0 : index
    %get3A_19 = vector.load %arg4[%get3A_17, %get3A_18] : memref<1x128xf32, #tpu.memory_space<vmem>>, vector<1x128xf32>
    %add3A_20 = vector.broadcast %get3A_19 : vector<1x128xf32> to vector<2000x128xf32>
    %add3A_21 = arith.addf %mul3A_16, %add3A_20 : vector<2000x128xf32>
    %max3A = arith.constant 0.000000e+00 : f32
    %max3A_22 = vector.broadcast %max3A : f32 to vector<2000x128xf32>
    %max3A_23 = arith.maximumf %add3A_21, %max3A_22 : vector<2000x128xf32>
    %get3A_24 = arith.constant 0 : index
    %get3A_25 = arith.constant 0 : index
    %get3A_26 = vector.load %arg5[%get3A_24, %get3A_25] : memref<128x64xf32, #tpu.memory_space<vmem>>, vector<128x64xf32>
    %dot_general3A = arith.constant dense<0.000000e+00> : vector<2000x64xf32>
    %dot_general3A_27 = tpu.matmul %max3A_23, %get3A_26, %dot_general3A {dimension_numbers = #tpu.dot_dimension_numbers<[1], [0], [0], [1], [0, 0, 1, 1], [], []>, transpose_lhs_hint = false} : vector<2000x128xf32>, vector<128x64xf32>, vector<2000x64xf32> -> vector<2000x64xf32>
    %mul3A_28 = vector.broadcast %get3A_1 : vector<2000x1xf32> to vector<2000x64xf32>
    %mul3A_29 = arith.mulf %mul3A_28, %dot_general3A_27 : vector<2000x64xf32>
    %swap3A = arith.constant 0 : index
    %swap3A_30 = arith.constant 0 : index
    %swap3A_31 = vector.load %arg6[%swap3A, %swap3A_30] : memref<2000x64xf32, #tpu.memory_space<vmem>>, vector<2000x64xf32>
    tpu.vector_store %arg6[%swap3A, %swap3A_30], %mul3A_29 {strides = array<i32>} : memref<2000x64xf32, #tpu.memory_space<vmem>>, vector<2000x64xf32>,
    return
  }
  func.func @transform_0(%arg0: i32) -> (i32, i32, i32) {
    %c0_i32 = arith.constant 0 : i32
    %c0_i32_0 = arith.constant 0 : i32
    %c0_i32_1 = arith.constant 0 : i32
    return %c0_i32, %arg0, %c0_i32_0 : i32, i32, i32
  }
  func.func @transform_1(%arg0: i32) -> (i32, i32) {
    %c0_i32 = arith.constant 0 : i32
    %c0_i32_0 = arith.constant 0 : i32
    return %arg0, %c0_i32 : i32, i32
  }
  func.func @transform_2(%arg0: i32) -> (i32, i32) {
    %c0_i32 = arith.constant 0 : i32
    %c0_i32_0 = arith.constant 0 : i32
    return %arg0, %c0_i32 : i32, i32
  }
  func.func @transform_3(%arg0: i32) -> (i32, i32) {
    %c0_i32 = arith.constant 0 : i32
    %c0_i32_0 = arith.constant 0 : i32
    %c0_i32_1 = arith.constant 0 : i32
    return %c0_i32, %c0_i32_0 : i32, i32
  }
  func.func @transform_4(%arg0: i32) -> (i32, i32) {
    %c0_i32 = arith.constant 0 : i32
    %c0_i32_0 = arith.constant 0 : i32
    %c0_i32_1 = arith.constant 0 : i32
    return %c0_i32, %c0_i32_0 : i32, i32
  }
  func.func @transform_5(%arg0: i32) -> (i32, i32) {
    %c0_i32 = arith.constant 0 : i32
    %c0_i32_0 = arith.constant 0 : i32
    return %arg0, %c0_i32 : i32, i32
  }
}

module attributes {stable_mosaic.version = 14 : i64} {
  func.func @_stage_c_body(%arg0: i32, %arg1: memref<2x2000x64xf32, #tpu.memory_space<vmem>>, %arg2: memref<2000x64xf32, #tpu.memory_space<vmem>>, %arg3: memref<2000x1xf32, #tpu.memory_space<vmem>>, %arg4: memref<1x64xf32, #tpu.memory_space<vmem>>, %arg5: memref<2000x64xf32, #tpu.memory_space<vmem>>) attributes {dimension_semantics = [#tpu.dimension_semantics<arbitrary>], iteration_bounds = array<i64: 5>, scalar_prefetch = 0 : i64, scratch_operands = 0 : i64, tpu.core_type = #tpu.core_type<tc>, window_params = [{transform_indices = @transform_0, window_bounds = array<i64: 2, 2000, 64>}, {transform_indices = @transform_1, window_bounds = array<i64: 2000, 64>}, {transform_indices = @transform_2, window_bounds = array<i64: 2000, 1>}, {pipeline_mode = #tpu.pipeline_mode<synchronous>, transform_indices = @transform_3, window_bounds = array<i64: 1, 64>}, {transform_indices = @transform_4, window_bounds = array<i64: 2000, 64>}]} {
    %get3A = arith.constant 0 : index
    %get3A_0 = arith.constant 0 : index
    %get3A_1 = vector.load %arg3[%get3A, %get3A_0] : memref<2000x1xf32, #tpu.memory_space<vmem>>, vector<2000x1xf32>
    %get3A_2 = arith.constant 0 : index
    %get3A_3 = arith.constant 0 : index
    %get3A_4 = arith.constant 0 : index
    %get3A_5 = vector.load %arg1[%get3A_2, %get3A_3, %get3A_4] : memref<2x2000x64xf32, #tpu.memory_space<vmem>>, vector<1x2000x64xf32>
    %get3A_6 = vector.shape_cast %get3A_5 : vector<1x2000x64xf32> to vector<2000x64xf32>
    %get3A_7 = arith.constant 1 : index
    %get3A_8 = arith.constant 0 : index
    %get3A_9 = arith.constant 0 : index
    %get3A_10 = vector.load %arg1[%get3A_7, %get3A_8, %get3A_9] : memref<2x2000x64xf32, #tpu.memory_space<vmem>>, vector<1x2000x64xf32>
    %get3A_11 = vector.shape_cast %get3A_10 : vector<1x2000x64xf32> to vector<2000x64xf32>
    %add3A = arith.addf %get3A_6, %get3A_11 : vector<2000x64xf32>
    %get3A_12 = arith.constant 0 : index
    %get3A_13 = arith.constant 0 : index
    %get3A_14 = vector.load %arg2[%get3A_12, %get3A_13] : memref<2000x64xf32, #tpu.memory_space<vmem>>, vector<2000x64xf32>
    %add3A_15 = arith.addf %add3A, %get3A_14 : vector<2000x64xf32>
    %mul3A = vector.broadcast %get3A_1 : vector<2000x1xf32> to vector<2000x64xf32>
    %mul3A_16 = arith.mulf %mul3A, %add3A_15 : vector<2000x64xf32>
    %get3A_17 = arith.constant 0 : index
    %get3A_18 = arith.constant 0 : index
    %get3A_19 = vector.load %arg4[%get3A_17, %get3A_18] : memref<1x64xf32, #tpu.memory_space<vmem>>, vector<1x64xf32>
    %add3A_20 = vector.broadcast %get3A_19 : vector<1x64xf32> to vector<2000x64xf32>
    %add3A_21 = arith.addf %mul3A_16, %add3A_20 : vector<2000x64xf32>
    %swap3A = arith.constant 0 : index
    %swap3A_22 = arith.constant 0 : index
    %swap3A_23 = vector.load %arg5[%swap3A, %swap3A_22] : memref<2000x64xf32, #tpu.memory_space<vmem>>, vector<2000x64xf32>
    tpu.vector_store %arg5[%swap3A, %swap3A_22], %add3A_21 {strides = array<i32>} : memref<2000x64xf32, #tpu.memory_space<vmem>>, vector<2000x64xf32>,
    return
  }
  func.func @transform_0(%arg0: i32) -> (i32, i32, i32) {
    %c0_i32 = arith.constant 0 : i32
    %c0_i32_0 = arith.constant 0 : i32
    %c0_i32_1 = arith.constant 0 : i32
    return %c0_i32, %arg0, %c0_i32_0 : i32, i32, i32
  }
  func.func @transform_1(%arg0: i32) -> (i32, i32) {
    %c0_i32 = arith.constant 0 : i32
    %c0_i32_0 = arith.constant 0 : i32
    return %arg0, %c0_i32 : i32, i32
  }
  func.func @transform_2(%arg0: i32) -> (i32, i32) {
    %c0_i32 = arith.constant 0 : i32
    %c0_i32_0 = arith.constant 0 : i32
    return %arg0, %c0_i32 : i32, i32
  }
  func.func @transform_3(%arg0: i32) -> (i32, i32) {
    %c0_i32 = arith.constant 0 : i32
    %c0_i32_0 = arith.constant 0 : i32
    %c0_i32_1 = arith.constant 0 : i32
    return %c0_i32, %c0_i32_0 : i32, i32
  }
  func.func @transform_4(%arg0: i32) -> (i32, i32) {
    %c0_i32 = arith.constant 0 : i32
    %c0_i32_0 = arith.constant 0 : i32
    return %arg0, %c0_i32 : i32, i32
  }
}

</mosaic_0001>

<sc_bundles>
// kernel: kernel.10.cloned.1.call-start
scs
__scs_entry_jumppad:
0x0: {  	(pc) =	sbr.rel $0x88, $3  }
0x1: {  	(tag) =	ssettag $0x0;
	lr =	simm.s32 $0x1  }
0x2: {  	[smem:$0x3F99] =	sst lr;
	_ =	strace $0xD0000000  }
0x3: {  	_ = 	snop  }
0x4: {  	_ = 	snop  }
0x5: {  	_ = 	snop  }
0x6: {  	_ = 	snop  }
0x7: {  	_ = 	snop  }
__scs_overlays_trampoline_lowered:
0x8: {  	[smem:$0x3FA8] =	sst s0  }
0x9: {  	[smem:$0x3FA9] =	sst s1  }
0xa: {  	[smem:$0x3FAA] =	sst s2  }
0xb: {  	[smem:$0x3FAB] =	sst s3  }
0xc: {  	[smem:$0x3FAC] =	sst s4  }
0xd: {  	[smem:$0x3FAD] =	sst s5  }
0xe: {  	[smem:$0x3FAE] =	sst s6  }
0xf: {  	[smem:$0x3FAF] =	sst s7  }
0x10: {  	[smem:$0x3FB0] =	sst s8  }
0x11: {  	[smem:$0x3FB1] =	sst s9;
	s0 =	simm.s32 @!p0 $0x0  }
0x12: {  	s1 =	sld [smem:$0x3F97];
	s0 =	simm.s32 @p0 $0x1  }
0x13: {  	[smem:$0x3FB2] =	sst s0;
	s0 =	simm.s32 @!p1 $0x0  }
0x14: {  	s2 =	sld [smem:$0x3F96];
	s0 =	simm.s32 @p1 $0x1  }
0x15: {  	[smem:$0x3FB3] =	sst s0;
	s0 =	simm.s32 @!p2 $0x0  }
0x16: {  	s3 =	sld [smem:$0x3FDB];
	s0 =	simm.s32 @p2 $0x1  }
0x17: {  	s4 =	simm.s32 $0x1BF5;
	[smem:$0x3FB5] =	sst s0  }
0x18: {  	s0 =	sld [smem:$0x3F98];
	_ =	swait.ge [sflag:s4], $0x0  }
0x19: {  	s7 =	sld [smem:$0x3F99]  }
0x1a: {  	s8 =	sadd.s32 $0xFFFFE003, lr  }
0x1b: {  	s9 =	sadd.s32 $0xFFFFFEF7, lr;
	s5 =	simm.s32 $0xFFFFFFFF;
	p2 =	slt.u32 s8, $0xFFFFF086  }
0x1c: {  	p1 =	slt.u32 s9, $0xF7A;
	s5 =	simm.s32 @!p2 $0x0  }
0x1d: {  	s5 =	simm.s32 @p1 $0x1;
	p0 =	seq.s32 s7, s2  }
0x1e: {  	s7 =	smul.u32 @!p0 $0xF7A, s2;
	p2 =	seq.s32 @!p0 s5, $0x0  }
0x1f: {  	s9 =	smul.u32 $0xF7A, s1;
	s8 =	simm.s32 @!p0 $0x1BF5;
	p2 =	por !p2, p0  }
0x20: {  	[sflag:s8] =	ssyncset.s32 @!p0 $0xFFFFF086;
	s6 =	sadd.s32 @!p0 s3, s7;
	s7 =	simm.s32 @!p0 $0x108  }
0x21: {  	s3 =	sadd.s32 s3, s9;
	s6 =	sadd.s32 @!p0 $0x88, s6;
	s7 =	simm.s32 @p2 $0x1082  }
0x22: {  	[simem:s7], [sflag:s8] =	dma.local @!p0 [hbm:s6], $0xF7A  }
0x23: {  	s9 =	sor.u32 $0xD0000000, s2;
	s6 =	simm.s32 $0x108;
	_ =	swait.ge @!p0 [sflag:s8], $0x0  }
0x24: {  	s3 =	sadd.s32 $0x88, s3;
	s6 =	simm.s32 @!p1 $0x1082;
	[sflag:s4] =	ssyncset.s32 $0xFFFFF086  }
0x25: {  	[simem:s6], [sflag:s4] =	dma.local [hbm:s3], $0xF7A  }
0x26: {  	[smem:$0x3F99] =	sst s1;
	(tag) =	ssettag s2;
	_ =	strace s9  }
0x27: {  	s1 =	sld [smem:$0x3FA9]  }
0x28: {  	s2 =	sld [smem:$0x3FAA]  }
0x29: {  	s4 =	sld [smem:$0x3FAC]  }
0x2a: {  	p0 =	seq.s32 s5, $0x0;
	s5 =	sld [smem:$0x3FAD]  }
0x2b: {  	s6 =	sld [smem:$0x3FAE]  }
0x2c: {  	s7 =	sld [smem:$0x3FAF]  }
0x2d: {  	s3 =	simm.s32 $0x108;
	s8 =	sld [smem:$0x3FB0]  }
0x2e: {  	s3 =	simm.s32 @!p0 $0x1082;
	s9 =	sld [smem:$0x3FB1]  }
0x2f: {  	lr =	sadd.s32 s0, s3;
	s0 =	sld [smem:$0x3FA8]  }
0x30: {  	s3 =	sld [smem:$0x3FAB]  }
0x31: {  	[smem:$0x3FB4] =	sst s10  }
0x32: {  	s10 =	sld [smem:$0x3FB2];
	_ =	sdelay $0x3  }
0x33: {  	p0 =	seq.s32 s10, $0x1;
	s10 =	sld [smem:$0x3FB4];
	_ =	sdelay $0x3  }
0x34: {  	[smem:$0x3FB4] =	sst s10  }
0x35: {  	s10 =	sld [smem:$0x3FB3];
	_ =	sdelay $0x3  }
0x36: {  	p1 =	seq.s32 s10, $0x1;
	s10 =	sld [smem:$0x3FB4];
	_ =	sdelay $0x3  }
0x37: {  	[smem:$0x3FB4] =	sst s10  }
0x38: {  	s10 =	sld [smem:$0x3FB5]  }
0x39: {  	_ = 	snop;
	(pc) =	sbr.ind lr, $3  }
0x3a: {  	_ = 	snop  }
0x3b: {  	_ = 	snop  }
0x3c: {  	p2 =	seq.s32 s10, $0x1;
	s10 =	sld [smem:$0x3FB4]  }
0x3d: {  	_ =	shalt  }
0x3e: {  	_ =	shalt  }
0x3f: {  	_ =	shalt  }
0x40: {  	_ =	shalt  }
0x41: {  	_ =	shalt  }
0x42: {  	_ =	shalt  }
0x43: {  	_ =	shalt  }
0x44: {  	_ =	shalt  }
0x45: {  	_ =	shalt  }
0x46: {  	_ =	shalt  }
0x47: {  	_ =	shalt  }
0x48: {  	_ =	shalt  }
0x49: {  	_ =	shalt  }
0x4a: {  	_ =	shalt  }
0x4b: {  	_ =	shalt  }
0x4c: {  	_ =	shalt  }
0x4d: {  	_ =	shalt  }
0x4e: {  	_ =	shalt  }
0x4f: {  	_ =	shalt  }
0x50: {  	_ =	shalt  }
0x51: {  	_ =	shalt  }
0x52: {  	_ =	shalt  }
0x53: {  	_ =	shalt  }
0x54: {  	_ =	shalt  }
0x55: {  	_ =	shalt  }
0x56: {  	_ =	shalt  }
0x57: {  	_ =	shalt  }
0x58: {  	_ =	shalt  }
0x59: {  	_ =	shalt  }
0x5a: {  	_ =	shalt  }
0x5b: {  	_ =	shalt  }
0x5c: {  	_ =	shalt  }
0x5d: {  	_ =	shalt  }
0x5e: {  	_ =	shalt  }
0x5f: {  	_ =	shalt  }
0x60: {  	_ =	shalt  }
0x61: {  	_ =	shalt  }
0x62: {  	_ =	shalt  }
0x63: {  	_ =	shalt  }
0x64: {  	_ =	shalt  }
0x65: {  	_ =	shalt  }
0x66: {  	_ =	shalt  }
0x67: {  	_ =	shalt  }
0x68: {  	_ =	shalt  }
0x69: {  	_ =	shalt  }
0x6a: {  	_ =	shalt  }
0x6b: {  	_ =	shalt  }
0x6c: {  	_ =	shalt  }
0x6d: {  	_ =	shalt  }
0x6e: {  	_ =	shalt  }
0x6f: {  	_ =	shalt  }
0x70: {  	_ =	shalt  }
0x71: {  	_ =	shalt  }
0x72: {  	_ =	shalt  }
0x73: {  	_ =	shalt  }
0x74: {  	_ =	shalt  }
0x75: {  	_ =	shalt  }
0x76: {  	_ =	shalt  }
0x77: {  	_ =	shalt  }
0x78: {  	_ =	shalt  }
0x79: {  	_ =	shalt  }
0x7a: {  	_ =	shalt  }
0x7b: {  	_ =	shalt  }
0x7c: {  	_ =	shalt  }
0x7d: {  	_ =	shalt  }
0x7e: {  	_ =	shalt  }
0x7f: {  	_ =	shalt  }
0x80: {  	_ =	shalt  }
0x81: {  	_ =	shalt  }
0x82: {  	_ =	shalt  }
0x83: {  	_ =	shalt  }
0x84: {  	_ =	shalt  }
0x85: {  	_ =	shalt  }
0x86: {  	_ =	shalt  }
0x87: {  	_ =	shalt  }
.Lfunc_end0:
.L_simem_size_0:
called_computation_lowered:
.L_overlay_start_0:
0x88: {  	s2 =	sld [smem:$0x3FD9]  }
0x89: {  	s3 =	sld [smem:$0x3FFE];
	_ =	sdelay $0x1  }
0x8a: {  	s1 =	srdreg.scid  }
0x8b: {  	s0 =	sand.u32 $0x1, s1  }
0x8c: {  	s17 =	sshll.u32 s0, $0xA;
	s2 =	sadd.s32 s3, s2  }
0x8d: {  	s2 =	sadd.s32 s2, s17  }
0x8e: {  	[smem:$0x3FC0] =	sst s2  }
0x8f: {  	_ = 	snop  }
0x90: {  	s2 =	sld [smem:$0x3FD0];
	(tm) =	ssettm $0x1  }
0x91: {  	s18 =	sld [smem:$0x3FFB];
	_ =	sdelay $0x3  }
0x92: {  	_ =	strace s18  }
0x93: {  	s3 =	sld [smem:$0x3FFC];
	_ =	sdelay $0x3  }
0x94: {  	_ =	strace s3  }
0x95: {  	s3 =	sld [smem:$0x3FFD];
	_ =	sdelay $0x3  }
0x96: {  	_ =	strace s3  }
0x97: {  	_ =	strace $0x8FFFFFFF  }
0x98: {  	s19 =	sld [smem:$0x3FDB];
	_ =	sdelay $0x1  }
0x99: {  	s4 =	simm.s32 $_scs_section_size  }
0x9a: {  	s5 =	simm.s32 $_size__tile_overlayer_lowered;
	s6 =	simm.s32 $_tile_overlayer_lowered  }
0x9b: {  	s22 =	simm.s32 $0x1BFF;
	s21 =	sshll.u32 s6, $0x1;
	s3 =	sadd.s32 s4, s19  }
0x9c: {  	s7 =	simm.s32 $0x0;
	s20 =	sshll.u32 s5, $0x1;
	s5 =	sadd.s32 s21, s3  }
0x9d: {  	[timem:s7], [sflag:s22] =	dma.local [hbm:s5], s20  }
0x9e: {  	_ =	swait.ge [sflag:s22], s20  }
0x9f: {  	s4 =	ssub.s32 $0x0, s20;
	[sflag:s22] =	ssyncset.done $0x0  }
0xa0: {  	[sflag:s22] =	ssyncadd.s32 s4;
	_ =	sdelay $0x1  }
0xa1: {  	s23 =	simm.s32 $0x1B8B  }
0xa2: {  	_ =	swait.ge [sflag:s23], $0x1  }
0xa3: {  	[sflag:s23] =	ssyncset.done $0x0  }
0xa4: {  	s25 =	simm.s32 $0x1B8E;
	s24 =	sld [smem:$0x3FFE];
	[sflag:s23] =	ssyncadd.s32 $0xFFFFFFFF  }
0xa5: {  	s26 =	simm.s32 $execute0_lowered;
	[smem:$0x3FD2] =	sst s25  }
0xa6: {  	s5 =	sshll.u32 s26, $0x1;
	_ =	strace $0x80000046;
	[dreg:$0x1] =	wrdreg $0xFFFFFFFF  }
0xa7: {  	s28 =	simm.s32 $_size_execute0_lowered;
	s3 =	sadd.s32 s3, s5;
	[dreg:$0x0] =	wrdreg $0x0  }
0xa8: {  	s5 =	sshll.u32 s28, $0x1;
	[dreg:$0x2] =	wrdreg s3  }
0xa9: {  	[dreg:$0x3] =	wrdreg s5  }
0xaa: {  	[dreg:$0x4] =	wrdreg $0xC0  }
0xab: {  	_ =	task [dreg:s7], $0x5FFFF  }
0xac: {  	[dreg:$0x1] =	wrdreg $0xFFFFFFFF  }
0xad: {  	[dreg:$0x0] =	wrdreg $0x60  }
0xae: {  	[dreg:$0x2] =	wrdreg s24  }
0xaf: {  	[dreg:$0x3] =	wrdreg s2  }
0xb0: {  	[dreg:$0x4] =	wrdreg $0x27100  }
0xb1: {  	[dreg:$0x5] =	wrdreg $0x9  }
0xb2: {  	_ =	task.clear_ibuf [dreg:s7], $0x6FFFF;
	_ =	strace $0x90000046  }
0xb3: {  	s29 =	simm.s32 $0x9;
	_ =	strace $0x80000048  }
0xb4: {  	_ =	swait.ge [sflag:s29], $0x1  }
0xb5: {  	[sflag:s29] =	ssyncadd.s32 $0xFFFFFFFF  }
0xb6: {  	_ =	strace $0x90000048  }
0xb7: {  	_ =	sfence  }
0xb8: {  	s30 =	sld [smem:$0x0];
	_ =	sdelay $0x2  }
0xb9: {  	s31 =	sshll.u32 s1, $0xD;
	s1 =	sshrl.u32 s1, $0x2  }
0xba: {  	s3 =	sand.u32 $0x4000, s31;
	s1 =	sadd.s32 s1, s30  }
0xbb: {  	s0 =	sor.u32 s3, s0;
	s1 =	sshll.u32 s1, $0x11  }
0xbc: {  	s0 =	sor.u32 s1, s0  }
0xbd: {  	s0 =	sadd.s32 $0x8F2B, s0  }
0xbe: {  	[sflag:s0] =	ssyncadd.remote.s32 $0x1  }
0xbf: {  	_ =	sfence.sel $0xFFFF  }
0xc0: {  	[dreg:$0x0] =	wrdreg $0xFFFFFFFF;
	(pc) =	sbr.abs _section_cstart, $3  }
0xc1: {  	[dreg:$0x1] =	wrdreg $0xFFFFFFFF  }
0xc2: {  	_ =	task.clear_ibuf [dreg:s7], $0x2FFFF;
	_ =	strace $0x9FFFFFFF  }
0xc3: {  	(tm) =	ssettm $0x7FFFFFFF  }
tec
execute0_lowered:
.L_overlay_start_1:
0x0: {  	(tag) =	ssettag $0x1  }
0x1: {  	s5 =	rddreg [dreg:$0x0]  }
0x2: {  	s7 =	rddreg [dreg:$0x1]  }
0x3: {  	s0 =	srdreg.scid;
	s2 =	rddreg [dreg:$0x2];
	s3 =	simm.s32 $0x0  }
0x4: {  	s13 =	simm.s32 $0x28;
	s4 =	sand.u32 $0x1, s0;
	s0 =	stileid.u32  }
0x5: {  	s14 =	simm.s32 $0x1;
	s15 =	simm.s32 $0x0;
	s8 =	smul.u32 $0x2700, s0  }
0x6: {  	[smem:$0x7FF] =	sst s3;
	s1 =	sshll.u32 s4, $0x4;
	s9 =	smul.u32 $0x27100, s4  }
0x7: {  	s10 =	ssub.s32 $0x2, s4;
	s4 =	sadd.s32 $0x16400, s5;
	s1 =	sor.u32 s0, s1  }
0x8: {  	s31 =	sshll.u32 s0, $0x6;
	s11 =	sshrl.u32 s10, $0x1;
	s6 =	smul.u32 $0x4E2, s1  }
0x9: {  	s1 =	rddreg [dreg:$0x3];
	_ =	strace $0x80000047;
	s9 =	sadd.s32 s8, s9  }
0xa: {  	s10 =	ssub.s32 s10, s11;
	s12 =	sadd.s32 s8, s2;
	s11 =	sor.u32 $0x1C02, s31  }
0xb: {  	s9 =	sshrl.u32 s9, $0x3;
	s8 =	smax.u32 s10, $0x1;
	s10 =	simm.s32 $0x4E20  }
0xc: {  	s12 =	sshrl.u32 s12, $0x3;
	s6 =	sadd.s32 s6, s5;
	s5 =	sadd.s32 $0x16200, s5  }
0xd: {  	s7 =	sadd.s32 s7, s9;
	s9 =	simm.s32 $0x2;
	s6 =	sadd.s32 $0xC400, s6  }
.LBB2_1:
0xe: {  	[tilespmem:s3], [sflag:$0x2] =	stream.linear.gather [hbm4b:s6+s3], $0x2710, $0x38;
	[tilespmem:$0x50A0] =	vst v63  }
0xf: {  	_ =	swait.ge [sflag:s9], $0x2710  }
0x10: {  	[sflag:s9] =	ssyncset.done $0x0  }
0x11: {  	[sflag:s9] =	ssyncadd.s32 $0xFFFFD8F0  }
0x12: {  	[tilespmem:s10], [sflag:$0x2] =	stream.linear.gather [hbm4b:s5+s3], $0x280, $0x38;
	[tilespmem:$0x50A0] =	vst v63  }
0x13: {  	_ =	swait.ge [sflag:s9], $0x280  }
0x14: {  	[sflag:s9] =	ssyncset.done $0x0  }
0x15: {  	[sflag:s9] =	ssyncadd.s32 $0xFFFFFD80  }
0x16: {  	[spmem:s12], [sflag:s11] =	dma.local [hbm:s4], $0x500  }
0x17: {  	_ =	swait.ge [sflag:s9], $0x500  }
0x18: {  	[sflag:s9] =	ssyncset.done $0x0  }
0x19: {  	[sflag:s9] =	ssyncadd.s32 $0xFFFFFB00  }
0x1a: {  	s16 =	simm.s32 $0x0;
	[bflag:$0x0] =	sbarrier.arrive $0xFFFF  }
.LBB2_2:
0x1b: {  	p0 =	sne.s32 s16, $0x9BA0  }
.Ltmp0:
0x1c: {  	_ = 	snop;
	(pc) =	sbr.rel @p0 .LBB2_2-.Ltmp0, $3  }
0x1d: {  	_ =	sdelay $0x1  }
0x1e: {  	s17 =	sshra.s32 s16, $0x2;
	s16 =	sadd.s32 $0xA0, s16  }
0x1f: {  	[spmem:s2] =	stream.indirect.scatter.add.f32 [tilespmem:s10], [sflag:$0x1], $0x10, s17, s13, $0xb8;
	[tilespmem:$0x50A0] =	vst v63  }
0x20: {  	_ =	swait.ge [sflag:s14], $0x280  }
0x21: {  	s16 =	simm.s32 $0xF9;
	[sflag:s14] =	ssyncset.done $0x0  }
.LBB2_4:
0x22: {  	p0 =	sne.s32 s16, $0x1;
	s16 =	sadd.s32 $0xFFFFFFFF, s16;
	[sflag:s14] =	ssyncadd.s32 $0xFFFFFD80  }
.Ltmp1:
0x23: {  	(pc) =	sbr.rel @p0 .LBB2_4-.Ltmp1, $3  }
0x24: {  	_ =	sdelay $0x1  }
0x25: {  	_ =	swait.ge [sflag:s14], $0x280  }
0x26: {  	[sflag:s14] =	ssyncset.done $0x0  }
0x27: {  	s15 =	sadd.s32 $0x1, s15  }
0x28: {  	[sflag:s14] =	ssyncadd.s32 $0xFFFFFD80;
	p0 =	sne.s32 s15, s8  }
.Ltmp2:
0x29: {  	[bflag:$0x0] =	sbarrier.arrive $0xFFFF;
	(pc) =	sbr.rel @p0 .LBB2_1-.Ltmp2, $4  }
0x2a: {  	[hbm:s7], [sflag:s11] =	dma.local [spmem:s12], $0x500  }
0x2b: {  	_ =	swait.ge [sflag:s9], $0x500  }
0x2c: {  	[sflag:s9] =	ssyncset.done $0x0  }
0x2d: {  	[sflag:s9] =	ssyncadd.s32 $0xFFFFFB00  }
0x2e: {  	_ =	sfence.sel $0x180000  }
0x2f: {  	[bflag:$0x0] =	sbarrier.arrive $0xFFFF  }
0x30: {  	p0 =	sne.s32 s0, $0x0;
	_ =	strace $0x90000047  }
0x31: {  	s0 =	sadd.s32 @!p0 $0x100000, s1;
	[bflag:$0x2] =	sbarrier.arrive $0xFFFF  }
0x32: {  	[sflag:s0] =	ssyncadd.tile.s32 @!p0 $0x1;
	_ =	shalt  }
.Lfunc_end2:
_tile_overlayer_lowered:
.L_overlay_start_2:
0x33: {  	(tag) =	ssettag $0x2  }
0x34: {  	s0 =	rddreg [dreg:$0x0];
	s2 =	stileid.u32  }
0x35: {  	s1 =	rddreg [dreg:$0x1];
	p0 =	sne.s32 s2, $0x0  }
0x36: {  	s3 =	rddreg [dreg:$0x2];
	[bflag:$0x3] =	sbarrier.arrive $0xFFFF;
	s2 =	simm.s32 @!p0 $0x1C02  }
0x37: {  	[timem:s3], [sflag:s2] =	dma.local @!p0 [hbm:s0], s1  }
0x38: {  	s0 =	simm.s32 @!p0 $0x2  }
0x39: {  	_ =	swait.ge @!p0 [sflag:s0], s1  }
0x3a: {  	s1 =	ssub.s32 @!p0 $0x0, s1;
	[sflag:s0] =	ssyncset.done @!p0 $0x0  }
0x3b: {  	[sflag:s0] =	ssyncadd.s32 @!p0 s1  }
0x3c: {  	[bflag:$0x3] =	sbarrier.arrive $0xFFFF  }
0x3d: {  	_ =	shalt  }

// kernel: kernel.13.cloned.1.call-start
scs
__scs_entry_jumppad:
0x0: {  	(pc) =	sbr.rel $0x88, $3  }
0x1: {  	(tag) =	ssettag $0x0;
	lr =	simm.s32 $0x1  }
0x2: {  	[smem:$0x3F99] =	sst lr;
	_ =	strace $0xD0000000  }
0x3: {  	_ = 	snop  }
0x4: {  	_ = 	snop  }
0x5: {  	_ = 	snop  }
0x6: {  	_ = 	snop  }
0x7: {  	_ = 	snop  }
__scs_overlays_trampoline_lowered:
0x8: {  	[smem:$0x3FA8] =	sst s0  }
0x9: {  	[smem:$0x3FA9] =	sst s1  }
0xa: {  	[smem:$0x3FAA] =	sst s2  }
0xb: {  	[smem:$0x3FAB] =	sst s3  }
0xc: {  	[smem:$0x3FAC] =	sst s4  }
0xd: {  	[smem:$0x3FAD] =	sst s5  }
0xe: {  	[smem:$0x3FAE] =	sst s6  }
0xf: {  	[smem:$0x3FAF] =	sst s7  }
0x10: {  	[smem:$0x3FB0] =	sst s8  }
0x11: {  	[smem:$0x3FB1] =	sst s9;
	s0 =	simm.s32 @!p0 $0x0  }
0x12: {  	s1 =	sld [smem:$0x3F97];
	s0 =	simm.s32 @p0 $0x1  }
0x13: {  	[smem:$0x3FB2] =	sst s0;
	s0 =	simm.s32 @!p1 $0x0  }
0x14: {  	s2 =	sld [smem:$0x3F96];
	s0 =	simm.s32 @p1 $0x1  }
0x15: {  	[smem:$0x3FB3] =	sst s0;
	s0 =	simm.s32 @!p2 $0x0  }
0x16: {  	s3 =	sld [smem:$0x3FDB];
	s0 =	simm.s32 @p2 $0x1  }
0x17: {  	s4 =	simm.s32 $0x1BF5;
	[smem:$0x3FB5] =	sst s0  }
0x18: {  	s0 =	sld [smem:$0x3F98];
	_ =	swait.ge [sflag:s4], $0x0  }
0x19: {  	s7 =	sld [smem:$0x3F99]  }
0x1a: {  	s8 =	sadd.s32 $0xFFFFE003, lr  }
0x1b: {  	s9 =	sadd.s32 $0xFFFFFEF7, lr;
	s5 =	simm.s32 $0xFFFFFFFF;
	p2 =	slt.u32 s8, $0xFFFFF086  }
0x1c: {  	p1 =	slt.u32 s9, $0xF7A;
	s5 =	simm.s32 @!p2 $0x0  }
0x1d: {  	s5 =	simm.s32 @p1 $0x1;
	p0 =	seq.s32 s7, s2  }
0x1e: {  	s7 =	smul.u32 @!p0 $0xF7A, s2;
	p2 =	seq.s32 @!p0 s5, $0x0  }
0x1f: {  	s9 =	smul.u32 $0xF7A, s1;
	s8 =	simm.s32 @!p0 $0x1BF5;
	p2 =	por !p2, p0  }
0x20: {  	[sflag:s8] =	ssyncset.s32 @!p0 $0xFFFFF086;
	s6 =	sadd.s32 @!p0 s3, s7;
	s7 =	simm.s32 @!p0 $0x108  }
0x21: {  	s3 =	sadd.s32 s3, s9;
	s6 =	sadd.s32 @!p0 $0x88, s6;
	s7 =	simm.s32 @p2 $0x1082  }
0x22: {  	[simem:s7], [sflag:s8] =	dma.local @!p0 [hbm:s6], $0xF7A  }
0x23: {  	s9 =	sor.u32 $0xD0000000, s2;
	s6 =	simm.s32 $0x108;
	_ =	swait.ge @!p0 [sflag:s8], $0x0  }
0x24: {  	s3 =	sadd.s32 $0x88, s3;
	s6 =	simm.s32 @!p1 $0x1082;
	[sflag:s4] =	ssyncset.s32 $0xFFFFF086  }
0x25: {  	[simem:s6], [sflag:s4] =	dma.local [hbm:s3], $0xF7A  }
0x26: {  	[smem:$0x3F99] =	sst s1;
	(tag) =	ssettag s2;
	_ =	strace s9  }
0x27: {  	s1 =	sld [smem:$0x3FA9]  }
0x28: {  	s2 =	sld [smem:$0x3FAA]  }
0x29: {  	s4 =	sld [smem:$0x3FAC]  }
0x2a: {  	p0 =	seq.s32 s5, $0x0;
	s5 =	sld [smem:$0x3FAD]  }
0x2b: {  	s6 =	sld [smem:$0x3FAE]  }
0x2c: {  	s7 =	sld [smem:$0x3FAF]  }
0x2d: {  	s3 =	simm.s32 $0x108;
	s8 =	sld [smem:$0x3FB0]  }
0x2e: {  	s3 =	simm.s32 @!p0 $0x1082;
	s9 =	sld [smem:$0x3FB1]  }
0x2f: {  	lr =	sadd.s32 s0, s3;
	s0 =	sld [smem:$0x3FA8]  }
0x30: {  	s3 =	sld [smem:$0x3FAB]  }
0x31: {  	[smem:$0x3FB4] =	sst s10  }
0x32: {  	s10 =	sld [smem:$0x3FB2];
	_ =	sdelay $0x3  }
0x33: {  	p0 =	seq.s32 s10, $0x1;
	s10 =	sld [smem:$0x3FB4];
	_ =	sdelay $0x3  }
0x34: {  	[smem:$0x3FB4] =	sst s10  }
0x35: {  	s10 =	sld [smem:$0x3FB3];
	_ =	sdelay $0x3  }
0x36: {  	p1 =	seq.s32 s10, $0x1;
	s10 =	sld [smem:$0x3FB4];
	_ =	sdelay $0x3  }
0x37: {  	[smem:$0x3FB4] =	sst s10  }
0x38: {  	s10 =	sld [smem:$0x3FB5]  }
0x39: {  	_ = 	snop;
	(pc) =	sbr.ind lr, $3  }
0x3a: {  	_ = 	snop  }
0x3b: {  	_ = 	snop  }
0x3c: {  	p2 =	seq.s32 s10, $0x1;
	s10 =	sld [smem:$0x3FB4]  }
0x3d: {  	_ =	shalt  }
0x3e: {  	_ =	shalt  }
0x3f: {  	_ =	shalt  }
0x40: {  	_ =	shalt  }
0x41: {  	_ =	shalt  }
0x42: {  	_ =	shalt  }
0x43: {  	_ =	shalt  }
0x44: {  	_ =	shalt  }
0x45: {  	_ =	shalt  }
0x46: {  	_ =	shalt  }
0x47: {  	_ =	shalt  }
0x48: {  	_ =	shalt  }
0x49: {  	_ =	shalt  }
0x4a: {  	_ =	shalt  }
0x4b: {  	_ =	shalt  }
0x4c: {  	_ =	shalt  }
0x4d: {  	_ =	shalt  }
0x4e: {  	_ =	shalt  }
0x4f: {  	_ =	shalt  }
0x50: {  	_ =	shalt  }
0x51: {  	_ =	shalt  }
0x52: {  	_ =	shalt  }
0x53: {  	_ =	shalt  }
0x54: {  	_ =	shalt  }
0x55: {  	_ =	shalt  }
0x56: {  	_ =	shalt  }
0x57: {  	_ =	shalt  }
0x58: {  	_ =	shalt  }
0x59: {  	_ =	shalt  }
0x5a: {  	_ =	shalt  }
0x5b: {  	_ =	shalt  }
0x5c: {  	_ =	shalt  }
0x5d: {  	_ =	shalt  }
0x5e: {  	_ =	shalt  }
0x5f: {  	_ =	shalt  }
0x60: {  	_ =	shalt  }
0x61: {  	_ =	shalt  }
0x62: {  	_ =	shalt  }
0x63: {  	_ =	shalt  }
0x64: {  	_ =	shalt  }
0x65: {  	_ =	shalt  }
0x66: {  	_ =	shalt  }
0x67: {  	_ =	shalt  }
0x68: {  	_ =	shalt  }
0x69: {  	_ =	shalt  }
0x6a: {  	_ =	shalt  }
0x6b: {  	_ =	shalt  }
0x6c: {  	_ =	shalt  }
0x6d: {  	_ =	shalt  }
0x6e: {  	_ =	shalt  }
0x6f: {  	_ =	shalt  }
0x70: {  	_ =	shalt  }
0x71: {  	_ =	shalt  }
0x72: {  	_ =	shalt  }
0x73: {  	_ =	shalt  }
0x74: {  	_ =	shalt  }
0x75: {  	_ =	shalt  }
0x76: {  	_ =	shalt  }
0x77: {  	_ =	shalt  }
0x78: {  	_ =	shalt  }
0x79: {  	_ =	shalt  }
0x7a: {  	_ =	shalt  }
0x7b: {  	_ =	shalt  }
0x7c: {  	_ =	shalt  }
0x7d: {  	_ =	shalt  }
0x7e: {  	_ =	shalt  }
0x7f: {  	_ =	shalt  }
0x80: {  	_ =	shalt  }
0x81: {  	_ =	shalt  }
0x82: {  	_ =	shalt  }
0x83: {  	_ =	shalt  }
0x84: {  	_ =	shalt  }
0x85: {  	_ =	shalt  }
0x86: {  	_ =	shalt  }
0x87: {  	_ =	shalt  }
.Lfunc_end0:
.L_simem_size_0:
called_computation.1_lowered:
.L_overlay_start_0:
0x88: {  	s2 =	sld [smem:$0x3FD9]  }
0x89: {  	s3 =	sld [smem:$0x3FFE];
	_ =	sdelay $0x1  }
0x8a: {  	s1 =	srdreg.scid  }
0x8b: {  	s0 =	sand.u32 $0x1, s1  }
0x8c: {  	s16 =	sshll.u32 s0, $0xA;
	s2 =	sadd.s32 s3, s2  }
0x8d: {  	s2 =	sadd.s32 s2, s16  }
0x8e: {  	[smem:$0x3FC0] =	sst s2  }
0x8f: {  	_ = 	snop  }
0x90: {  	(tm) =	ssettm $0x1  }
0x91: {  	s17 =	sld [smem:$0x3FFB];
	_ =	sdelay $0x3  }
0x92: {  	_ =	strace s17  }
0x93: {  	s2 =	sld [smem:$0x3FFC];
	_ =	sdelay $0x3  }
0x94: {  	_ =	strace s2  }
0x95: {  	s2 =	sld [smem:$0x3FFD];
	_ =	sdelay $0x3  }
0x96: {  	_ =	strace s2  }
0x97: {  	_ =	strace $0x8FFFFFFF  }
0x98: {  	s18 =	sld [smem:$0x3FDB];
	_ =	sdelay $0x1  }
0x99: {  	s19 =	simm.s32 $_scs_section_size  }
0x9a: {  	s4 =	simm.s32 $_size__tile_overlayer_lowered;
	s5 =	simm.s32 $_tile_overlayer_lowered  }
0x9b: {  	s22 =	simm.s32 $0x1BFF;
	s21 =	sshll.u32 s5, $0x1;
	s2 =	sadd.s32 s19, s18  }
0x9c: {  	s6 =	simm.s32 $0x0;
	s20 =	sshll.u32 s4, $0x1;
	s4 =	sadd.s32 s21, s2  }
0x9d: {  	[timem:s6], [sflag:s22] =	dma.local [hbm:s4], s20  }
0x9e: {  	_ =	swait.ge [sflag:s22], s20  }
0x9f: {  	s3 =	ssub.s32 $0x0, s20;
	[sflag:s22] =	ssyncset.done $0x0  }
0xa0: {  	[sflag:s22] =	ssyncadd.s32 s3;
	_ =	sdelay $0x1  }
0xa1: {  	s23 =	simm.s32 $0x1B8B  }
0xa2: {  	_ =	swait.ge [sflag:s23], $0x1  }
0xa3: {  	[sflag:s23] =	ssyncset.done $0x0  }
0xa4: {  	s25 =	simm.s32 $0x1B8E;
	s24 =	sld [smem:$0x3FFE];
	[sflag:s23] =	ssyncadd.s32 $0xFFFFFFFF  }
0xa5: {  	s26 =	simm.s32 $execute0_lowered;
	[smem:$0x3FD2] =	sst s25  }
0xa6: {  	s4 =	sshll.u32 s26, $0x1;
	_ =	strace $0x80000049;
	[dreg:$0x1] =	wrdreg $0xFFFFFFFF  }
0xa7: {  	s28 =	simm.s32 $_size_execute0_lowered;
	s2 =	sadd.s32 s2, s4;
	[dreg:$0x0] =	wrdreg $0x0  }
0xa8: {  	s4 =	sshll.u32 s28, $0x1;
	[dreg:$0x2] =	wrdreg s2  }
0xa9: {  	[dreg:$0x3] =	wrdreg s4  }
0xaa: {  	[dreg:$0x4] =	wrdreg $0xC0  }
0xab: {  	_ =	task [dreg:s6], $0x5FFFF  }
0xac: {  	[dreg:$0x1] =	wrdreg $0xFFFFFFFF  }
0xad: {  	[dreg:$0x0] =	wrdreg $0x60  }
0xae: {  	[dreg:$0x2] =	wrdreg s24  }
0xaf: {  	[dreg:$0x3] =	wrdreg $0x4E200  }
0xb0: {  	[dreg:$0x4] =	wrdreg $0x9  }
0xb1: {  	_ =	task.clear_ibuf [dreg:s6], $0x5FFFF;
	_ =	strace $0x90000049  }
0xb2: {  	s29 =	simm.s32 $0x9;
	_ =	strace $0x8000004B  }
0xb3: {  	_ =	swait.ge [sflag:s29], $0x1  }
0xb4: {  	[sflag:s29] =	ssyncadd.s32 $0xFFFFFFFF  }
0xb5: {  	_ =	strace $0x9000004B  }
0xb6: {  	_ =	sfence  }
0xb7: {  	s30 =	sld [smem:$0x0];
	_ =	sdelay $0x2  }
0xb8: {  	s31 =	sshll.u32 s1, $0xD;
	s1 =	sshrl.u32 s1, $0x2  }
0xb9: {  	s3 =	sand.u32 $0x4000, s31;
	s1 =	sadd.s32 s1, s30  }
0xba: {  	s0 =	sor.u32 s3, s0;
	s1 =	sshll.u32 s1, $0x11  }
0xbb: {  	s0 =	sor.u32 s1, s0  }
0xbc: {  	s0 =	sadd.s32 $0x8F2B, s0  }
0xbd: {  	[sflag:s0] =	ssyncadd.remote.s32 $0x1  }
0xbe: {  	_ =	sfence.sel $0xFFFF  }
0xbf: {  	[dreg:$0x0] =	wrdreg $0xFFFFFFFF;
	(pc) =	sbr.abs _section_cstart, $3  }
0xc0: {  	[dreg:$0x1] =	wrdreg $0xFFFFFFFF  }
0xc1: {  	_ =	task.clear_ibuf [dreg:s6], $0x2FFFF;
	_ =	strace $0x9FFFFFFF  }
0xc2: {  	(tm) =	ssettm $0x7FFFFFFF  }
0xc3: {  	_ =	shalt  }
tec
execute0_lowered:
.L_overlay_start_1:
0x0: {  	(tag) =	ssettag $0x1  }
0x1: {  	s0 =	rddreg [dreg:$0x0]  }
0x2: {  	s1 =	rddreg [dreg:$0x1]  }
0x3: {  	s2 =	srdreg.scid;
	s3 =	simm.s32 $0x0;
	s8 =	stileid.u32  }
0x4: {  	s28 =	simm.s32 $0x6;
	s30 =	simm.s32 $0x28;
	s31 =	simm.s32 $0x19AA0  }
0x5: {  	s29 =	simm.s32 $0x1D6A0;
	s2 =	sand.u32 $0x1, s2;
	s6 =	smul.u32 $0x13800, s8  }
0x6: {  	s9 =	simm.s32 $0x4;
	[smem:$0x7FF] =	sst s3;
	s5 =	smul.u32 $0x138800, s2  }
0x7: {  	s4 =	sshll.u32 s2, $0x4;
	_ =	strace $0x8000004A;
	s2 =	ssub.s32 $0x2, s2  }
0x8: {  	s7 =	sor.u32 s8, s4;
	s4 =	sadd.s32 $0x16200, s0;
	s8 =	smul.u32 $0x4E000, s8  }
0x9: {  	s10 =	sshrl.u32 s2, $0x1;
	s13 =	sadd.s32 s6, s1;
	s7 =	smul.u32 $0x4E2, s7  }
0xa: {  	s5 =	sadd.s32 s6, s5;
	s2 =	ssub.s32 s2, s10;
	s6 =	simm.s32 $0x2  }
0xb: {  	s10 =	simm.s32 $0x5;
	s5 =	sshrl.u32 s5, $0x3;
	s12 =	sshrl.u32 s8, $0x2  }
0xc: {  	s2 =	smax.u32 s2, $0x1;
	s7 =	sadd.s32 s7, s0;
	s0 =	sadd.s32 s5, s0  }
0xd: {  	s8 =	sadd.s32 s12, s1;
	[dreg:$0x6] =	wrdreg s2;
	s2 =	simm.s32 $0x1AEA0  }
0xe: {  	s5 =	simm.s32 $0x1;
	s11 =	sadd.s32 $0x2600, s7;
	s7 =	sadd.s32 $0xC400, s7  }
0xf: {  	s0 =	sadd.s32 $0x3D400, s0;
	s23 =	sadd.s32 $0x1400, s8;
	[dreg:$0x3] =	wrdreg s11  }
0x10: {  	s24 =	sadd.s32 $0x2800, s8;
	s25 =	sadd.s32 $0x3C00, s8;
	[dreg:$0x4] =	wrdreg s7  }
0x11: {  	s26 =	sadd.s32 $0x5000, s8;
	s14 =	sadd.s32 $0x6400, s8;
	[dreg:$0x5] =	wrdreg s0  }
0x12: {  	s15 =	sadd.s32 $0x7800, s8;
	s16 =	sadd.s32 $0x8C00, s8;
	[dreg:$0x7] =	wrdreg s23  }
0x13: {  	s17 =	sadd.s32 $0xA000, s8;
	s18 =	sadd.s32 $0xB400, s8;
	[dreg:$0x8] =	wrdreg s24  }
0x14: {  	s19 =	sadd.s32 $0xC800, s8;
	s20 =	sadd.s32 $0xDC00, s8;
	[dreg:$0x9] =	wrdreg s25  }
0x15: {  	s21 =	sadd.s32 $0xF000, s8;
	s22 =	sadd.s32 $0x10400, s8;
	[dreg:$0xa] =	wrdreg s26  }
0x16: {  	s23 =	sadd.s32 $0x11800, s8;
	s24 =	sadd.s32 $0x12C00, s8;
	s25 =	sshrl.u32 s13, $0x3  }
0x17: {  	v0 =	vimm.f32 $0.0e+00;
	s26 =	simm.s32 $0x186A0;
	s0 =	simm.s32 $0x1C2A0;
	s7 =	simm.s32 $0x3  }
.LBB2_1:
0x18: {  	s11 =	simm.s32 $0x0;
	s12 =	simm.s32 $0x200  }
.LBB2_2:
0x19: {  	p0 =	sne.s32 s12, $0x4E00;
	[tilespmem:s11+$0x18710] =	vst v0  }
0x1a: {  	[tilespmem:s11+$0x186A0] =	vst v0  }
0x1b: {  	[tilespmem:s11+$0x186B0] =	vst v0  }
.Ltmp0:
0x1c: {  	[tilespmem:s11+$0x186C0] =	vst v0;
	(pc) =	sbr.rel @p0 .LBB2_2-.Ltmp0, $4  }
0x1d: {  	[tilespmem:s11+$0x186D0] =	vst v0  }
0x1e: {  	[tilespmem:s11+$0x186E0] =	vst v0  }
0x1f: {  	[tilespmem:s11+$0x186F0] =	vst v0  }
0x20: {  	[tilespmem:s11+$0x18700] =	vst v0;
	s11 =	sshra.s32 s12, $0x2;
	s12 =	sadd.s32 $0x200, s12  }
0x21: {  	[tilespmem:s11+$0x18710] =	vst v0  }
0x22: {  	[tilespmem:s11+$0x186A0] =	vst v0  }
0x23: {  	[tilespmem:s11+$0x186B0] =	vst v0  }
0x24: {  	[tilespmem:s11+$0x186C0] =	vst v0  }
0x25: {  	[tilespmem:s11+$0x186D0] =	vst v0  }
0x26: {  	[tilespmem:s11+$0x186E0] =	vst v0  }
0x27: {  	[tilespmem:s11+$0x186F0] =	vst v0  }
0x28: {  	[tilespmem:s11+$0x18700] =	vst v0  }
0x29: {  	[spmem:s8] =	stream.linear.scatter [tilespmem:s26], [sflag:$0x6], $0x1400, $0x38;
	[tilespmem:$0x1EAA0] =	vst v63  }
0x2a: {  	_ =	swait.ge [sflag:s28], $0x1400  }
0x2b: {  	[sflag:s28] =	ssyncset.done $0x0  }
0x2c: {  	s12 =	rddreg [dreg:$0x7];
	[sflag:s28] =	ssyncadd.s32 $0xFFFFEC00  }
0x2d: {  	[spmem:s12] =	stream.linear.scatter [tilespmem:s26], [sflag:$0x6], $0x1400, $0x38;
	[tilespmem:$0x1EAA0] =	vst v63  }
0x2e: {  	_ =	swait.ge [sflag:s28], $0x1400  }
0x2f: {  	[sflag:s28] =	ssyncset.done $0x0  }
0x30: {  	s13 =	rddreg [dreg:$0x8];
	[sflag:s28] =	ssyncadd.s32 $0xFFFFEC00  }
0x31: {  	[spmem:s13] =	stream.linear.scatter [tilespmem:s26], [sflag:$0x6], $0x1400, $0x38;
	[tilespmem:$0x1EAA0] =	vst v63  }
0x32: {  	_ =	swait.ge [sflag:s28], $0x1400  }
0x33: {  	[sflag:s28] =	ssyncset.done $0x0  }
0x34: {  	s12 =	rddreg [dreg:$0x9];
	[sflag:s28] =	ssyncadd.s32 $0xFFFFEC00  }
0x35: {  	[spmem:s12] =	stream.linear.scatter [tilespmem:s26], [sflag:$0x6], $0x1400, $0x38;
	[tilespmem:$0x1EAA0] =	vst v63  }
0x36: {  	_ =	swait.ge [sflag:s28], $0x1400  }
0x37: {  	[sflag:s28] =	ssyncset.done $0x0  }
0x38: {  	s13 =	rddreg [dreg:$0xa];
	[sflag:s28] =	ssyncadd.s32 $0xFFFFEC00  }
0x39: {  	[spmem:s13] =	stream.linear.scatter [tilespmem:s26], [sflag:$0x6], $0x1400, $0x38;
	[tilespmem:$0x1EAA0] =	vst v63  }
0x3a: {  	_ =	swait.ge [sflag:s28], $0x1400  }
0x3b: {  	[sflag:s28] =	ssyncset.done $0x0  }
0x3c: {  	[sflag:s28] =	ssyncadd.s32 $0xFFFFEC00  }
0x3d: {  	[spmem:s14] =	stream.linear.scatter [tilespmem:s26], [sflag:$0x6], $0x1400, $0x38;
	[tilespmem:$0x1EAA0] =	vst v63  }
0x3e: {  	_ =	swait.ge [sflag:s28], $0x1400  }
0x3f: {  	[sflag:s28] =	ssyncset.done $0x0  }
0x40: {  	[sflag:s28] =	ssyncadd.s32 $0xFFFFEC00  }
0x41: {  	[spmem:s15] =	stream.linear.scatter [tilespmem:s26], [sflag:$0x6], $0x1400, $0x38;
	[tilespmem:$0x1EAA0] =	vst v63  }
0x42: {  	_ =	swait.ge [sflag:s28], $0x1400  }
0x43: {  	[sflag:s28] =	ssyncset.done $0x0  }
0x44: {  	[sflag:s28] =	ssyncadd.s32 $0xFFFFEC00  }
0x45: {  	[spmem:s16] =	stream.linear.scatter [tilespmem:s26], [sflag:$0x6], $0x1400, $0x38;
	[tilespmem:$0x1EAA0] =	vst v63  }
0x46: {  	_ =	swait.ge [sflag:s28], $0x1400  }
0x47: {  	[sflag:s28] =	ssyncset.done $0x0  }
0x48: {  	[sflag:s28] =	ssyncadd.s32 $0xFFFFEC00  }
0x49: {  	[spmem:s17] =	stream.linear.scatter [tilespmem:s26], [sflag:$0x6], $0x1400, $0x38;
	[tilespmem:$0x1EAA0] =	vst v63  }
0x4a: {  	_ =	swait.ge [sflag:s28], $0x1400  }
0x4b: {  	[sflag:s28] =	ssyncset.done $0x0  }
0x4c: {  	[sflag:s28] =	ssyncadd.s32 $0xFFFFEC00  }
0x4d: {  	[spmem:s18] =	stream.linear.scatter [tilespmem:s26], [sflag:$0x6], $0x1400, $0x38;
	[tilespmem:$0x1EAA0] =	vst v63  }
0x4e: {  	_ =	swait.ge [sflag:s28], $0x1400  }
0x4f: {  	[sflag:s28] =	ssyncset.done $0x0  }
0x50: {  	[sflag:s28] =	ssyncadd.s32 $0xFFFFEC00  }
0x51: {  	[spmem:s19] =	stream.linear.scatter [tilespmem:s26], [sflag:$0x6], $0x1400, $0x38;
	[tilespmem:$0x1EAA0] =	vst v63  }
0x52: {  	_ =	swait.ge [sflag:s28], $0x1400  }
0x53: {  	[sflag:s28] =	ssyncset.done $0x0  }
0x54: {  	[sflag:s28] =	ssyncadd.s32 $0xFFFFEC00  }
0x55: {  	[spmem:s20] =	stream.linear.scatter [tilespmem:s26], [sflag:$0x6], $0x1400, $0x38;
	[tilespmem:$0x1EAA0] =	vst v63  }
0x56: {  	_ =	swait.ge [sflag:s28], $0x1400  }
0x57: {  	[sflag:s28] =	ssyncset.done $0x0  }
0x58: {  	[sflag:s28] =	ssyncadd.s32 $0xFFFFEC00  }
0x59: {  	[spmem:s21] =	stream.linear.scatter [tilespmem:s26], [sflag:$0x6], $0x1400, $0x38;
	[tilespmem:$0x1EAA0] =	vst v63  }
0x5a: {  	_ =	swait.ge [sflag:s28], $0x1400  }
0x5b: {  	[sflag:s28] =	ssyncset.done $0x0  }
0x5c: {  	[sflag:s28] =	ssyncadd.s32 $0xFFFFEC00  }
0x5d: {  	[spmem:s22] =	stream.linear.scatter [tilespmem:s26], [sflag:$0x6], $0x1400, $0x38;
	[tilespmem:$0x1EAA0] =	vst v63  }
0x5e: {  	_ =	swait.ge [sflag:s28], $0x1400  }
0x5f: {  	[sflag:s28] =	ssyncset.done $0x0  }
0x60: {  	[sflag:s28] =	ssyncadd.s32 $0xFFFFEC00  }
0x61: {  	[spmem:s23] =	stream.linear.scatter [tilespmem:s26], [sflag:$0x6], $0x1400, $0x38;
	[tilespmem:$0x1EAA0] =	vst v63  }
0x62: {  	_ =	swait.ge [sflag:s28], $0x1400  }
0x63: {  	[sflag:s28] =	ssyncset.done $0x0  }
0x64: {  	[sflag:s28] =	ssyncadd.s32 $0xFFFFEC00  }
0x65: {  	[spmem:s24] =	stream.linear.scatter [tilespmem:s26], [sflag:$0x6], $0x1400, $0x38;
	[tilespmem:$0x1EAA0] =	vst v63  }
0x66: {  	_ =	swait.ge [sflag:s28], $0x1400  }
0x67: {  	[sflag:s28] =	ssyncset.done $0x0  }
0x68: {  	s11 =	simm.s32 $0x0;
	s12 =	rddreg [dreg:$0x3];
	[sflag:s28] =	ssyncadd.s32 $0xFFFFEC00  }
0x69: {  	[tilespmem:s11], [sflag:$0x6] =	stream.linear.gather [hbm4b:s12+s11], $0x2710, $0x38;
	[tilespmem:$0x1EAA0] =	vst v63  }
0x6a: {  	_ =	swait.ge [sflag:s28], $0x2710  }
0x6b: {  	[sflag:s28] =	ssyncset.done $0x0  }
0x6c: {  	s13 =	simm.s32 $0x2710;
	s12 =	rddreg [dreg:$0x4];
	[sflag:s28] =	ssyncadd.s32 $0xFFFFD8F0  }
0x6d: {  	[tilespmem:s13], [sflag:$0x6] =	stream.linear.gather [hbm4b:s12+s11], $0x2710, $0x38;
	[tilespmem:$0x1EAA0] =	vst v63  }
0x6e: {  	_ =	swait.ge [sflag:s28], $0x2710  }
0x6f: {  	[sflag:s28] =	ssyncset.done $0x0  }
0x70: {  	[sflag:s28] =	ssyncadd.s32 $0xFFFFD8F0  }
0x71: {  	[bflag:$0x0] =	sbarrier.arrive $0xFFFF  }
0x72: {  	[tilespmem:s26], [sflag:$0x1] =	stream.indirect.gather [hbm4b:s4+s30], $0x80, s11, s30, $0xb8;
	[tilespmem:$0x1EAA0] =	vst v63  }
0x73: {  	_ = 	snop  }
0x74: {  	[tilespmem:s31], [sflag:$0x2] =	stream.indirect.gather [hbm4b:s4+s30], $0x80, s30, s30, $0xb8;
	[tilespmem:$0x1EAA0] =	vst v63  }
0x75: {  	s12 =	simm.s32 $0x50  }
0x76: {  	[tilespmem:s2], [sflag:$0x3] =	stream.indirect.gather [hbm4b:s4+s30], $0x80, s12, s30, $0xb8;
	[tilespmem:$0x1EAA0] =	vst v63  }
0x77: {  	s13 =	simm.s32 $0x78  }
0x78: {  	[tilespmem:s0], [sflag:$0x4] =	stream.indirect.gather [hbm4b:s4+s30], $0x80, s13, s30, $0xb8;
	[tilespmem:$0x1EAA0] =	vst v63  }
0x79: {  	s12 =	simm.s32 $0xA0  }
0x7a: {  	[tilespmem:s29], [sflag:$0x5] =	stream.indirect.gather [hbm4b:s4+s30], $0x80, s12, s30, $0xb8;
	[tilespmem:$0x1EAA0] =	vst v63  }
0x7b: {  	_ =	swait.ge [sflag:s5], $0x1400  }
0x7c: {  	[sflag:s5] =	ssyncset.done $0x0  }
0x7d: {  	s13 =	simm.s32 $0x2710;
	[sflag:s5] =	ssyncadd.s32 $0xFFFFEC00  }
0x7e: {  	[spmem:s1] =	stream.indirect.scatter.add.f32 [tilespmem:s26], [sflag:$0x6], $0x80, s13, s30, $0xb8;
	[tilespmem:$0x1EAA0] =	vst v63  }
0x7f: {  	_ =	swait.ge [sflag:s28], $0x1400  }
0x80: {  	[sflag:s28] =	ssyncset.done $0x0  }
0x81: {  	s12 =	simm.s32 $0xC8;
	[sflag:s28] =	ssyncadd.s32 $0xFFFFEC00  }
0x82: {  	[tilespmem:s26], [sflag:$0x1] =	stream.indirect.gather [hbm4b:s4+s30], $0x80, s12, s30, $0xb8;
	[tilespmem:$0x1EAA0] =	vst v63  }
0x83: {  	_ =	swait.ge [sflag:s6], $0x1400  }
0x84: {  	[sflag:s6] =	ssyncset.done $0x0  }
0x85: {  	s13 =	simm.s32 $0x2738;
	[sflag:s6] =	ssyncadd.s32 $0xFFFFEC00  }
0x86: {  	[spmem:s1] =	stream.indirect.scatter.add.f32 [tilespmem:s31], [sflag:$0x6], $0x80, s13, s30, $0xb8;
	[tilespmem:$0x1EAA0] =	vst v63  }
0x87: {  	_ =	swait.ge [sflag:s28], $0x1400  }
0x88: {  	[sflag:s28] =	ssyncset.done $0x0  }
0x89: {  	s12 =	simm.s32 $0xF0;
	[sflag:s28] =	ssyncadd.s32 $0xFFFFEC00  }
0x8a: {  	[tilespmem:s31], [sflag:$0x2] =	stream.indirect.gather [hbm4b:s4+s30], $0x80, s12, s30, $0xb8;
	[tilespmem:$0x1EAA0] =	vst v63  }
0x8b: {  	_ =	swait.ge [sflag:s7], $0x1400  }
0x8c: {  	[sflag:s7] =	ssyncset.done $0x0  }
0x8d: {  	s13 =	simm.s32 $0x2760;
	[sflag:s7] =	ssyncadd.s32 $0xFFFFEC00  }
0x8e: {  	[spmem:s1] =	stream.indirect.scatter.add.f32 [tilespmem:s2], [sflag:$0x6], $0x80, s13, s30, $0xb8;
	[tilespmem:$0x1EAA0] =	vst v63  }
0x8f: {  	_ =	swait.ge [sflag:s28], $0x1400  }
0x90: {  	[sflag:s28] =	ssyncset.done $0x0  }
0x91: {  	s12 =	simm.s32 $0x118;
	[sflag:s28] =	ssyncadd.s32 $0xFFFFEC00  }
0x92: {  	[tilespmem:s2], [sflag:$0x3] =	stream.indirect.gather [hbm4b:s4+s30], $0x80, s12, s30, $0xb8;
	[tilespmem:$0x1EAA0] =	vst v63  }
0x93: {  	_ =	swait.ge [sflag:s9], $0x1400  }
0x94: {  	[sflag:s9] =	ssyncset.done $0x0  }
0x95: {  	s13 =	simm.s32 $0x2788;
	[sflag:s9] =	ssyncadd.s32 $0xFFFFEC00  }
0x96: {  	[spmem:s1] =	stream.indirect.scatter.add.f32 [tilespmem:s0], [sflag:$0x6], $0x80, s13, s30, $0xb8;
	[tilespmem:$0x1EAA0] =	vst v63  }
0x97: {  	_ =	swait.ge [sflag:s28], $0x1400  }
0x98: {  	[sflag:s28] =	ssyncset.done $0x0  }
0x99: {  	s12 =	simm.s32 $0x140;
	[sflag:s28] =	ssyncadd.s32 $0xFFFFEC00  }
0x9a: {  	[tilespmem:s0], [sflag:$0x4] =	stream.indirect.gather [hbm4b:s4+s30], $0x80, s12, s30, $0xb8;
	[tilespmem:$0x1EAA0] =	vst v63  }
0x9b: {  	_ =	swait.ge [sflag:s10], $0x1400  }
0x9c: {  	[sflag:s10] =	ssyncset.done $0x0  }
0x9d: {  	s13 =	simm.s32 $0x27B0;
	[sflag:s10] =	ssyncadd.s32 $0xFFFFEC00  }
0x9e: {  	[spmem:s1] =	stream.indirect.scatter.add.f32 [tilespmem:s29], [sflag:$0x6], $0x80, s13, s30, $0xb8;
	[tilespmem:$0x1EAA0] =	vst v63  }
0x9f: {  	_ =	swait.ge [sflag:s28], $0x1400  }
0xa0: {  	[sflag:s28] =	ssyncset.done $0x0  }
0xa1: {  	s11 =	simm.s32 $0x320;
	s12 =	simm.s32 $0x168;
	[sflag:s28] =	ssyncadd.s32 $0xFFFFEC00  }
.LBB2_4:
0xa2: {  	[tilespmem:s29], [sflag:$0x5] =	stream.indirect.gather [hbm4b:s4+s30], $0x80, s12, s30, $0xb8;
	[tilespmem:$0x1EAA0] =	vst v63  }
0xa3: {  	s12 =	smov.u32 s11  }
0xa4: {  	p0 =	sne.s32 s11, $0x9600;
	s11 =	sadd.s32 $0x320, s11;
	_ =	swait.ge [sflag:s5], $0x1400  }
0xa5: {  	s12 =	sshra.s32 s12, $0x2;
	[sflag:s5] =	ssyncset.done $0x0  }
0xa6: {  	s13 =	sadd.s32 $0x2710, s12;
	[sflag:s5] =	ssyncadd.s32 $0xFFFFEC00  }
0xa7: {  	[spmem:s1] =	stream.indirect.scatter.add.f32 [tilespmem:s26], [sflag:$0x6], $0x80, s13, s30, $0xb8;
	[tilespmem:$0x1EAA0] =	vst v63  }
0xa8: {  	_ =	swait.ge [sflag:s28], $0x1400  }
0xa9: {  	[sflag:s28] =	ssyncset.done $0x0  }
0xaa: {  	s13 =	sadd.s32 $0xC8, s12;
	[sflag:s28] =	ssyncadd.s32 $0xFFFFEC00  }
0xab: {  	[tilespmem:s26], [sflag:$0x1] =	stream.indirect.gather [hbm4b:s4+s30], $0x80, s13, s30, $0xb8;
	[tilespmem:$0x1EAA0] =	vst v63  }
0xac: {  	_ =	swait.ge [sflag:s6], $0x1400  }
0xad: {  	[sflag:s6] =	ssyncset.done $0x0  }
0xae: {  	s13 =	sadd.s32 $0x2738, s12;
	[sflag:s6] =	ssyncadd.s32 $0xFFFFEC00  }
0xaf: {  	[spmem:s1] =	stream.indirect.scatter.add.f32 [tilespmem:s31], [sflag:$0x6], $0x80, s13, s30, $0xb8;
	[tilespmem:$0x1EAA0] =	vst v63  }
0xb0: {  	_ =	swait.ge [sflag:s28], $0x1400  }
0xb1: {  	[sflag:s28] =	ssyncset.done $0x0  }
0xb2: {  	s13 =	sadd.s32 $0xF0, s12;
	[sflag:s28] =	ssyncadd.s32 $0xFFFFEC00  }
0xb3: {  	[tilespmem:s31], [sflag:$0x2] =	stream.indirect.gather [hbm4b:s4+s30], $0x80, s13, s30, $0xb8;
	[tilespmem:$0x1EAA0] =	vst v63  }
0xb4: {  	_ =	swait.ge [sflag:s7], $0x1400  }
0xb5: {  	[sflag:s7] =	ssyncset.done $0x0  }
0xb6: {  	s13 =	sadd.s32 $0x2760, s12;
	[sflag:s7] =	ssyncadd.s32 $0xFFFFEC00  }
0xb7: {  	[spmem:s1] =	stream.indirect.scatter.add.f32 [tilespmem:s2], [sflag:$0x6], $0x80, s13, s30, $0xb8;
	[tilespmem:$0x1EAA0] =	vst v63  }
0xb8: {  	_ =	swait.ge [sflag:s28], $0x1400  }
0xb9: {  	[sflag:s28] =	ssyncset.done $0x0  }
0xba: {  	s13 =	sadd.s32 $0x118, s12;
	[sflag:s28] =	ssyncadd.s32 $0xFFFFEC00  }
0xbb: {  	[tilespmem:s2], [sflag:$0x3] =	stream.indirect.gather [hbm4b:s4+s30], $0x80, s13, s30, $0xb8;
	[tilespmem:$0x1EAA0] =	vst v63  }
0xbc: {  	_ =	swait.ge [sflag:s9], $0x1400  }
0xbd: {  	[sflag:s9] =	ssyncset.done $0x0  }
0xbe: {  	s13 =	sadd.s32 $0x2788, s12;
	[sflag:s9] =	ssyncadd.s32 $0xFFFFEC00  }
0xbf: {  	[spmem:s1] =	stream.indirect.scatter.add.f32 [tilespmem:s0], [sflag:$0x6], $0x80, s13, s30, $0xb8;
	[tilespmem:$0x1EAA0] =	vst v63  }
0xc0: {  	_ =	swait.ge [sflag:s28], $0x1400  }
0xc1: {  	[sflag:s28] =	ssyncset.done $0x0  }
0xc2: {  	s13 =	sadd.s32 $0x140, s12;
	[sflag:s28] =	ssyncadd.s32 $0xFFFFEC00  }
0xc3: {  	[tilespmem:s0], [sflag:$0x4] =	stream.indirect.gather [hbm4b:s4+s30], $0x80, s13, s30, $0xb8;
	[tilespmem:$0x1EAA0] =	vst v63  }
0xc4: {  	_ =	swait.ge [sflag:s10], $0x1400  }
0xc5: {  	[sflag:s10] =	ssyncset.done $0x0  }
.Ltmp1:
0xc6: {  	s13 =	sadd.s32 $0x27B0, s12;
	[sflag:s10] =	ssyncadd.s32 $0xFFFFEC00;
	(pc) =	sbr.rel @p0 .LBB2_4-.Ltmp1, $4  }
0xc7: {  	[spmem:s1] =	stream.indirect.scatter.add.f32 [tilespmem:s29], [sflag:$0x6], $0x80, s13, s30, $0xb8;
	[tilespmem:$0x1EAA0] =	vst v63  }
0xc8: {  	_ =	swait.ge [sflag:s28], $0x1400  }
0xc9: {  	[sflag:s28] =	ssyncset.done $0x0  }
0xca: {  	s12 =	sadd.s32 $0x168, s12;
	[sflag:s28] =	ssyncadd.s32 $0xFFFFEC00  }
0xcb: {  	[tilespmem:s29], [sflag:$0x5] =	stream.indirect.gather [hbm4b:s4+s30], $0x80, s12, s30, $0xb8;
	[tilespmem:$0x1EAA0] =	vst v63  }
0xcc: {  	_ =	swait.ge [sflag:s5], $0x1400  }
0xcd: {  	[sflag:s5] =	ssyncset.done $0x0  }
0xce: {  	s11 =	simm.s32 $0x4D58;
	[sflag:s5] =	ssyncadd.s32 $0xFFFFEC00  }
0xcf: {  	[spmem:s1] =	stream.indirect.scatter.add.f32 [tilespmem:s26], [sflag:$0x6], $0x80, s11, s30, $0xb8;
	[tilespmem:$0x1EAA0] =	vst v63  }
0xd0: {  	_ =	swait.ge [sflag:s28], $0x1400  }
0xd1: {  	[sflag:s28] =	ssyncset.done $0x0  }
0xd2: {  	[sflag:s28] =	ssyncadd.s32 $0xFFFFEC00  }
0xd3: {  	_ =	swait.ge [sflag:s6], $0x1400  }
0xd4: {  	[sflag:s6] =	ssyncset.done $0x0  }
0xd5: {  	s12 =	simm.s32 $0x4D80;
	[sflag:s6] =	ssyncadd.s32 $0xFFFFEC00  }
0xd6: {  	[spmem:s1] =	stream.indirect.scatter.add.f32 [tilespmem:s31], [sflag:$0x6], $0x80, s12, s30, $0xb8;
	[tilespmem:$0x1EAA0] =	vst v63  }
0xd7: {  	_ =	swait.ge [sflag:s28], $0x1400  }
0xd8: {  	[sflag:s28] =	ssyncset.done $0x0  }
0xd9: {  	[sflag:s28] =	ssyncadd.s32 $0xFFFFEC00  }
0xda: {  	_ =	swait.ge [sflag:s7], $0x1400  }
0xdb: {  	[sflag:s7] =	ssyncset.done $0x0  }
0xdc: {  	s13 =	simm.s32 $0x4DA8;
	[sflag:s7] =	ssyncadd.s32 $0xFFFFEC00  }
0xdd: {  	[spmem:s1] =	stream.indirect.scatter.add.f32 [tilespmem:s2], [sflag:$0x6], $0x80, s13, s30, $0xb8;
	[tilespmem:$0x1EAA0] =	vst v63  }
0xde: {  	_ =	swait.ge [sflag:s28], $0x1400  }
0xdf: {  	[sflag:s28] =	ssyncset.done $0x0  }
0xe0: {  	[sflag:s28] =	ssyncadd.s32 $0xFFFFEC00  }
0xe1: {  	_ =	swait.ge [sflag:s9], $0x1400  }
0xe2: {  	[sflag:s9] =	ssyncset.done $0x0  }
0xe3: {  	s12 =	simm.s32 $0x4DD0;
	[sflag:s9] =	ssyncadd.s32 $0xFFFFEC00  }
0xe4: {  	[spmem:s1] =	stream.indirect.scatter.add.f32 [tilespmem:s0], [sflag:$0x6], $0x80, s12, s30, $0xb8;
	[tilespmem:$0x1EAA0] =	vst v63  }
0xe5: {  	_ =	swait.ge [sflag:s28], $0x1400  }
0xe6: {  	[sflag:s28] =	ssyncset.done $0x0  }
0xe7: {  	[sflag:s28] =	ssyncadd.s32 $0xFFFFEC00  }
0xe8: {  	_ =	swait.ge [sflag:s10], $0x1400  }
0xe9: {  	[sflag:s10] =	ssyncset.done $0x0  }
0xea: {  	s13 =	simm.s32 $0x4DF8;
	[sflag:s10] =	ssyncadd.s32 $0xFFFFEC00  }
0xeb: {  	[spmem:s1] =	stream.indirect.scatter.add.f32 [tilespmem:s29], [sflag:$0x6], $0x80, s13, s30, $0xb8;
	[tilespmem:$0x1EAA0] =	vst v63  }
0xec: {  	_ =	swait.ge [sflag:s28], $0x1400  }
0xed: {  	[sflag:s28] =	ssyncset.done $0x0  }
0xee: {  	s12 =	stileid.u32;
	[sflag:s28] =	ssyncadd.s32 $0xFFFFEC00  }
0xef: {  	s11 =	sshll.u32 s12, $0x6;
	[bflag:$0x0] =	sbarrier.arrive $0xFFFF  }
0xf0: {  	s11 =	sor.u32 $0x1C06, s11;
	s13 =	rddreg [dreg:$0x5]  }
0xf1: {  	[hbm:s13], [sflag:s11] =	dma.local [spmem:s25], $0x2800  }
0xf2: {  	_ =	swait.ge [sflag:s28], $0x2800  }
0xf3: {  	s3 =	sadd.s32 $0x1, s3;
	s13 =	rddreg [dreg:$0x6]  }
0xf4: {  	p0 =	sne.s32 s3, s13  }
.Ltmp2:
0xf5: {  	_ = 	snop;
	(pc) =	sbr.rel @p0 .LBB2_1-.Ltmp2, $3  }
0xf6: {  	_ =	sdelay $0x1  }
0xf7: {  	[sflag:s28] =	ssyncset.done $0x0  }
0xf8: {  	[sflag:s28] =	ssyncadd.s32 $0xFFFFD800  }
0xf9: {  	_ =	sfence.sel $0x180000  }
0xfa: {  	[bflag:$0x0] =	sbarrier.arrive $0xFFFF  }
0xfb: {  	_ =	strace $0x9000004A  }
0xfc: {  	s0 =	stileid.u32;
	[bflag:$0x2] =	sbarrier.arrive $0xFFFF  }
0xfd: {  	p0 =	sne.s32 s0, $0x0;
	s0 =	rddreg [dreg:$0x2]  }
0xfe: {  	s0 =	sadd.s32 @!p0 $0x100000, s0  }
0xff: {  	[sflag:s0] =	ssyncadd.tile.s32 @!p0 $0x1;
	_ =	shalt  }
.Lfunc_end2:
_tile_overlayer_lowered:
.L_overlay_start_2:
0x100: {  	(tag) =	ssettag $0x2  }
0x101: {  	s0 =	rddreg [dreg:$0x0];
	s2 =	stileid.u32  }
0x102: {  	s1 =	rddreg [dreg:$0x1];
	p0 =	sne.s32 s2, $0x0  }
0x103: {  	s3 =	rddreg [dreg:$0x2];
	[bflag:$0x3] =	sbarrier.arrive $0xFFFF;
	s2 =	simm.s32 @!p0 $0x1C06  }
0x104: {  	[timem:s3], [sflag:s2] =	dma.local @!p0 [hbm:s0], s1  }
0x105: {  	s0 =	simm.s32 @!p0 $0x6  }
0x106: {  	_ =	swait.ge @!p0 [sflag:s0], s1  }
0x107: {  	s1 =	ssub.s32 @!p0 $0x0, s1;
	[sflag:s0] =	ssyncset.done @!p0 $0x0  }
0x108: {  	[sflag:s0] =	ssyncadd.s32 @!p0 s1  }
0x109: {  	[bflag:$0x3] =	sbarrier.arrive $0xFFFF  }
0x10a: {  	_ =	shalt  }

// kernel: kernel.16.cloned.1.call-start
scs
__scs_entry_jumppad:
0x0: {  	(pc) =	sbr.rel $0x88, $3  }
0x1: {  	(tag) =	ssettag $0x0;
	lr =	simm.s32 $0x1  }
0x2: {  	[smem:$0x3F99] =	sst lr;
	_ =	strace $0xD0000000  }
0x3: {  	_ = 	snop  }
0x4: {  	_ = 	snop  }
0x5: {  	_ = 	snop  }
0x6: {  	_ = 	snop  }
0x7: {  	_ = 	snop  }
__scs_overlays_trampoline_lowered:
0x8: {  	[smem:$0x3FA8] =	sst s0  }
0x9: {  	[smem:$0x3FA9] =	sst s1  }
0xa: {  	[smem:$0x3FAA] =	sst s2  }
0xb: {  	[smem:$0x3FAB] =	sst s3  }
0xc: {  	[smem:$0x3FAC] =	sst s4  }
0xd: {  	[smem:$0x3FAD] =	sst s5  }
0xe: {  	[smem:$0x3FAE] =	sst s6  }
0xf: {  	[smem:$0x3FAF] =	sst s7  }
0x10: {  	[smem:$0x3FB0] =	sst s8  }
0x11: {  	[smem:$0x3FB1] =	sst s9;
	s0 =	simm.s32 @!p0 $0x0  }
0x12: {  	s1 =	sld [smem:$0x3F97];
	s0 =	simm.s32 @p0 $0x1  }
0x13: {  	[smem:$0x3FB2] =	sst s0;
	s0 =	simm.s32 @!p1 $0x0  }
0x14: {  	s2 =	sld [smem:$0x3F96];
	s0 =	simm.s32 @p1 $0x1  }
0x15: {  	[smem:$0x3FB3] =	sst s0;
	s0 =	simm.s32 @!p2 $0x0  }
0x16: {  	s3 =	sld [smem:$0x3FDB];
	s0 =	simm.s32 @p2 $0x1  }
0x17: {  	s4 =	simm.s32 $0x1BF5;
	[smem:$0x3FB5] =	sst s0  }
0x18: {  	s0 =	sld [smem:$0x3F98];
	_ =	swait.ge [sflag:s4], $0x0  }
0x19: {  	s7 =	sld [smem:$0x3F99]  }
0x1a: {  	s8 =	sadd.s32 $0xFFFFE003, lr  }
0x1b: {  	s9 =	sadd.s32 $0xFFFFFEF7, lr;
	s5 =	simm.s32 $0xFFFFFFFF;
	p2 =	slt.u32 s8, $0xFFFFF086  }
0x1c: {  	p1 =	slt.u32 s9, $0xF7A;
	s5 =	simm.s32 @!p2 $0x0  }
0x1d: {  	s5 =	simm.s32 @p1 $0x1;
	p0 =	seq.s32 s7, s2  }
0x1e: {  	s7 =	smul.u32 @!p0 $0xF7A, s2;
	p2 =	seq.s32 @!p0 s5, $0x0  }
0x1f: {  	s9 =	smul.u32 $0xF7A, s1;
	s8 =	simm.s32 @!p0 $0x1BF5;
	p2 =	por !p2, p0  }
0x20: {  	[sflag:s8] =	ssyncset.s32 @!p0 $0xFFFFF086;
	s6 =	sadd.s32 @!p0 s3, s7;
	s7 =	simm.s32 @!p0 $0x108  }
0x21: {  	s3 =	sadd.s32 s3, s9;
	s6 =	sadd.s32 @!p0 $0x88, s6;
	s7 =	simm.s32 @p2 $0x1082  }
0x22: {  	[simem:s7], [sflag:s8] =	dma.local @!p0 [hbm:s6], $0xF7A  }
0x23: {  	s9 =	sor.u32 $0xD0000000, s2;
	s6 =	simm.s32 $0x108;
	_ =	swait.ge @!p0 [sflag:s8], $0x0  }
0x24: {  	s3 =	sadd.s32 $0x88, s3;
	s6 =	simm.s32 @!p1 $0x1082;
	[sflag:s4] =	ssyncset.s32 $0xFFFFF086  }
0x25: {  	[simem:s6], [sflag:s4] =	dma.local [hbm:s3], $0xF7A  }
0x26: {  	[smem:$0x3F99] =	sst s1;
	(tag) =	ssettag s2;
	_ =	strace s9  }
0x27: {  	s1 =	sld [smem:$0x3FA9]  }
0x28: {  	s2 =	sld [smem:$0x3FAA]  }
0x29: {  	s4 =	sld [smem:$0x3FAC]  }
0x2a: {  	p0 =	seq.s32 s5, $0x0;
	s5 =	sld [smem:$0x3FAD]  }
0x2b: {  	s6 =	sld [smem:$0x3FAE]  }
0x2c: {  	s7 =	sld [smem:$0x3FAF]  }
0x2d: {  	s3 =	simm.s32 $0x108;
	s8 =	sld [smem:$0x3FB0]  }
0x2e: {  	s3 =	simm.s32 @!p0 $0x1082;
	s9 =	sld [smem:$0x3FB1]  }
0x2f: {  	lr =	sadd.s32 s0, s3;
	s0 =	sld [smem:$0x3FA8]  }
0x30: {  	s3 =	sld [smem:$0x3FAB]  }
0x31: {  	[smem:$0x3FB4] =	sst s10  }
0x32: {  	s10 =	sld [smem:$0x3FB2];
	_ =	sdelay $0x3  }
0x33: {  	p0 =	seq.s32 s10, $0x1;
	s10 =	sld [smem:$0x3FB4];
	_ =	sdelay $0x3  }
0x34: {  	[smem:$0x3FB4] =	sst s10  }
0x35: {  	s10 =	sld [smem:$0x3FB3];
	_ =	sdelay $0x3  }
0x36: {  	p1 =	seq.s32 s10, $0x1;
	s10 =	sld [smem:$0x3FB4];
	_ =	sdelay $0x3  }
0x37: {  	[smem:$0x3FB4] =	sst s10  }
0x38: {  	s10 =	sld [smem:$0x3FB5]  }
0x39: {  	_ = 	snop;
	(pc) =	sbr.ind lr, $3  }
0x3a: {  	_ = 	snop  }
0x3b: {  	_ = 	snop  }
0x3c: {  	p2 =	seq.s32 s10, $0x1;
	s10 =	sld [smem:$0x3FB4]  }
0x3d: {  	_ =	shalt  }
0x3e: {  	_ =	shalt  }
0x3f: {  	_ =	shalt  }
0x40: {  	_ =	shalt  }
0x41: {  	_ =	shalt  }
0x42: {  	_ =	shalt  }
0x43: {  	_ =	shalt  }
0x44: {  	_ =	shalt  }
0x45: {  	_ =	shalt  }
0x46: {  	_ =	shalt  }
0x47: {  	_ =	shalt  }
0x48: {  	_ =	shalt  }
0x49: {  	_ =	shalt  }
0x4a: {  	_ =	shalt  }
0x4b: {  	_ =	shalt  }
0x4c: {  	_ =	shalt  }
0x4d: {  	_ =	shalt  }
0x4e: {  	_ =	shalt  }
0x4f: {  	_ =	shalt  }
0x50: {  	_ =	shalt  }
0x51: {  	_ =	shalt  }
0x52: {  	_ =	shalt  }
0x53: {  	_ =	shalt  }
0x54: {  	_ =	shalt  }
0x55: {  	_ =	shalt  }
0x56: {  	_ =	shalt  }
0x57: {  	_ =	shalt  }
0x58: {  	_ =	shalt  }
0x59: {  	_ =	shalt  }
0x5a: {  	_ =	shalt  }
0x5b: {  	_ =	shalt  }
0x5c: {  	_ =	shalt  }
0x5d: {  	_ =	shalt  }
0x5e: {  	_ =	shalt  }
0x5f: {  	_ =	shalt  }
0x60: {  	_ =	shalt  }
0x61: {  	_ =	shalt  }
0x62: {  	_ =	shalt  }
0x63: {  	_ =	shalt  }
0x64: {  	_ =	shalt  }
0x65: {  	_ =	shalt  }
0x66: {  	_ =	shalt  }
0x67: {  	_ =	shalt  }
0x68: {  	_ =	shalt  }
0x69: {  	_ =	shalt  }
0x6a: {  	_ =	shalt  }
0x6b: {  	_ =	shalt  }
0x6c: {  	_ =	shalt  }
0x6d: {  	_ =	shalt  }
0x6e: {  	_ =	shalt  }
0x6f: {  	_ =	shalt  }
0x70: {  	_ =	shalt  }
0x71: {  	_ =	shalt  }
0x72: {  	_ =	shalt  }
0x73: {  	_ =	shalt  }
0x74: {  	_ =	shalt  }
0x75: {  	_ =	shalt  }
0x76: {  	_ =	shalt  }
0x77: {  	_ =	shalt  }
0x78: {  	_ =	shalt  }
0x79: {  	_ =	shalt  }
0x7a: {  	_ =	shalt  }
0x7b: {  	_ =	shalt  }
0x7c: {  	_ =	shalt  }
0x7d: {  	_ =	shalt  }
0x7e: {  	_ =	shalt  }
0x7f: {  	_ =	shalt  }
0x80: {  	_ =	shalt  }
0x81: {  	_ =	shalt  }
0x82: {  	_ =	shalt  }
0x83: {  	_ =	shalt  }
0x84: {  	_ =	shalt  }
0x85: {  	_ =	shalt  }
0x86: {  	_ =	shalt  }
0x87: {  	_ =	shalt  }
.Lfunc_end0:
.L_simem_size_0:
called_computation.2_lowered:
.L_overlay_start_0:
0x88: {  	s2 =	sld [smem:$0x3FD9]  }
0x89: {  	s3 =	sld [smem:$0x3FFE];
	_ =	sdelay $0x1  }
0x8a: {  	s1 =	srdreg.scid  }
0x8b: {  	s0 =	sand.u32 $0x1, s1  }
0x8c: {  	s16 =	sshll.u32 s0, $0xA;
	s2 =	sadd.s32 s3, s2  }
0x8d: {  	s2 =	sadd.s32 s2, s16  }
0x8e: {  	[smem:$0x3FC0] =	sst s2  }
0x8f: {  	_ = 	snop  }
0x90: {  	(tm) =	ssettm $0x1  }
0x91: {  	s17 =	sld [smem:$0x3FFB];
	_ =	sdelay $0x3  }
0x92: {  	_ =	strace s17  }
0x93: {  	s2 =	sld [smem:$0x3FFC];
	_ =	sdelay $0x3  }
0x94: {  	_ =	strace s2  }
0x95: {  	s2 =	sld [smem:$0x3FFD];
	_ =	sdelay $0x3  }
0x96: {  	_ =	strace s2  }
0x97: {  	_ =	strace $0x8FFFFFFF  }
0x98: {  	s18 =	sld [smem:$0x3FDB];
	_ =	sdelay $0x1  }
0x99: {  	s19 =	simm.s32 $_scs_section_size  }
0x9a: {  	s4 =	simm.s32 $_size__tile_overlayer_lowered;
	s5 =	simm.s32 $_tile_overlayer_lowered  }
0x9b: {  	s22 =	simm.s32 $0x1BFF;
	s21 =	sshll.u32 s5, $0x1;
	s2 =	sadd.s32 s19, s18  }
0x9c: {  	s6 =	simm.s32 $0x0;
	s20 =	sshll.u32 s4, $0x1;
	s4 =	sadd.s32 s21, s2  }
0x9d: {  	[timem:s6], [sflag:s22] =	dma.local [hbm:s4], s20  }
0x9e: {  	_ =	swait.ge [sflag:s22], s20  }
0x9f: {  	s3 =	ssub.s32 $0x0, s20;
	[sflag:s22] =	ssyncset.done $0x0  }
0xa0: {  	[sflag:s22] =	ssyncadd.s32 s3;
	_ =	sdelay $0x1  }
0xa1: {  	s23 =	simm.s32 $0x1B8B  }
0xa2: {  	_ =	swait.ge [sflag:s23], $0x1  }
0xa3: {  	[sflag:s23] =	ssyncset.done $0x0  }
0xa4: {  	s25 =	simm.s32 $0x1B8E;
	s24 =	sld [smem:$0x3FFE];
	[sflag:s23] =	ssyncadd.s32 $0xFFFFFFFF  }
0xa5: {  	s26 =	simm.s32 $execute0_lowered;
	[smem:$0x3FD2] =	sst s25  }
0xa6: {  	s4 =	sshll.u32 s26, $0x1;
	_ =	strace $0x8000004C;
	[dreg:$0x1] =	wrdreg $0xFFFFFFFF  }
0xa7: {  	s28 =	simm.s32 $_size_execute0_lowered;
	s2 =	sadd.s32 s2, s4;
	[dreg:$0x0] =	wrdreg $0x0  }
0xa8: {  	s4 =	sshll.u32 s28, $0x1;
	[dreg:$0x2] =	wrdreg s2  }
0xa9: {  	[dreg:$0x3] =	wrdreg s4  }
0xaa: {  	[dreg:$0x4] =	wrdreg $0xC0  }
0xab: {  	_ =	task [dreg:s6], $0x5FFFF  }
0xac: {  	[dreg:$0x1] =	wrdreg $0xFFFFFFFF  }
0xad: {  	[dreg:$0x0] =	wrdreg $0x60  }
0xae: {  	[dreg:$0x2] =	wrdreg s24  }
0xaf: {  	[dreg:$0x3] =	wrdreg $0x4E200  }
0xb0: {  	[dreg:$0x4] =	wrdreg $0x9  }
0xb1: {  	_ =	task.clear_ibuf [dreg:s6], $0x5FFFF;
	_ =	strace $0x9000004C  }
0xb2: {  	s29 =	simm.s32 $0x9;
	_ =	strace $0x8000004E  }
0xb3: {  	_ =	swait.ge [sflag:s29], $0x1  }
0xb4: {  	[sflag:s29] =	ssyncadd.s32 $0xFFFFFFFF  }
0xb5: {  	_ =	strace $0x9000004E  }
0xb6: {  	_ =	sfence  }
0xb7: {  	s30 =	sld [smem:$0x0];
	_ =	sdelay $0x2  }
0xb8: {  	s31 =	sshll.u32 s1, $0xD;
	s1 =	sshrl.u32 s1, $0x2  }
0xb9: {  	s3 =	sand.u32 $0x4000, s31;
	s1 =	sadd.s32 s1, s30  }
0xba: {  	s0 =	sor.u32 s3, s0;
	s1 =	sshll.u32 s1, $0x11  }
0xbb: {  	s0 =	sor.u32 s1, s0  }
0xbc: {  	s0 =	sadd.s32 $0x8F2B, s0  }
0xbd: {  	[sflag:s0] =	ssyncadd.remote.s32 $0x1  }
0xbe: {  	_ =	sfence.sel $0xFFFF  }
0xbf: {  	[dreg:$0x0] =	wrdreg $0xFFFFFFFF;
	(pc) =	sbr.abs _section_cstart, $3  }
0xc0: {  	[dreg:$0x1] =	wrdreg $0xFFFFFFFF  }
0xc1: {  	_ =	task.clear_ibuf [dreg:s6], $0x2FFFF;
	_ =	strace $0x9FFFFFFF  }
0xc2: {  	(tm) =	ssettm $0x7FFFFFFF  }
0xc3: {  	_ =	shalt  }
tec
execute0_lowered:
.L_overlay_start_1:
0x0: {  	(tag) =	ssettag $0x1  }
0x1: {  	s0 =	rddreg [dreg:$0x0]  }
0x2: {  	s1 =	rddreg [dreg:$0x1]  }
0x3: {  	s2 =	srdreg.scid;
	s3 =	simm.s32 $0x0;
	s8 =	stileid.u32  }
0x4: {  	s28 =	simm.s32 $0x6;
	s30 =	simm.s32 $0x28;
	s31 =	simm.s32 $0x19AA0  }
0x5: {  	s29 =	simm.s32 $0x1D6A0;
	s2 =	sand.u32 $0x1, s2;
	s6 =	smul.u32 $0x13800, s8  }
0x6: {  	s9 =	simm.s32 $0x4;
	[smem:$0x7FF] =	sst s3;
	s5 =	smul.u32 $0x138800, s2  }
0x7: {  	s4 =	sshll.u32 s2, $0x4;
	_ =	strace $0x8000004D;
	s2 =	ssub.s32 $0x2, s2  }
0x8: {  	s7 =	sor.u32 s8, s4;
	s4 =	sadd.s32 $0x16200, s0;
	s8 =	smul.u32 $0x4E000, s8  }
0x9: {  	s10 =	sshrl.u32 s2, $0x1;
	s13 =	sadd.s32 s6, s1;
	s7 =	smul.u32 $0x4E2, s7  }
0xa: {  	s5 =	sadd.s32 s6, s5;
	s2 =	ssub.s32 s2, s10;
	s6 =	simm.s32 $0x2  }
0xb: {  	s10 =	simm.s32 $0x5;
	s5 =	sshrl.u32 s5, $0x3;
	s12 =	sshrl.u32 s8, $0x2  }
0xc: {  	s2 =	smax.u32 s2, $0x1;
	s7 =	sadd.s32 s7, s0;
	s0 =	sadd.s32 s5, s0  }
0xd: {  	s8 =	sadd.s32 s12, s1;
	[dreg:$0x6] =	wrdreg s2;
	s2 =	simm.s32 $0x1AEA0  }
0xe: {  	s5 =	simm.s32 $0x1;
	s11 =	sadd.s32 $0x2600, s7;
	s7 =	sadd.s32 $0xC400, s7  }
0xf: {  	s0 =	sadd.s32 $0x3D400, s0;
	s23 =	sadd.s32 $0x1400, s8;
	[dreg:$0x3] =	wrdreg s11  }
0x10: {  	s24 =	sadd.s32 $0x2800, s8;
	s25 =	sadd.s32 $0x3C00, s8;
	[dreg:$0x4] =	wrdreg s7  }
0x11: {  	s26 =	sadd.s32 $0x5000, s8;
	s14 =	sadd.s32 $0x6400, s8;
	[dreg:$0x5] =	wrdreg s0  }
0x12: {  	s15 =	sadd.s32 $0x7800, s8;
	s16 =	sadd.s32 $0x8C00, s8;
	[dreg:$0x7] =	wrdreg s23  }
0x13: {  	s17 =	sadd.s32 $0xA000, s8;
	s18 =	sadd.s32 $0xB400, s8;
	[dreg:$0x8] =	wrdreg s24  }
0x14: {  	s19 =	sadd.s32 $0xC800, s8;
	s20 =	sadd.s32 $0xDC00, s8;
	[dreg:$0x9] =	wrdreg s25  }
0x15: {  	s21 =	sadd.s32 $0xF000, s8;
	s22 =	sadd.s32 $0x10400, s8;
	[dreg:$0xa] =	wrdreg s26  }
0x16: {  	s23 =	sadd.s32 $0x11800, s8;
	s24 =	sadd.s32 $0x12C00, s8;
	s25 =	sshrl.u32 s13, $0x3  }
0x17: {  	v0 =	vimm.f32 $0.0e+00;
	s26 =	simm.s32 $0x186A0;
	s0 =	simm.s32 $0x1C2A0;
	s7 =	simm.s32 $0x3  }
.LBB2_1:
0x18: {  	s11 =	simm.s32 $0x0;
	s12 =	simm.s32 $0x200  }
.LBB2_2:
0x19: {  	p0 =	sne.s32 s12, $0x4E00;
	[tilespmem:s11+$0x18710] =	vst v0  }
0x1a: {  	[tilespmem:s11+$0x186A0] =	vst v0  }
0x1b: {  	[tilespmem:s11+$0x186B0] =	vst v0  }
.Ltmp0:
0x1c: {  	[tilespmem:s11+$0x186C0] =	vst v0;
	(pc) =	sbr.rel @p0 .LBB2_2-.Ltmp0, $4  }
0x1d: {  	[tilespmem:s11+$0x186D0] =	vst v0  }
0x1e: {  	[tilespmem:s11+$0x186E0] =	vst v0  }
0x1f: {  	[tilespmem:s11+$0x186F0] =	vst v0  }
0x20: {  	[tilespmem:s11+$0x18700] =	vst v0;
	s11 =	sshra.s32 s12, $0x2;
	s12 =	sadd.s32 $0x200, s12  }
0x21: {  	[tilespmem:s11+$0x18710] =	vst v0  }
0x22: {  	[tilespmem:s11+$0x186A0] =	vst v0  }
0x23: {  	[tilespmem:s11+$0x186B0] =	vst v0  }
0x24: {  	[tilespmem:s11+$0x186C0] =	vst v0  }
0x25: {  	[tilespmem:s11+$0x186D0] =	vst v0  }
0x26: {  	[tilespmem:s11+$0x186E0] =	vst v0  }
0x27: {  	[tilespmem:s11+$0x186F0] =	vst v0  }
0x28: {  	[tilespmem:s11+$0x18700] =	vst v0  }
0x29: {  	[spmem:s8] =	stream.linear.scatter [tilespmem:s26], [sflag:$0x6], $0x1400, $0x38;
	[tilespmem:$0x1EAA0] =	vst v63  }
0x2a: {  	_ =	swait.ge [sflag:s28], $0x1400  }
0x2b: {  	[sflag:s28] =	ssyncset.done $0x0  }
0x2c: {  	s12 =	rddreg [dreg:$0x7];
	[sflag:s28] =	ssyncadd.s32 $0xFFFFEC00  }
0x2d: {  	[spmem:s12] =	stream.linear.scatter [tilespmem:s26], [sflag:$0x6], $0x1400, $0x38;
	[tilespmem:$0x1EAA0] =	vst v63  }
0x2e: {  	_ =	swait.ge [sflag:s28], $0x1400  }
0x2f: {  	[sflag:s28] =	ssyncset.done $0x0  }
0x30: {  	s13 =	rddreg [dreg:$0x8];
	[sflag:s28] =	ssyncadd.s32 $0xFFFFEC00  }
0x31: {  	[spmem:s13] =	stream.linear.scatter [tilespmem:s26], [sflag:$0x6], $0x1400, $0x38;
	[tilespmem:$0x1EAA0] =	vst v63  }
0x32: {  	_ =	swait.ge [sflag:s28], $0x1400  }
0x33: {  	[sflag:s28] =	ssyncset.done $0x0  }
0x34: {  	s12 =	rddreg [dreg:$0x9];
	[sflag:s28] =	ssyncadd.s32 $0xFFFFEC00  }
0x35: {  	[spmem:s12] =	stream.linear.scatter [tilespmem:s26], [sflag:$0x6], $0x1400, $0x38;
	[tilespmem:$0x1EAA0] =	vst v63  }
0x36: {  	_ =	swait.ge [sflag:s28], $0x1400  }
0x37: {  	[sflag:s28] =	ssyncset.done $0x0  }
0x38: {  	s13 =	rddreg [dreg:$0xa];
	[sflag:s28] =	ssyncadd.s32 $0xFFFFEC00  }
0x39: {  	[spmem:s13] =	stream.linear.scatter [tilespmem:s26], [sflag:$0x6], $0x1400, $0x38;
	[tilespmem:$0x1EAA0] =	vst v63  }
0x3a: {  	_ =	swait.ge [sflag:s28], $0x1400  }
0x3b: {  	[sflag:s28] =	ssyncset.done $0x0  }
0x3c: {  	[sflag:s28] =	ssyncadd.s32 $0xFFFFEC00  }
0x3d: {  	[spmem:s14] =	stream.linear.scatter [tilespmem:s26], [sflag:$0x6], $0x1400, $0x38;
	[tilespmem:$0x1EAA0] =	vst v63  }
0x3e: {  	_ =	swait.ge [sflag:s28], $0x1400  }
0x3f: {  	[sflag:s28] =	ssyncset.done $0x0  }
0x40: {  	[sflag:s28] =	ssyncadd.s32 $0xFFFFEC00  }
0x41: {  	[spmem:s15] =	stream.linear.scatter [tilespmem:s26], [sflag:$0x6], $0x1400, $0x38;
	[tilespmem:$0x1EAA0] =	vst v63  }
0x42: {  	_ =	swait.ge [sflag:s28], $0x1400  }
0x43: {  	[sflag:s28] =	ssyncset.done $0x0  }
0x44: {  	[sflag:s28] =	ssyncadd.s32 $0xFFFFEC00  }
0x45: {  	[spmem:s16] =	stream.linear.scatter [tilespmem:s26], [sflag:$0x6], $0x1400, $0x38;
	[tilespmem:$0x1EAA0] =	vst v63  }
0x46: {  	_ =	swait.ge [sflag:s28], $0x1400  }
0x47: {  	[sflag:s28] =	ssyncset.done $0x0  }
0x48: {  	[sflag:s28] =	ssyncadd.s32 $0xFFFFEC00  }
0x49: {  	[spmem:s17] =	stream.linear.scatter [tilespmem:s26], [sflag:$0x6], $0x1400, $0x38;
	[tilespmem:$0x1EAA0] =	vst v63  }
0x4a: {  	_ =	swait.ge [sflag:s28], $0x1400  }
0x4b: {  	[sflag:s28] =	ssyncset.done $0x0  }
0x4c: {  	[sflag:s28] =	ssyncadd.s32 $0xFFFFEC00  }
0x4d: {  	[spmem:s18] =	stream.linear.scatter [tilespmem:s26], [sflag:$0x6], $0x1400, $0x38;
	[tilespmem:$0x1EAA0] =	vst v63  }
0x4e: {  	_ =	swait.ge [sflag:s28], $0x1400  }
0x4f: {  	[sflag:s28] =	ssyncset.done $0x0  }
0x50: {  	[sflag:s28] =	ssyncadd.s32 $0xFFFFEC00  }
0x51: {  	[spmem:s19] =	stream.linear.scatter [tilespmem:s26], [sflag:$0x6], $0x1400, $0x38;
	[tilespmem:$0x1EAA0] =	vst v63  }
0x52: {  	_ =	swait.ge [sflag:s28], $0x1400  }
0x53: {  	[sflag:s28] =	ssyncset.done $0x0  }
0x54: {  	[sflag:s28] =	ssyncadd.s32 $0xFFFFEC00  }
0x55: {  	[spmem:s20] =	stream.linear.scatter [tilespmem:s26], [sflag:$0x6], $0x1400, $0x38;
	[tilespmem:$0x1EAA0] =	vst v63  }
0x56: {  	_ =	swait.ge [sflag:s28], $0x1400  }
0x57: {  	[sflag:s28] =	ssyncset.done $0x0  }
0x58: {  	[sflag:s28] =	ssyncadd.s32 $0xFFFFEC00  }
0x59: {  	[spmem:s21] =	stream.linear.scatter [tilespmem:s26], [sflag:$0x6], $0x1400, $0x38;
	[tilespmem:$0x1EAA0] =	vst v63  }
0x5a: {  	_ =	swait.ge [sflag:s28], $0x1400  }
0x5b: {  	[sflag:s28] =	ssyncset.done $0x0  }
0x5c: {  	[sflag:s28] =	ssyncadd.s32 $0xFFFFEC00  }
0x5d: {  	[spmem:s22] =	stream.linear.scatter [tilespmem:s26], [sflag:$0x6], $0x1400, $0x38;
	[tilespmem:$0x1EAA0] =	vst v63  }
0x5e: {  	_ =	swait.ge [sflag:s28], $0x1400  }
0x5f: {  	[sflag:s28] =	ssyncset.done $0x0  }
0x60: {  	[sflag:s28] =	ssyncadd.s32 $0xFFFFEC00  }
0x61: {  	[spmem:s23] =	stream.linear.scatter [tilespmem:s26], [sflag:$0x6], $0x1400, $0x38;
	[tilespmem:$0x1EAA0] =	vst v63  }
0x62: {  	_ =	swait.ge [sflag:s28], $0x1400  }
0x63: {  	[sflag:s28] =	ssyncset.done $0x0  }
0x64: {  	[sflag:s28] =	ssyncadd.s32 $0xFFFFEC00  }
0x65: {  	[spmem:s24] =	stream.linear.scatter [tilespmem:s26], [sflag:$0x6], $0x1400, $0x38;
	[tilespmem:$0x1EAA0] =	vst v63  }
0x66: {  	_ =	swait.ge [sflag:s28], $0x1400  }
0x67: {  	[sflag:s28] =	ssyncset.done $0x0  }
0x68: {  	s11 =	simm.s32 $0x0;
	s12 =	rddreg [dreg:$0x3];
	[sflag:s28] =	ssyncadd.s32 $0xFFFFEC00  }
0x69: {  	[tilespmem:s11], [sflag:$0x6] =	stream.linear.gather [hbm4b:s12+s11], $0x2710, $0x38;
	[tilespmem:$0x1EAA0] =	vst v63  }
0x6a: {  	_ =	swait.ge [sflag:s28], $0x2710  }
0x6b: {  	[sflag:s28] =	ssyncset.done $0x0  }
0x6c: {  	s13 =	simm.s32 $0x2710;
	s12 =	rddreg [dreg:$0x4];
	[sflag:s28] =	ssyncadd.s32 $0xFFFFD8F0  }
0x6d: {  	[tilespmem:s13], [sflag:$0x6] =	stream.linear.gather [hbm4b:s12+s11], $0x2710, $0x38;
	[tilespmem:$0x1EAA0] =	vst v63  }
0x6e: {  	_ =	swait.ge [sflag:s28], $0x2710  }
0x6f: {  	[sflag:s28] =	ssyncset.done $0x0  }
0x70: {  	[sflag:s28] =	ssyncadd.s32 $0xFFFFD8F0  }
0x71: {  	[bflag:$0x0] =	sbarrier.arrive $0xFFFF  }
0x72: {  	[tilespmem:s26], [sflag:$0x1] =	stream.indirect.gather [hbm4b:s4+s30], $0x80, s11, s30, $0xb8;
	[tilespmem:$0x1EAA0] =	vst v63  }
0x73: {  	_ = 	snop  }
0x74: {  	[tilespmem:s31], [sflag:$0x2] =	stream.indirect.gather [hbm4b:s4+s30], $0x80, s30, s30, $0xb8;
	[tilespmem:$0x1EAA0] =	vst v63  }
0x75: {  	s12 =	simm.s32 $0x50  }
0x76: {  	[tilespmem:s2], [sflag:$0x3] =	stream.indirect.gather [hbm4b:s4+s30], $0x80, s12, s30, $0xb8;
	[tilespmem:$0x1EAA0] =	vst v63  }
0x77: {  	s13 =	simm.s32 $0x78  }
0x78: {  	[tilespmem:s0], [sflag:$0x4] =	stream.indirect.gather [hbm4b:s4+s30], $0x80, s13, s30, $0xb8;
	[tilespmem:$0x1EAA0] =	vst v63  }
0x79: {  	s12 =	simm.s32 $0xA0  }
0x7a: {  	[tilespmem:s29], [sflag:$0x5] =	stream.indirect.gather [hbm4b:s4+s30], $0x80, s12, s30, $0xb8;
	[tilespmem:$0x1EAA0] =	vst v63  }
0x7b: {  	_ =	swait.ge [sflag:s5], $0x1400  }
0x7c: {  	[sflag:s5] =	ssyncset.done $0x0  }
0x7d: {  	s13 =	simm.s32 $0x2710;
	[sflag:s5] =	ssyncadd.s32 $0xFFFFEC00  }
0x7e: {  	[spmem:s1] =	stream.indirect.scatter.add.f32 [tilespmem:s26], [sflag:$0x6], $0x80, s13, s30, $0xb8;
	[tilespmem:$0x1EAA0] =	vst v63  }
0x7f: {  	_ =	swait.ge [sflag:s28], $0x1400  }
0x80: {  	[sflag:s28] =	ssyncset.done $0x0  }
0x81: {  	s12 =	simm.s32 $0xC8;
	[sflag:s28] =	ssyncadd.s32 $0xFFFFEC00  }
0x82: {  	[tilespmem:s26], [sflag:$0x1] =	stream.indirect.gather [hbm4b:s4+s30], $0x80, s12, s30, $0xb8;
	[tilespmem:$0x1EAA0] =	vst v63  }
0x83: {  	_ =	swait.ge [sflag:s6], $0x1400  }
0x84: {  	[sflag:s6] =	ssyncset.done $0x0  }
0x85: {  	s13 =	simm.s32 $0x2738;
	[sflag:s6] =	ssyncadd.s32 $0xFFFFEC00  }
0x86: {  	[spmem:s1] =	stream.indirect.scatter.add.f32 [tilespmem:s31], [sflag:$0x6], $0x80, s13, s30, $0xb8;
	[tilespmem:$0x1EAA0] =	vst v63  }
0x87: {  	_ =	swait.ge [sflag:s28], $0x1400  }
0x88: {  	[sflag:s28] =	ssyncset.done $0x0  }
0x89: {  	s12 =	simm.s32 $0xF0;
	[sflag:s28] =	ssyncadd.s32 $0xFFFFEC00  }
0x8a: {  	[tilespmem:s31], [sflag:$0x2] =	stream.indirect.gather [hbm4b:s4+s30], $0x80, s12, s30, $0xb8;
	[tilespmem:$0x1EAA0] =	vst v63  }
0x8b: {  	_ =	swait.ge [sflag:s7], $0x1400  }
0x8c: {  	[sflag:s7] =	ssyncset.done $0x0  }
0x8d: {  	s13 =	simm.s32 $0x2760;
	[sflag:s7] =	ssyncadd.s32 $0xFFFFEC00  }
0x8e: {  	[spmem:s1] =	stream.indirect.scatter.add.f32 [tilespmem:s2], [sflag:$0x6], $0x80, s13, s30, $0xb8;
	[tilespmem:$0x1EAA0] =	vst v63  }
0x8f: {  	_ =	swait.ge [sflag:s28], $0x1400  }
0x90: {  	[sflag:s28] =	ssyncset.done $0x0  }
0x91: {  	s12 =	simm.s32 $0x118;
	[sflag:s28] =	ssyncadd.s32 $0xFFFFEC00  }
0x92: {  	[tilespmem:s2], [sflag:$0x3] =	stream.indirect.gather [hbm4b:s4+s30], $0x80, s12, s30, $0xb8;
	[tilespmem:$0x1EAA0] =	vst v63  }
0x93: {  	_ =	swait.ge [sflag:s9], $0x1400  }
0x94: {  	[sflag:s9] =	ssyncset.done $0x0  }
0x95: {  	s13 =	simm.s32 $0x2788;
	[sflag:s9] =	ssyncadd.s32 $0xFFFFEC00  }
0x96: {  	[spmem:s1] =	stream.indirect.scatter.add.f32 [tilespmem:s0], [sflag:$0x6], $0x80, s13, s30, $0xb8;
	[tilespmem:$0x1EAA0] =	vst v63  }
0x97: {  	_ =	swait.ge [sflag:s28], $0x1400  }
0x98: {  	[sflag:s28] =	ssyncset.done $0x0  }
0x99: {  	s12 =	simm.s32 $0x140;
	[sflag:s28] =	ssyncadd.s32 $0xFFFFEC00  }
0x9a: {  	[tilespmem:s0], [sflag:$0x4] =	stream.indirect.gather [hbm4b:s4+s30], $0x80, s12, s30, $0xb8;
	[tilespmem:$0x1EAA0] =	vst v63  }
0x9b: {  	_ =	swait.ge [sflag:s10], $0x1400  }
0x9c: {  	[sflag:s10] =	ssyncset.done $0x0  }
0x9d: {  	s13 =	simm.s32 $0x27B0;
	[sflag:s10] =	ssyncadd.s32 $0xFFFFEC00  }
0x9e: {  	[spmem:s1] =	stream.indirect.scatter.add.f32 [tilespmem:s29], [sflag:$0x6], $0x80, s13, s30, $0xb8;
	[tilespmem:$0x1EAA0] =	vst v63  }
0x9f: {  	_ =	swait.ge [sflag:s28], $0x1400  }
0xa0: {  	[sflag:s28] =	ssyncset.done $0x0  }
0xa1: {  	s11 =	simm.s32 $0x320;
	s12 =	simm.s32 $0x168;
	[sflag:s28] =	ssyncadd.s32 $0xFFFFEC00  }
.LBB2_4:
0xa2: {  	[tilespmem:s29], [sflag:$0x5] =	stream.indirect.gather [hbm4b:s4+s30], $0x80, s12, s30, $0xb8;
	[tilespmem:$0x1EAA0] =	vst v63  }
0xa3: {  	s12 =	smov.u32 s11  }
0xa4: {  	p0 =	sne.s32 s11, $0x9600;
	s11 =	sadd.s32 $0x320, s11;
	_ =	swait.ge [sflag:s5], $0x1400  }
0xa5: {  	s12 =	sshra.s32 s12, $0x2;
	[sflag:s5] =	ssyncset.done $0x0  }
0xa6: {  	s13 =	sadd.s32 $0x2710, s12;
	[sflag:s5] =	ssyncadd.s32 $0xFFFFEC00  }
0xa7: {  	[spmem:s1] =	stream.indirect.scatter.add.f32 [tilespmem:s26], [sflag:$0x6], $0x80, s13, s30, $0xb8;
	[tilespmem:$0x1EAA0] =	vst v63  }
0xa8: {  	_ =	swait.ge [sflag:s28], $0x1400  }
0xa9: {  	[sflag:s28] =	ssyncset.done $0x0  }
0xaa: {  	s13 =	sadd.s32 $0xC8, s12;
	[sflag:s28] =	ssyncadd.s32 $0xFFFFEC00  }
0xab: {  	[tilespmem:s26], [sflag:$0x1] =	stream.indirect.gather [hbm4b:s4+s30], $0x80, s13, s30, $0xb8;
	[tilespmem:$0x1EAA0] =	vst v63  }
0xac: {  	_ =	swait.ge [sflag:s6], $0x1400  }
0xad: {  	[sflag:s6] =	ssyncset.done $0x0  }
0xae: {  	s13 =	sadd.s32 $0x2738, s12;
	[sflag:s6] =	ssyncadd.s32 $0xFFFFEC00  }
0xaf: {  	[spmem:s1] =	stream.indirect.scatter.add.f32 [tilespmem:s31], [sflag:$0x6], $0x80, s13, s30, $0xb8;
	[tilespmem:$0x1EAA0] =	vst v63  }
0xb0: {  	_ =	swait.ge [sflag:s28], $0x1400  }
0xb1: {  	[sflag:s28] =	ssyncset.done $0x0  }
0xb2: {  	s13 =	sadd.s32 $0xF0, s12;
	[sflag:s28] =	ssyncadd.s32 $0xFFFFEC00  }
0xb3: {  	[tilespmem:s31], [sflag:$0x2] =	stream.indirect.gather [hbm4b:s4+s30], $0x80, s13, s30, $0xb8;
	[tilespmem:$0x1EAA0] =	vst v63  }
0xb4: {  	_ =	swait.ge [sflag:s7], $0x1400  }
0xb5: {  	[sflag:s7] =	ssyncset.done $0x0  }
0xb6: {  	s13 =	sadd.s32 $0x2760, s12;
	[sflag:s7] =	ssyncadd.s32 $0xFFFFEC00  }
0xb7: {  	[spmem:s1] =	stream.indirect.scatter.add.f32 [tilespmem:s2], [sflag:$0x6], $0x80, s13, s30, $0xb8;
	[tilespmem:$0x1EAA0] =	vst v63  }
0xb8: {  	_ =	swait.ge [sflag:s28], $0x1400  }
0xb9: {  	[sflag:s28] =	ssyncset.done $0x0  }
0xba: {  	s13 =	sadd.s32 $0x118, s12;
	[sflag:s28] =	ssyncadd.s32 $0xFFFFEC00  }
0xbb: {  	[tilespmem:s2], [sflag:$0x3] =	stream.indirect.gather [hbm4b:s4+s30], $0x80, s13, s30, $0xb8;
	[tilespmem:$0x1EAA0] =	vst v63  }
0xbc: {  	_ =	swait.ge [sflag:s9], $0x1400  }
0xbd: {  	[sflag:s9] =	ssyncset.done $0x0  }
0xbe: {  	s13 =	sadd.s32 $0x2788, s12;
	[sflag:s9] =	ssyncadd.s32 $0xFFFFEC00  }
0xbf: {  	[spmem:s1] =	stream.indirect.scatter.add.f32 [tilespmem:s0], [sflag:$0x6], $0x80, s13, s30, $0xb8;
	[tilespmem:$0x1EAA0] =	vst v63  }
0xc0: {  	_ =	swait.ge [sflag:s28], $0x1400  }
0xc1: {  	[sflag:s28] =	ssyncset.done $0x0  }
0xc2: {  	s13 =	sadd.s32 $0x140, s12;
	[sflag:s28] =	ssyncadd.s32 $0xFFFFEC00  }
0xc3: {  	[tilespmem:s0], [sflag:$0x4] =	stream.indirect.gather [hbm4b:s4+s30], $0x80, s13, s30, $0xb8;
	[tilespmem:$0x1EAA0] =	vst v63  }
0xc4: {  	_ =	swait.ge [sflag:s10], $0x1400  }
0xc5: {  	[sflag:s10] =	ssyncset.done $0x0  }
.Ltmp1:
0xc6: {  	s13 =	sadd.s32 $0x27B0, s12;
	[sflag:s10] =	ssyncadd.s32 $0xFFFFEC00;
	(pc) =	sbr.rel @p0 .LBB2_4-.Ltmp1, $4  }
0xc7: {  	[spmem:s1] =	stream.indirect.scatter.add.f32 [tilespmem:s29], [sflag:$0x6], $0x80, s13, s30, $0xb8;
	[tilespmem:$0x1EAA0] =	vst v63  }
0xc8: {  	_ =	swait.ge [sflag:s28], $0x1400  }
0xc9: {  	[sflag:s28] =	ssyncset.done $0x0  }
0xca: {  	s12 =	sadd.s32 $0x168, s12;
	[sflag:s28] =	ssyncadd.s32 $0xFFFFEC00  }
0xcb: {  	[tilespmem:s29], [sflag:$0x5] =	stream.indirect.gather [hbm4b:s4+s30], $0x80, s12, s30, $0xb8;
	[tilespmem:$0x1EAA0] =	vst v63  }
0xcc: {  	_ =	swait.ge [sflag:s5], $0x1400  }
0xcd: {  	[sflag:s5] =	ssyncset.done $0x0  }
0xce: {  	s11 =	simm.s32 $0x4D58;
	[sflag:s5] =	ssyncadd.s32 $0xFFFFEC00  }
0xcf: {  	[spmem:s1] =	stream.indirect.scatter.add.f32 [tilespmem:s26], [sflag:$0x6], $0x80, s11, s30, $0xb8;
	[tilespmem:$0x1EAA0] =	vst v63  }
0xd0: {  	_ =	swait.ge [sflag:s28], $0x1400  }
0xd1: {  	[sflag:s28] =	ssyncset.done $0x0  }
0xd2: {  	[sflag:s28] =	ssyncadd.s32 $0xFFFFEC00  }
0xd3: {  	_ =	swait.ge [sflag:s6], $0x1400  }
0xd4: {  	[sflag:s6] =	ssyncset.done $0x0  }
0xd5: {  	s12 =	simm.s32 $0x4D80;
	[sflag:s6] =	ssyncadd.s32 $0xFFFFEC00  }
0xd6: {  	[spmem:s1] =	stream.indirect.scatter.add.f32 [tilespmem:s31], [sflag:$0x6], $0x80, s12, s30, $0xb8;
	[tilespmem:$0x1EAA0] =	vst v63  }
0xd7: {  	_ =	swait.ge [sflag:s28], $0x1400  }
0xd8: {  	[sflag:s28] =	ssyncset.done $0x0  }
0xd9: {  	[sflag:s28] =	ssyncadd.s32 $0xFFFFEC00  }
0xda: {  	_ =	swait.ge [sflag:s7], $0x1400  }
0xdb: {  	[sflag:s7] =	ssyncset.done $0x0  }
0xdc: {  	s13 =	simm.s32 $0x4DA8;
	[sflag:s7] =	ssyncadd.s32 $0xFFFFEC00  }
0xdd: {  	[spmem:s1] =	stream.indirect.scatter.add.f32 [tilespmem:s2], [sflag:$0x6], $0x80, s13, s30, $0xb8;
	[tilespmem:$0x1EAA0] =	vst v63  }
0xde: {  	_ =	swait.ge [sflag:s28], $0x1400  }
0xdf: {  	[sflag:s28] =	ssyncset.done $0x0  }
0xe0: {  	[sflag:s28] =	ssyncadd.s32 $0xFFFFEC00  }
0xe1: {  	_ =	swait.ge [sflag:s9], $0x1400  }
0xe2: {  	[sflag:s9] =	ssyncset.done $0x0  }
0xe3: {  	s12 =	simm.s32 $0x4DD0;
	[sflag:s9] =	ssyncadd.s32 $0xFFFFEC00  }
0xe4: {  	[spmem:s1] =	stream.indirect.scatter.add.f32 [tilespmem:s0], [sflag:$0x6], $0x80, s12, s30, $0xb8;
	[tilespmem:$0x1EAA0] =	vst v63  }
0xe5: {  	_ =	swait.ge [sflag:s28], $0x1400  }
0xe6: {  	[sflag:s28] =	ssyncset.done $0x0  }
0xe7: {  	[sflag:s28] =	ssyncadd.s32 $0xFFFFEC00  }
0xe8: {  	_ =	swait.ge [sflag:s10], $0x1400  }
0xe9: {  	[sflag:s10] =	ssyncset.done $0x0  }
0xea: {  	s13 =	simm.s32 $0x4DF8;
	[sflag:s10] =	ssyncadd.s32 $0xFFFFEC00  }
0xeb: {  	[spmem:s1] =	stream.indirect.scatter.add.f32 [tilespmem:s29], [sflag:$0x6], $0x80, s13, s30, $0xb8;
	[tilespmem:$0x1EAA0] =	vst v63  }
0xec: {  	_ =	swait.ge [sflag:s28], $0x1400  }
0xed: {  	[sflag:s28] =	ssyncset.done $0x0  }
0xee: {  	s12 =	stileid.u32;
	[sflag:s28] =	ssyncadd.s32 $0xFFFFEC00  }
0xef: {  	s11 =	sshll.u32 s12, $0x6;
	[bflag:$0x0] =	sbarrier.arrive $0xFFFF  }
0xf0: {  	s11 =	sor.u32 $0x1C06, s11;
	s13 =	rddreg [dreg:$0x5]  }
0xf1: {  	[hbm:s13], [sflag:s11] =	dma.local [spmem:s25], $0x2800  }
0xf2: {  	_ =	swait.ge [sflag:s28], $0x2800  }
0xf3: {  	s3 =	sadd.s32 $0x1, s3;
	s13 =	rddreg [dreg:$0x6]  }
0xf4: {  	p0 =	sne.s32 s3, s13  }
.Ltmp2:
0xf5: {  	_ = 	snop;
	(pc) =	sbr.rel @p0 .LBB2_1-.Ltmp2, $3  }
0xf6: {  	_ =	sdelay $0x1  }
0xf7: {  	[sflag:s28] =	ssyncset.done $0x0  }
0xf8: {  	[sflag:s28] =	ssyncadd.s32 $0xFFFFD800  }
0xf9: {  	_ =	sfence.sel $0x180000  }
0xfa: {  	[bflag:$0x0] =	sbarrier.arrive $0xFFFF  }
0xfb: {  	_ =	strace $0x9000004D  }
0xfc: {  	s0 =	stileid.u32;
	[bflag:$0x2] =	sbarrier.arrive $0xFFFF  }
0xfd: {  	p0 =	sne.s32 s0, $0x0;
	s0 =	rddreg [dreg:$0x2]  }
0xfe: {  	s0 =	sadd.s32 @!p0 $0x100000, s0  }
0xff: {  	[sflag:s0] =	ssyncadd.tile.s32 @!p0 $0x1;
	_ =	shalt  }
.Lfunc_end2:
_tile_overlayer_lowered:
.L_overlay_start_2:
0x100: {  	(tag) =	ssettag $0x2  }
0x101: {  	s0 =	rddreg [dreg:$0x0];
	s2 =	stileid.u32  }
0x102: {  	s1 =	rddreg [dreg:$0x1];
	p0 =	sne.s32 s2, $0x0  }
0x103: {  	s3 =	rddreg [dreg:$0x2];
	[bflag:$0x3] =	sbarrier.arrive $0xFFFF;
	s2 =	simm.s32 @!p0 $0x1C06  }
0x104: {  	[timem:s3], [sflag:s2] =	dma.local @!p0 [hbm:s0], s1  }
0x105: {  	s0 =	simm.s32 @!p0 $0x6  }
0x106: {  	_ =	swait.ge @!p0 [sflag:s0], s1  }
0x107: {  	s1 =	ssub.s32 @!p0 $0x0, s1;
	[sflag:s0] =	ssyncset.done @!p0 $0x0  }
0x108: {  	[sflag:s0] =	ssyncadd.s32 @!p0 s1  }
0x109: {  	[bflag:$0x3] =	sbarrier.arrive $0xFFFF  }
0x10a: {  	_ =	shalt  }

// kernel: kernel.19.cloned.1.call-start
scs
__scs_entry_jumppad:
0x0: {  	(pc) =	sbr.rel $0x88, $3  }
0x1: {  	(tag) =	ssettag $0x0;
	lr =	simm.s32 $0x1  }
0x2: {  	[smem:$0x3F99] =	sst lr;
	_ =	strace $0xD0000000  }
0x3: {  	_ = 	snop  }
0x4: {  	_ = 	snop  }
0x5: {  	_ = 	snop  }
0x6: {  	_ = 	snop  }
0x7: {  	_ = 	snop  }
__scs_overlays_trampoline_lowered:
0x8: {  	[smem:$0x3FA8] =	sst s0  }
0x9: {  	[smem:$0x3FA9] =	sst s1  }
0xa: {  	[smem:$0x3FAA] =	sst s2  }
0xb: {  	[smem:$0x3FAB] =	sst s3  }
0xc: {  	[smem:$0x3FAC] =	sst s4  }
0xd: {  	[smem:$0x3FAD] =	sst s5  }
0xe: {  	[smem:$0x3FAE] =	sst s6  }
0xf: {  	[smem:$0x3FAF] =	sst s7  }
0x10: {  	[smem:$0x3FB0] =	sst s8  }
0x11: {  	[smem:$0x3FB1] =	sst s9;
	s0 =	simm.s32 @!p0 $0x0  }
0x12: {  	s1 =	sld [smem:$0x3F97];
	s0 =	simm.s32 @p0 $0x1  }
0x13: {  	[smem:$0x3FB2] =	sst s0;
	s0 =	simm.s32 @!p1 $0x0  }
0x14: {  	s2 =	sld [smem:$0x3F96];
	s0 =	simm.s32 @p1 $0x1  }
0x15: {  	[smem:$0x3FB3] =	sst s0;
	s0 =	simm.s32 @!p2 $0x0  }
0x16: {  	s3 =	sld [smem:$0x3FDB];
	s0 =	simm.s32 @p2 $0x1  }
0x17: {  	s4 =	simm.s32 $0x1BF5;
	[smem:$0x3FB5] =	sst s0  }
0x18: {  	s0 =	sld [smem:$0x3F98];
	_ =	swait.ge [sflag:s4], $0x0  }
0x19: {  	s7 =	sld [smem:$0x3F99]  }
0x1a: {  	s8 =	sadd.s32 $0xFFFFE003, lr  }
0x1b: {  	s9 =	sadd.s32 $0xFFFFFEF7, lr;
	s5 =	simm.s32 $0xFFFFFFFF;
	p2 =	slt.u32 s8, $0xFFFFF086  }
0x1c: {  	p1 =	slt.u32 s9, $0xF7A;
	s5 =	simm.s32 @!p2 $0x0  }
0x1d: {  	s5 =	simm.s32 @p1 $0x1;
	p0 =	seq.s32 s7, s2  }
0x1e: {  	s7 =	smul.u32 @!p0 $0xF7A, s2;
	p2 =	seq.s32 @!p0 s5, $0x0  }
0x1f: {  	s9 =	smul.u32 $0xF7A, s1;
	s8 =	simm.s32 @!p0 $0x1BF5;
	p2 =	por !p2, p0  }
0x20: {  	[sflag:s8] =	ssyncset.s32 @!p0 $0xFFFFF086;
	s6 =	sadd.s32 @!p0 s3, s7;
	s7 =	simm.s32 @!p0 $0x108  }
0x21: {  	s3 =	sadd.s32 s3, s9;
	s6 =	sadd.s32 @!p0 $0x88, s6;
	s7 =	simm.s32 @p2 $0x1082  }
0x22: {  	[simem:s7], [sflag:s8] =	dma.local @!p0 [hbm:s6], $0xF7A  }
0x23: {  	s9 =	sor.u32 $0xD0000000, s2;
	s6 =	simm.s32 $0x108;
	_ =	swait.ge @!p0 [sflag:s8], $0x0  }
0x24: {  	s3 =	sadd.s32 $0x88, s3;
	s6 =	simm.s32 @!p1 $0x1082;
	[sflag:s4] =	ssyncset.s32 $0xFFFFF086  }
0x25: {  	[simem:s6], [sflag:s4] =	dma.local [hbm:s3], $0xF7A  }
0x26: {  	[smem:$0x3F99] =	sst s1;
	(tag) =	ssettag s2;
	_ =	strace s9  }
0x27: {  	s1 =	sld [smem:$0x3FA9]  }
0x28: {  	s2 =	sld [smem:$0x3FAA]  }
0x29: {  	s4 =	sld [smem:$0x3FAC]  }
0x2a: {  	p0 =	seq.s32 s5, $0x0;
	s5 =	sld [smem:$0x3FAD]  }
0x2b: {  	s6 =	sld [smem:$0x3FAE]  }
0x2c: {  	s7 =	sld [smem:$0x3FAF]  }
0x2d: {  	s3 =	simm.s32 $0x108;
	s8 =	sld [smem:$0x3FB0]  }
0x2e: {  	s3 =	simm.s32 @!p0 $0x1082;
	s9 =	sld [smem:$0x3FB1]  }
0x2f: {  	lr =	sadd.s32 s0, s3;
	s0 =	sld [smem:$0x3FA8]  }
0x30: {  	s3 =	sld [smem:$0x3FAB]  }
0x31: {  	[smem:$0x3FB4] =	sst s10  }
0x32: {  	s10 =	sld [smem:$0x3FB2];
	_ =	sdelay $0x3  }
0x33: {  	p0 =	seq.s32 s10, $0x1;
	s10 =	sld [smem:$0x3FB4];
	_ =	sdelay $0x3  }
0x34: {  	[smem:$0x3FB4] =	sst s10  }
0x35: {  	s10 =	sld [smem:$0x3FB3];
	_ =	sdelay $0x3  }
0x36: {  	p1 =	seq.s32 s10, $0x1;
	s10 =	sld [smem:$0x3FB4];
	_ =	sdelay $0x3  }
0x37: {  	[smem:$0x3FB4] =	sst s10  }
0x38: {  	s10 =	sld [smem:$0x3FB5]  }
0x39: {  	_ = 	snop;
	(pc) =	sbr.ind lr, $3  }
0x3a: {  	_ = 	snop  }
0x3b: {  	_ = 	snop  }
0x3c: {  	p2 =	seq.s32 s10, $0x1;
	s10 =	sld [smem:$0x3FB4]  }
0x3d: {  	_ =	shalt  }
0x3e: {  	_ =	shalt  }
0x3f: {  	_ =	shalt  }
0x40: {  	_ =	shalt  }
0x41: {  	_ =	shalt  }
0x42: {  	_ =	shalt  }
0x43: {  	_ =	shalt  }
0x44: {  	_ =	shalt  }
0x45: {  	_ =	shalt  }
0x46: {  	_ =	shalt  }
0x47: {  	_ =	shalt  }
0x48: {  	_ =	shalt  }
0x49: {  	_ =	shalt  }
0x4a: {  	_ =	shalt  }
0x4b: {  	_ =	shalt  }
0x4c: {  	_ =	shalt  }
0x4d: {  	_ =	shalt  }
0x4e: {  	_ =	shalt  }
0x4f: {  	_ =	shalt  }
0x50: {  	_ =	shalt  }
0x51: {  	_ =	shalt  }
0x52: {  	_ =	shalt  }
0x53: {  	_ =	shalt  }
0x54: {  	_ =	shalt  }
0x55: {  	_ =	shalt  }
0x56: {  	_ =	shalt  }
0x57: {  	_ =	shalt  }
0x58: {  	_ =	shalt  }
0x59: {  	_ =	shalt  }
0x5a: {  	_ =	shalt  }
0x5b: {  	_ =	shalt  }
0x5c: {  	_ =	shalt  }
0x5d: {  	_ =	shalt  }
0x5e: {  	_ =	shalt  }
0x5f: {  	_ =	shalt  }
0x60: {  	_ =	shalt  }
0x61: {  	_ =	shalt  }
0x62: {  	_ =	shalt  }
0x63: {  	_ =	shalt  }
0x64: {  	_ =	shalt  }
0x65: {  	_ =	shalt  }
0x66: {  	_ =	shalt  }
0x67: {  	_ =	shalt  }
0x68: {  	_ =	shalt  }
0x69: {  	_ =	shalt  }
0x6a: {  	_ =	shalt  }
0x6b: {  	_ =	shalt  }
0x6c: {  	_ =	shalt  }
0x6d: {  	_ =	shalt  }
0x6e: {  	_ =	shalt  }
0x6f: {  	_ =	shalt  }
0x70: {  	_ =	shalt  }
0x71: {  	_ =	shalt  }
0x72: {  	_ =	shalt  }
0x73: {  	_ =	shalt  }
0x74: {  	_ =	shalt  }
0x75: {  	_ =	shalt  }
0x76: {  	_ =	shalt  }
0x77: {  	_ =	shalt  }
0x78: {  	_ =	shalt  }
0x79: {  	_ =	shalt  }
0x7a: {  	_ =	shalt  }
0x7b: {  	_ =	shalt  }
0x7c: {  	_ =	shalt  }
0x7d: {  	_ =	shalt  }
0x7e: {  	_ =	shalt  }
0x7f: {  	_ =	shalt  }
0x80: {  	_ =	shalt  }
0x81: {  	_ =	shalt  }
0x82: {  	_ =	shalt  }
0x83: {  	_ =	shalt  }
0x84: {  	_ =	shalt  }
0x85: {  	_ =	shalt  }
0x86: {  	_ =	shalt  }
0x87: {  	_ =	shalt  }
.Lfunc_end0:
.L_simem_size_0:
called_computation.3_lowered:
.L_overlay_start_0:
0x88: {  	s2 =	sld [smem:$0x3FD9]  }
0x89: {  	s3 =	sld [smem:$0x3FFE];
	_ =	sdelay $0x1  }
0x8a: {  	s1 =	srdreg.scid  }
0x8b: {  	s0 =	sand.u32 $0x1, s1  }
0x8c: {  	s17 =	sshll.u32 s0, $0xA;
	s2 =	sadd.s32 s3, s2  }
0x8d: {  	s2 =	sadd.s32 s2, s17  }
0x8e: {  	[smem:$0x3FC0] =	sst s2  }
0x8f: {  	_ = 	snop  }
0x90: {  	s2 =	sld [smem:$0x3FD0];
	(tm) =	ssettm $0x1  }
0x91: {  	s18 =	sld [smem:$0x3FFB];
	_ =	sdelay $0x3  }
0x92: {  	_ =	strace s18  }
0x93: {  	s3 =	sld [smem:$0x3FFC];
	_ =	sdelay $0x3  }
0x94: {  	_ =	strace s3  }
0x95: {  	s3 =	sld [smem:$0x3FFD];
	_ =	sdelay $0x3  }
0x96: {  	_ =	strace s3  }
0x97: {  	_ =	strace $0x8FFFFFFF  }
0x98: {  	s19 =	sld [smem:$0x3FDB];
	_ =	sdelay $0x1  }
0x99: {  	s4 =	simm.s32 $_scs_section_size  }
0x9a: {  	s5 =	simm.s32 $_size__tile_overlayer_lowered;
	s6 =	simm.s32 $_tile_overlayer_lowered  }
0x9b: {  	s22 =	simm.s32 $0x1BFF;
	s21 =	sshll.u32 s6, $0x1;
	s3 =	sadd.s32 s4, s19  }
0x9c: {  	s7 =	simm.s32 $0x0;
	s20 =	sshll.u32 s5, $0x1;
	s5 =	sadd.s32 s21, s3  }
0x9d: {  	[timem:s7], [sflag:s22] =	dma.local [hbm:s5], s20  }
0x9e: {  	_ =	swait.ge [sflag:s22], s20  }
0x9f: {  	s4 =	ssub.s32 $0x0, s20;
	[sflag:s22] =	ssyncset.done $0x0  }
0xa0: {  	[sflag:s22] =	ssyncadd.s32 s4;
	_ =	sdelay $0x1  }
0xa1: {  	s23 =	simm.s32 $0x1B8B  }
0xa2: {  	_ =	swait.ge [sflag:s23], $0x1  }
0xa3: {  	[sflag:s23] =	ssyncset.done $0x0  }
0xa4: {  	s25 =	simm.s32 $0x1B8E;
	s24 =	sld [smem:$0x3FFE];
	[sflag:s23] =	ssyncadd.s32 $0xFFFFFFFF  }
0xa5: {  	s26 =	simm.s32 $execute0_lowered;
	[smem:$0x3FD2] =	sst s25  }
0xa6: {  	s5 =	sshll.u32 s26, $0x1;
	_ =	strace $0x8000004F;
	[dreg:$0x1] =	wrdreg $0xFFFFFFFF  }
0xa7: {  	s28 =	simm.s32 $_size_execute0_lowered;
	s3 =	sadd.s32 s3, s5;
	[dreg:$0x0] =	wrdreg $0x0  }
0xa8: {  	s5 =	sshll.u32 s28, $0x1;
	[dreg:$0x2] =	wrdreg s3  }
0xa9: {  	[dreg:$0x3] =	wrdreg s5  }
0xaa: {  	[dreg:$0x4] =	wrdreg $0xC0  }
0xab: {  	_ =	task [dreg:s7], $0x5FFFF  }
0xac: {  	[dreg:$0x1] =	wrdreg $0xFFFFFFFF  }
0xad: {  	[dreg:$0x0] =	wrdreg $0x60  }
0xae: {  	[dreg:$0x2] =	wrdreg s2  }
0xaf: {  	[dreg:$0x3] =	wrdreg s24  }
0xb0: {  	[dreg:$0x4] =	wrdreg $0x4E200  }
0xb1: {  	[dreg:$0x5] =	wrdreg $0x9  }
0xb2: {  	_ =	task.clear_ibuf [dreg:s7], $0x6FFFF;
	_ =	strace $0x9000004F  }
0xb3: {  	s29 =	simm.s32 $0x9;
	_ =	strace $0x80000051  }
0xb4: {  	_ =	swait.ge [sflag:s29], $0x1  }
0xb5: {  	[sflag:s29] =	ssyncadd.s32 $0xFFFFFFFF  }
0xb6: {  	_ =	strace $0x90000051  }
0xb7: {  	_ =	sfence  }
0xb8: {  	s30 =	sld [smem:$0x0];
	_ =	sdelay $0x2  }
0xb9: {  	s31 =	sshll.u32 s1, $0xD;
	s1 =	sshrl.u32 s1, $0x2  }
0xba: {  	s3 =	sand.u32 $0x4000, s31;
	s1 =	sadd.s32 s1, s30  }
0xbb: {  	s0 =	sor.u32 s3, s0;
	s1 =	sshll.u32 s1, $0x11  }
0xbc: {  	s0 =	sor.u32 s1, s0  }
0xbd: {  	s0 =	sadd.s32 $0x8F2B, s0  }
0xbe: {  	[sflag:s0] =	ssyncadd.remote.s32 $0x1  }
0xbf: {  	_ =	sfence.sel $0xFFFF  }
0xc0: {  	[dreg:$0x0] =	wrdreg $0xFFFFFFFF;
	(pc) =	sbr.abs _section_cstart, $3  }
0xc1: {  	[dreg:$0x1] =	wrdreg $0xFFFFFFFF  }
0xc2: {  	_ =	task.clear_ibuf [dreg:s7], $0x2FFFF;
	_ =	strace $0x9FFFFFFF  }
0xc3: {  	(tm) =	ssettm $0x7FFFFFFF  }
tec
execute0_lowered:
.L_overlay_start_1:
0x0: {  	(tag) =	ssettag $0x1  }
0x1: {  	s1 =	rddreg [dreg:$0x0]  }
0x2: {  	s0 =	rddreg [dreg:$0x1]  }
0x3: {  	s2 =	rddreg [dreg:$0x2];
	s3 =	srdreg.scid  }
0x4: {  	s4 =	simm.s32 $0x0;
	s9 =	stileid.u32;
	s17 =	simm.s32 $0xEA60  }
0x5: {  	s18 =	simm.s32 $0x6;
	s20 =	simm.s32 $0x50;
	s21 =	simm.s32 $0xFE60  }
0x6: {  	s23 =	simm.s32 $0x11260;
	s26 =	simm.s32 $0x12660;
	s29 =	simm.s32 $0x13A60  }
0x7: {  	s30 =	simm.s32 $0x1;
	s31 =	simm.s32 $0x2;
	s19 =	simm.s32 $0x4  }
0x8: {  	s3 =	sand.u32 $0x1, s3;
	[smem:$0x7FF] =	sst s4;
	s8 =	smul.u32 $0x9C00, s9  }
0x9: {  	s5 =	smul.u32 $0x9C400, s3;
	s6 =	sshll.u32 s3, $0x4;
	_ =	strace $0x80000050  }
0xa: {  	s3 =	ssub.s32 $0x2, s3;
	s6 =	sor.u32 s9, s6;
	s9 =	smul.u32 $0x27000, s9  }
0xb: {  	s7 =	sshrl.u32 s3, $0x1;
	s28 =	sadd.s32 s8, s2;
	s6 =	smul.u32 $0x4E2, s6  }
0xc: {  	s5 =	sadd.s32 s8, s5;
	s3 =	ssub.s32 s3, s7;
	s25 =	sshrl.u32 s28, $0x3  }
0xd: {  	s5 =	sshrl.u32 s5, $0x3;
	s9 =	sshrl.u32 s9, $0x2;
	s6 =	sadd.s32 s6, s0  }
0xe: {  	s0 =	sadd.s32 s5, s0;
	s8 =	sadd.s32 s9, s2;
	s9 =	smax.u32 s3, $0x1  }
0xf: {  	s3 =	simm.s32 $0x5;
	s5 =	sadd.s32 $0x2600, s6;
	s6 =	sadd.s32 $0xC400, s6  }
0x10: {  	s7 =	sadd.s32 $0x16200, s0;
	s10 =	sadd.s32 $0x1400, s8;
	s11 =	sadd.s32 $0x2800, s8  }
0x11: {  	s12 =	sadd.s32 $0x3C00, s8;
	s13 =	sadd.s32 $0x5000, s8;
	s14 =	sadd.s32 $0x6400, s8  }
0x12: {  	v0 =	vimm.f32 $0.0e+00;
	s15 =	sadd.s32 $0x7800, s8;
	s16 =	sadd.s32 $0x8C00, s8;
	s0 =	simm.s32 $0x3  }
.LBB2_1:
0x13: {  	s28 =	simm.s32 $0x100;
	s22 =	simm.s32 $0x0  }
.LBB2_2:
0x14: {  	p0 =	sne.s32 s28, $0x4F00;
	[tilespmem:s22+$0xEA90] =	vst v0;
	s24 =	smov.u32 s28;
	s28 =	sadd.s32 $0x100, s28  }
.Ltmp0:
0x15: {  	[tilespmem:s22+$0xEA80] =	vst v0;
	(pc) =	sbr.rel @p0 .LBB2_2-.Ltmp0, $3  }
0x16: {  	[tilespmem:s22+$0xEA60] =	vst v0  }
0x17: {  	[tilespmem:s22+$0xEA70] =	vst v0;
	_ =	sdelay $0x1  }
0x18: {  	s22 =	sshra.s32 s24, $0x2  }
0x19: {  	[tilespmem:s22+$0xEA90] =	vst v0  }
0x1a: {  	[tilespmem:s22+$0xEA80] =	vst v0  }
0x1b: {  	[tilespmem:s22+$0xEA60] =	vst v0  }
0x1c: {  	[tilespmem:s22+$0xEA70] =	vst v0  }
0x1d: {  	[spmem:s8] =	stream.linear.scatter [tilespmem:s17], [sflag:$0x6], $0x1400, $0x38;
	[tilespmem:$0x14E60] =	vst v63  }
0x1e: {  	_ =	swait.ge [sflag:s18], $0x1400  }
0x1f: {  	[sflag:s18] =	ssyncset.done $0x0  }
0x20: {  	[sflag:s18] =	ssyncadd.s32 $0xFFFFEC00  }
0x21: {  	[spmem:s10] =	stream.linear.scatter [tilespmem:s17], [sflag:$0x6], $0x1400, $0x38;
	[tilespmem:$0x14E60] =	vst v63  }
0x22: {  	_ =	swait.ge [sflag:s18], $0x1400  }
0x23: {  	[sflag:s18] =	ssyncset.done $0x0  }
0x24: {  	[sflag:s18] =	ssyncadd.s32 $0xFFFFEC00  }
0x25: {  	[spmem:s11] =	stream.linear.scatter [tilespmem:s17], [sflag:$0x6], $0x1400, $0x38;
	[tilespmem:$0x14E60] =	vst v63  }
0x26: {  	_ =	swait.ge [sflag:s18], $0x1400  }
0x27: {  	[sflag:s18] =	ssyncset.done $0x0  }
0x28: {  	[sflag:s18] =	ssyncadd.s32 $0xFFFFEC00  }
0x29: {  	[spmem:s12] =	stream.linear.scatter [tilespmem:s17], [sflag:$0x6], $0x1400, $0x38;
	[tilespmem:$0x14E60] =	vst v63  }
0x2a: {  	_ =	swait.ge [sflag:s18], $0x1400  }
0x2b: {  	[sflag:s18] =	ssyncset.done $0x0  }
0x2c: {  	[sflag:s18] =	ssyncadd.s32 $0xFFFFEC00  }
0x2d: {  	[spmem:s13] =	stream.linear.scatter [tilespmem:s17], [sflag:$0x6], $0x1400, $0x38;
	[tilespmem:$0x14E60] =	vst v63  }
0x2e: {  	_ =	swait.ge [sflag:s18], $0x1400  }
0x2f: {  	[sflag:s18] =	ssyncset.done $0x0  }
0x30: {  	[sflag:s18] =	ssyncadd.s32 $0xFFFFEC00  }
0x31: {  	[spmem:s14] =	stream.linear.scatter [tilespmem:s17], [sflag:$0x6], $0x1400, $0x38;
	[tilespmem:$0x14E60] =	vst v63  }
0x32: {  	_ =	swait.ge [sflag:s18], $0x1400  }
0x33: {  	[sflag:s18] =	ssyncset.done $0x0  }
0x34: {  	[sflag:s18] =	ssyncadd.s32 $0xFFFFEC00  }
0x35: {  	[spmem:s15] =	stream.linear.scatter [tilespmem:s17], [sflag:$0x6], $0x1400, $0x38;
	[tilespmem:$0x14E60] =	vst v63  }
0x36: {  	_ =	swait.ge [sflag:s18], $0x1400  }
0x37: {  	[sflag:s18] =	ssyncset.done $0x0  }
0x38: {  	[sflag:s18] =	ssyncadd.s32 $0xFFFFEC00  }
0x39: {  	[spmem:s16] =	stream.linear.scatter [tilespmem:s17], [sflag:$0x6], $0x1400, $0x38;
	[tilespmem:$0x14E60] =	vst v63  }
0x3a: {  	_ =	swait.ge [sflag:s18], $0x1400  }
0x3b: {  	[sflag:s18] =	ssyncset.done $0x0  }
0x3c: {  	s22 =	simm.s32 $0x0;
	[sflag:s18] =	ssyncadd.s32 $0xFFFFEC00  }
0x3d: {  	[tilespmem:s22], [sflag:$0x6] =	stream.linear.gather [hbm4b:s5+s22], $0x2710, $0x38;
	[tilespmem:$0x14E60] =	vst v63  }
0x3e: {  	_ =	swait.ge [sflag:s18], $0x2710  }
0x3f: {  	[sflag:s18] =	ssyncset.done $0x0  }
0x40: {  	s24 =	simm.s32 $0x2710;
	[sflag:s18] =	ssyncadd.s32 $0xFFFFD8F0  }
0x41: {  	[tilespmem:s24], [sflag:$0x6] =	stream.linear.gather [hbm4b:s6+s22], $0x2710, $0x38;
	[tilespmem:$0x14E60] =	vst v63  }
0x42: {  	_ =	swait.ge [sflag:s18], $0x2710  }
0x43: {  	[sflag:s18] =	ssyncset.done $0x0  }
0x44: {  	[sflag:s18] =	ssyncadd.s32 $0xFFFFD8F0  }
0x45: {  	[bflag:$0x0] =	sbarrier.arrive $0xFFFF  }
0x46: {  	[tilespmem:s17], [sflag:$0x1] =	stream.indirect.gather [hbm4b:s1+s20], $0x40, s22, s20, $0xb8;
	[tilespmem:$0x14E60] =	vst v63  }
0x47: {  	_ = 	snop  }
0x48: {  	[tilespmem:s21], [sflag:$0x2] =	stream.indirect.gather [hbm4b:s1+s20], $0x40, s20, s20, $0xb8;
	[tilespmem:$0x14E60] =	vst v63  }
0x49: {  	s24 =	simm.s32 $0xA0  }
0x4a: {  	[tilespmem:s23], [sflag:$0x3] =	stream.indirect.gather [hbm4b:s1+s20], $0x40, s24, s20, $0xb8;
	[tilespmem:$0x14E60] =	vst v63  }
0x4b: {  	s24 =	simm.s32 $0xF0  }
0x4c: {  	[tilespmem:s26], [sflag:$0x4] =	stream.indirect.gather [hbm4b:s1+s20], $0x40, s24, s20, $0xb8;
	[tilespmem:$0x14E60] =	vst v63  }
0x4d: {  	s24 =	simm.s32 $0x140  }
0x4e: {  	[tilespmem:s29], [sflag:$0x5] =	stream.indirect.gather [hbm4b:s1+s20], $0x40, s24, s20, $0xb8;
	[tilespmem:$0x14E60] =	vst v63  }
0x4f: {  	_ =	swait.ge [sflag:s30], $0x1400  }
0x50: {  	[sflag:s30] =	ssyncset.done $0x0  }
0x51: {  	s24 =	simm.s32 $0x2710;
	[sflag:s30] =	ssyncadd.s32 $0xFFFFEC00  }
0x52: {  	[spmem:s2] =	stream.indirect.scatter.add.f32 [tilespmem:s17], [sflag:$0x6], $0x40, s24, s20, $0xb8;
	[tilespmem:$0x14E60] =	vst v63  }
0x53: {  	_ =	swait.ge [sflag:s18], $0x1400  }
0x54: {  	[sflag:s18] =	ssyncset.done $0x0  }
0x55: {  	s24 =	simm.s32 $0x190;
	[sflag:s18] =	ssyncadd.s32 $0xFFFFEC00  }
0x56: {  	[tilespmem:s17], [sflag:$0x1] =	stream.indirect.gather [hbm4b:s1+s20], $0x40, s24, s20, $0xb8;
	[tilespmem:$0x14E60] =	vst v63  }
0x57: {  	_ =	swait.ge [sflag:s31], $0x1400  }
0x58: {  	[sflag:s31] =	ssyncset.done $0x0  }
0x59: {  	s24 =	simm.s32 $0x2760;
	[sflag:s31] =	ssyncadd.s32 $0xFFFFEC00  }
0x5a: {  	[spmem:s2] =	stream.indirect.scatter.add.f32 [tilespmem:s21], [sflag:$0x6], $0x40, s24, s20, $0xb8;
	[tilespmem:$0x14E60] =	vst v63  }
0x5b: {  	_ =	swait.ge [sflag:s18], $0x1400  }
0x5c: {  	[sflag:s18] =	ssyncset.done $0x0  }
0x5d: {  	s24 =	simm.s32 $0x1E0;
	[sflag:s18] =	ssyncadd.s32 $0xFFFFEC00  }
0x5e: {  	[tilespmem:s21], [sflag:$0x2] =	stream.indirect.gather [hbm4b:s1+s20], $0x40, s24, s20, $0xb8;
	[tilespmem:$0x14E60] =	vst v63  }
0x5f: {  	_ =	swait.ge [sflag:s0], $0x1400  }
0x60: {  	[sflag:s0] =	ssyncset.done $0x0  }
0x61: {  	s24 =	simm.s32 $0x27B0;
	[sflag:s0] =	ssyncadd.s32 $0xFFFFEC00  }
0x62: {  	[spmem:s2] =	stream.indirect.scatter.add.f32 [tilespmem:s23], [sflag:$0x6], $0x40, s24, s20, $0xb8;
	[tilespmem:$0x14E60] =	vst v63  }
0x63: {  	_ =	swait.ge [sflag:s18], $0x1400  }
0x64: {  	[sflag:s18] =	ssyncset.done $0x0  }
0x65: {  	s24 =	simm.s32 $0x230;
	[sflag:s18] =	ssyncadd.s32 $0xFFFFEC00  }
0x66: {  	[tilespmem:s23], [sflag:$0x3] =	stream.indirect.gather [hbm4b:s1+s20], $0x40, s24, s20, $0xb8;
	[tilespmem:$0x14E60] =	vst v63  }
0x67: {  	_ =	swait.ge [sflag:s19], $0x1400  }
0x68: {  	[sflag:s19] =	ssyncset.done $0x0  }
0x69: {  	s24 =	simm.s32 $0x2800;
	[sflag:s19] =	ssyncadd.s32 $0xFFFFEC00  }
0x6a: {  	[spmem:s2] =	stream.indirect.scatter.add.f32 [tilespmem:s26], [sflag:$0x6], $0x40, s24, s20, $0xb8;
	[tilespmem:$0x14E60] =	vst v63  }
0x6b: {  	_ =	swait.ge [sflag:s18], $0x1400  }
0x6c: {  	[sflag:s18] =	ssyncset.done $0x0  }
0x6d: {  	s24 =	simm.s32 $0x280;
	[sflag:s18] =	ssyncadd.s32 $0xFFFFEC00  }
0x6e: {  	[tilespmem:s26], [sflag:$0x4] =	stream.indirect.gather [hbm4b:s1+s20], $0x40, s24, s20, $0xb8;
	[tilespmem:$0x14E60] =	vst v63  }
0x6f: {  	_ =	swait.ge [sflag:s3], $0x1400  }
0x70: {  	[sflag:s3] =	ssyncset.done $0x0  }
0x71: {  	s24 =	simm.s32 $0x2850;
	[sflag:s3] =	ssyncadd.s32 $0xFFFFEC00  }
0x72: {  	[spmem:s2] =	stream.indirect.scatter.add.f32 [tilespmem:s29], [sflag:$0x6], $0x40, s24, s20, $0xb8;
	[tilespmem:$0x14E60] =	vst v63  }
0x73: {  	_ =	swait.ge [sflag:s18], $0x1400  }
0x74: {  	[sflag:s18] =	ssyncset.done $0x0  }
0x75: {  	s28 =	simm.s32 $0x640;
	s22 =	simm.s32 $0x2D0;
	[sflag:s18] =	ssyncadd.s32 $0xFFFFEC00  }
.LBB2_4:
0x76: {  	[tilespmem:s29], [sflag:$0x5] =	stream.indirect.gather [hbm4b:s1+s20], $0x40, s22, s20, $0xb8;
	[tilespmem:$0x14E60] =	vst v63  }
0x77: {  	s22 =	smov.u32 s28  }
0x78: {  	p0 =	sne.s32 s28, $0x8FC0;
	s28 =	sadd.s32 $0x640, s28;
	_ =	swait.ge [sflag:s30], $0x1400  }
0x79: {  	s22 =	sshra.s32 s22, $0x2;
	[sflag:s30] =	ssyncset.done $0x0  }
0x7a: {  	s24 =	sadd.s32 $0x2710, s22;
	[sflag:s30] =	ssyncadd.s32 $0xFFFFEC00  }
0x7b: {  	[spmem:s2] =	stream.indirect.scatter.add.f32 [tilespmem:s17], [sflag:$0x6], $0x40, s24, s20, $0xb8;
	[tilespmem:$0x14E60] =	vst v63  }
0x7c: {  	_ =	swait.ge [sflag:s18], $0x1400  }
0x7d: {  	[sflag:s18] =	ssyncset.done $0x0  }
0x7e: {  	s24 =	sadd.s32 $0x190, s22;
	[sflag:s18] =	ssyncadd.s32 $0xFFFFEC00  }
0x7f: {  	[tilespmem:s17], [sflag:$0x1] =	stream.indirect.gather [hbm4b:s1+s20], $0x40, s24, s20, $0xb8;
	[tilespmem:$0x14E60] =	vst v63  }
0x80: {  	_ =	swait.ge [sflag:s31], $0x1400  }
0x81: {  	[sflag:s31] =	ssyncset.done $0x0  }
0x82: {  	s24 =	sadd.s32 $0x2760, s22;
	[sflag:s31] =	ssyncadd.s32 $0xFFFFEC00  }
0x83: {  	[spmem:s2] =	stream.indirect.scatter.add.f32 [tilespmem:s21], [sflag:$0x6], $0x40, s24, s20, $0xb8;
	[tilespmem:$0x14E60] =	vst v63  }
0x84: {  	_ =	swait.ge [sflag:s18], $0x1400  }
0x85: {  	[sflag:s18] =	ssyncset.done $0x0  }
0x86: {  	s24 =	sadd.s32 $0x1E0, s22;
	[sflag:s18] =	ssyncadd.s32 $0xFFFFEC00  }
0x87: {  	[tilespmem:s21], [sflag:$0x2] =	stream.indirect.gather [hbm4b:s1+s20], $0x40, s24, s20, $0xb8;
	[tilespmem:$0x14E60] =	vst v63  }
0x88: {  	_ =	swait.ge [sflag:s0], $0x1400  }
0x89: {  	[sflag:s0] =	ssyncset.done $0x0  }
0x8a: {  	s24 =	sadd.s32 $0x27B0, s22;
	[sflag:s0] =	ssyncadd.s32 $0xFFFFEC00  }
0x8b: {  	[spmem:s2] =	stream.indirect.scatter.add.f32 [tilespmem:s23], [sflag:$0x6], $0x40, s24, s20, $0xb8;
	[tilespmem:$0x14E60] =	vst v63  }
0x8c: {  	_ =	swait.ge [sflag:s18], $0x1400  }
0x8d: {  	[sflag:s18] =	ssyncset.done $0x0  }
0x8e: {  	s24 =	sadd.s32 $0x230, s22;
	[sflag:s18] =	ssyncadd.s32 $0xFFFFEC00  }
0x8f: {  	[tilespmem:s23], [sflag:$0x3] =	stream.indirect.gather [hbm4b:s1+s20], $0x40, s24, s20, $0xb8;
	[tilespmem:$0x14E60] =	vst v63  }
0x90: {  	_ =	swait.ge [sflag:s19], $0x1400  }
0x91: {  	[sflag:s19] =	ssyncset.done $0x0  }
0x92: {  	s24 =	sadd.s32 $0x2800, s22;
	[sflag:s19] =	ssyncadd.s32 $0xFFFFEC00  }
0x93: {  	[spmem:s2] =	stream.indirect.scatter.add.f32 [tilespmem:s26], [sflag:$0x6], $0x40, s24, s20, $0xb8;
	[tilespmem:$0x14E60] =	vst v63  }
0x94: {  	_ =	swait.ge [sflag:s18], $0x1400  }
0x95: {  	[sflag:s18] =	ssyncset.done $0x0  }
0x96: {  	s24 =	sadd.s32 $0x280, s22;
	[sflag:s18] =	ssyncadd.s32 $0xFFFFEC00  }
0x97: {  	[tilespmem:s26], [sflag:$0x4] =	stream.indirect.gather [hbm4b:s1+s20], $0x40, s24, s20, $0xb8;
	[tilespmem:$0x14E60] =	vst v63  }
0x98: {  	_ =	swait.ge [sflag:s3], $0x1400  }
0x99: {  	[sflag:s3] =	ssyncset.done $0x0  }
.Ltmp1:
0x9a: {  	s24 =	sadd.s32 $0x2850, s22;
	[sflag:s3] =	ssyncadd.s32 $0xFFFFEC00;
	(pc) =	sbr.rel @p0 .LBB2_4-.Ltmp1, $4  }
0x9b: {  	[spmem:s2] =	stream.indirect.scatter.add.f32 [tilespmem:s29], [sflag:$0x6], $0x40, s24, s20, $0xb8;
	[tilespmem:$0x14E60] =	vst v63  }
0x9c: {  	_ =	swait.ge [sflag:s18], $0x1400  }
0x9d: {  	[sflag:s18] =	ssyncset.done $0x0  }
0x9e: {  	s22 =	sadd.s32 $0x2D0, s22;
	[sflag:s18] =	ssyncadd.s32 $0xFFFFEC00  }
0x9f: {  	[tilespmem:s29], [sflag:$0x5] =	stream.indirect.gather [hbm4b:s1+s20], $0x40, s22, s20, $0xb8;
	[tilespmem:$0x14E60] =	vst v63  }
0xa0: {  	_ =	swait.ge [sflag:s30], $0x1400  }
0xa1: {  	[sflag:s30] =	ssyncset.done $0x0  }
0xa2: {  	s24 =	simm.s32 $0x4C90;
	[sflag:s30] =	ssyncadd.s32 $0xFFFFEC00  }
0xa3: {  	[spmem:s2] =	stream.indirect.scatter.add.f32 [tilespmem:s17], [sflag:$0x6], $0x40, s24, s20, $0xb8;
	[tilespmem:$0x14E60] =	vst v63  }
0xa4: {  	_ =	swait.ge [sflag:s18], $0x1400  }
0xa5: {  	[sflag:s18] =	ssyncset.done $0x0  }
0xa6: {  	[sflag:s18] =	ssyncadd.s32 $0xFFFFEC00  }
0xa7: {  	_ =	swait.ge [sflag:s31], $0x1400  }
0xa8: {  	[sflag:s31] =	ssyncset.done $0x0  }
0xa9: {  	s28 =	simm.s32 $0x4CE0;
	[sflag:s31] =	ssyncadd.s32 $0xFFFFEC00  }
0xaa: {  	[spmem:s2] =	stream.indirect.scatter.add.f32 [tilespmem:s21], [sflag:$0x6], $0x40, s28, s20, $0xb8;
	[tilespmem:$0x14E60] =	vst v63  }
0xab: {  	_ =	swait.ge [sflag:s18], $0x1400  }
0xac: {  	[sflag:s18] =	ssyncset.done $0x0  }
0xad: {  	[sflag:s18] =	ssyncadd.s32 $0xFFFFEC00  }
0xae: {  	_ =	swait.ge [sflag:s0], $0x1400  }
0xaf: {  	[sflag:s0] =	ssyncset.done $0x0  }
0xb0: {  	s24 =	simm.s32 $0x4D30;
	[sflag:s0] =	ssyncadd.s32 $0xFFFFEC00  }
0xb1: {  	[spmem:s2] =	stream.indirect.scatter.add.f32 [tilespmem:s23], [sflag:$0x6], $0x40, s24, s20, $0xb8;
	[tilespmem:$0x14E60] =	vst v63  }
0xb2: {  	_ =	swait.ge [sflag:s18], $0x1400  }
0xb3: {  	[sflag:s18] =	ssyncset.done $0x0  }
0xb4: {  	[sflag:s18] =	ssyncadd.s32 $0xFFFFEC00  }
0xb5: {  	_ =	swait.ge [sflag:s19], $0x1400  }
0xb6: {  	[sflag:s19] =	ssyncset.done $0x0  }
0xb7: {  	s28 =	simm.s32 $0x4D80;
	[sflag:s19] =	ssyncadd.s32 $0xFFFFEC00  }
0xb8: {  	[spmem:s2] =	stream.indirect.scatter.add.f32 [tilespmem:s26], [sflag:$0x6], $0x40, s28, s20, $0xb8;
	[tilespmem:$0x14E60] =	vst v63  }
0xb9: {  	_ =	swait.ge [sflag:s18], $0x1400  }
0xba: {  	[sflag:s18] =	ssyncset.done $0x0  }
0xbb: {  	[sflag:s18] =	ssyncadd.s32 $0xFFFFEC00  }
0xbc: {  	_ =	swait.ge [sflag:s3], $0x1400  }
0xbd: {  	[sflag:s3] =	ssyncset.done $0x0  }
0xbe: {  	s24 =	simm.s32 $0x4DD0;
	[sflag:s3] =	ssyncadd.s32 $0xFFFFEC00  }
0xbf: {  	[spmem:s2] =	stream.indirect.scatter.add.f32 [tilespmem:s29], [sflag:$0x6], $0x40, s24, s20, $0xb8;
	[tilespmem:$0x14E60] =	vst v63  }
0xc0: {  	_ =	swait.ge [sflag:s18], $0x1400  }
0xc1: {  	s4 =	sadd.s32 $0x1, s4;
	s28 =	stileid.u32;
	[sflag:s18] =	ssyncset.done $0x0  }
0xc2: {  	p0 =	sne.s32 s4, s9;
	s22 =	sshll.u32 s28, $0x6;
	[sflag:s18] =	ssyncadd.s32 $0xFFFFEC00  }
.Ltmp2:
0xc3: {  	s22 =	sor.u32 $0x1C06, s22;
	[bflag:$0x0] =	sbarrier.arrive $0xFFFF;
	(pc) =	sbr.rel @p0 .LBB2_1-.Ltmp2, $4  }
0xc4: {  	[hbm:s7], [sflag:s22] =	dma.local [spmem:s25], $0x1400  }
0xc5: {  	_ =	swait.ge [sflag:s18], $0x1400  }
0xc6: {  	[sflag:s18] =	ssyncset.done $0x0  }
0xc7: {  	[sflag:s18] =	ssyncadd.s32 $0xFFFFEC00  }
0xc8: {  	_ =	sfence.sel $0x180000  }
0xc9: {  	[bflag:$0x0] =	sbarrier.arrive $0xFFFF  }
0xca: {  	_ =	strace $0x90000050  }
0xcb: {  	s0 =	stileid.u32;
	[bflag:$0x2] =	sbarrier.arrive $0xFFFF  }
0xcc: {  	p0 =	sne.s32 s0, $0x0;
	s0 =	rddreg [dreg:$0x3]  }
0xcd: {  	s0 =	sadd.s32 @!p0 $0x100000, s0  }
0xce: {  	[sflag:s0] =	ssyncadd.tile.s32 @!p0 $0x1;
	_ =	shalt  }
.Lfunc_end2:
_tile_overlayer_lowered:
.L_overlay_start_2:
0xcf: {  	(tag) =	ssettag $0x2  }
0xd0: {  	s0 =	rddreg [dreg:$0x0];
	s2 =	stileid.u32  }
0xd1: {  	s1 =	rddreg [dreg:$0x1];
	p0 =	sne.s32 s2, $0x0  }
0xd2: {  	s3 =	rddreg [dreg:$0x2];
	[bflag:$0x3] =	sbarrier.arrive $0xFFFF;
	s2 =	simm.s32 @!p0 $0x1C06  }
0xd3: {  	[timem:s3], [sflag:s2] =	dma.local @!p0 [hbm:s0], s1  }
0xd4: {  	s0 =	simm.s32 @!p0 $0x6  }
0xd5: {  	_ =	swait.ge @!p0 [sflag:s0], s1  }
0xd6: {  	s1 =	ssub.s32 @!p0 $0x0, s1;
	[sflag:s0] =	ssyncset.done @!p0 $0x0  }
0xd7: {  	[sflag:s0] =	ssyncadd.s32 @!p0 s1  }
0xd8: {  	[bflag:$0x3] =	sbarrier.arrive $0xFFFF  }
0xd9: {  	_ =	shalt  }

</sc_bundles>
